<compile_context>
chip_gen: v7x
topology: tpu7x:2x2x1
jax: 0.10.2.dev20260603
libtpu: 0.0.44.dev20260713+nightly
codegen_flags: <defaults>
</compile_context>

<pallas_src>
import functools

import numpy as np
import jax
import jax.numpy as jnp
from jax import lax
from jax.experimental import pallas as pl
from jax.experimental.pallas import tpu as pltpu
from jax.experimental.pallas import tpu_sc as plsc

N = 65536
D = 64
_A = np.float32(0.98)
_OMA = np.float32(1.0 - 0.98)
_H = np.sqrt(np.float32(1.0 - 0.98 ** 2))
_H2 = np.float32(_H * _H)
_LO = np.nextafter(np.float32(-1.0), np.float32(0.0), dtype=np.float32)
_DELTA = np.float32(np.float32(1.0) - _LO)
_SQRT2 = np.float32(np.sqrt(2.0))


_R0 = (13, 15, 26, 6)
_R1 = (17, 29, 16, 24)


def _rotl(x, r):
  return (x << jnp.uint32(r)) | (x >> jnp.uint32(32 - r))


def _tf_group(x0, x1, rots):
  for r in rots:
    x0 = x0 + x1
    x1 = _rotl(x1, r)
    x1 = x0 ^ x1
  return x0, x1


def _threefry2x32(ks0, ks1, c0, c1):
  ks2 = ks0 ^ ks1 ^ jnp.uint32(0x1BD11BDA)
  x0 = c0 + ks0
  x1 = c1 + ks1
  x0, x1 = _tf_group(x0, x1, _R0)
  x0 = x0 + ks1
  x1 = x1 + ks2 + jnp.uint32(1)
  x0, x1 = _tf_group(x0, x1, _R1)
  x0 = x0 + ks2
  x1 = x1 + ks0 + jnp.uint32(2)
  x0, x1 = _tf_group(x0, x1, _R0)
  x0 = x0 + ks0
  x1 = x1 + ks1 + jnp.uint32(3)
  x0, x1 = _tf_group(x0, x1, _R1)
  x0 = x0 + ks1
  x1 = x1 + ks2 + jnp.uint32(4)
  x0, x1 = _tf_group(x0, x1, _R0)
  x0 = x0 + ks2
  x1 = x1 + ks0 + jnp.uint32(5)
  return x0, x1


def _random_bits_32(ks0, ks1, linear_index_u32):
  o0, o1 = _threefry2x32(ks0, ks1, jnp.uint32(0), linear_index_u32)
  return o0 ^ o1


def _bits_to_unit_float(bits):
  fb = (bits >> jnp.uint32(9)) | jnp.uint32(0x3F800000)
  return lax.bitcast_convert_type(fb, jnp.float32) - jnp.float32(1.0)



_ERFINV_P = (3.20952757e-04, -5.89907452e-03, 4.35519785e-02, -1.61653791e-01,
             3.06063571e-01, -2.90852599e-01, 3.82224641e-01, -3.53325403e-02,
             8.88815239e-01)


def _erfinv(x):
  w = -jnp.log((jnp.float32(1.0) - x) * (jnp.float32(1.0) + x))
  s = jnp.sqrt(w)
  p = jnp.float32(_ERFINV_P[0])
  for c in _ERFINV_P[1:]:
    p = p * s + jnp.float32(c)
  return p * x



_BCS = 16384


def _stats_body(xt_ref, w_ref, mu_ref, l_ref, m_sc, mu_sc, s_sc):
  i = pl.program_id(0)

  @pl.when(i == 0)
  def _():
    m_sc[...] = jnp.zeros_like(m_sc)
    mu_sc[...] = jnp.zeros_like(mu_sc)
    s_sc[0, 0] = jnp.float32(0.0)

  xt = xt_ref[...]
  w = w_ref[...]
  y = xt * w
  m_sc[...] += lax.dot_general(y, xt, (((1,), (1,)), ((), ())),
                               preferred_element_type=jnp.float32)
  mu_sc[...] += jnp.sum(y, axis=1, keepdims=True)
  s_sc[0, 0] += jnp.sum(w)

  @pl.when(i == pl.num_programs(0) - 1)
  def _():
    mu = mu_sc[...]
    s = s_sc[0, 0]
    outer = lax.dot_general(mu, mu, (((1,), (1,)), ((), ())),
                            preferred_element_type=jnp.float32)
    cov = (m_sc[...] - (jnp.float32(2.0) - s) * outer) * _H2
    rows = lax.broadcasted_iota(jnp.int32, (D, D), 0)
    cols = lax.broadcasted_iota(jnp.int32, (D, D), 1)
    rcol = lax.broadcasted_iota(jnp.int32, (D, 1), 0)

    def chol_step(j, lmat):
      lrow = jnp.sum(jnp.where(rows == j, lmat, 0.0), axis=0,
                     keepdims=True)
      v = jnp.sum(lmat * lrow, axis=1, keepdims=True)
      acol = jnp.sum(jnp.where(cols == j, cov, 0.0), axis=1,
                     keepdims=True)
      c = acol - v
      diag = jnp.sum(jnp.where(rcol == j, c, 0.0))
      newcol = c / jnp.sqrt(diag)
      return jnp.where((cols == j) & (rows >= j), newcol, lmat)

    l_ref[...] = lax.fori_loop(0, D, chol_step,
                               jnp.zeros((D, D), jnp.float32))
    mu_ref[...] = mu


def _stats_chol(particles_t, w_row):
  return pl.pallas_call(
      _stats_body,
      grid=(N // _BCS,),
      in_specs=[
          pl.BlockSpec((D, _BCS), lambda i: (0, i)),
          pl.BlockSpec((1, _BCS), lambda i: (0, i)),
      ],
      out_specs=[
          pl.BlockSpec((D, 1), lambda i: (0, 0)),
          pl.BlockSpec((D, D), lambda i: (0, 0)),
      ],
      out_shape=[
          jax.ShapeDtypeStruct((D, 1), jnp.float32),
          jax.ShapeDtypeStruct((D, D), jnp.float32),
      ],
      scratch_shapes=[
          pltpu.VMEM((D, D), jnp.float32),
          pltpu.VMEM((D, 1), jnp.float32),
          pltpu.SMEM((1, 1), jnp.float32),
      ],
  )(particles_t, w_row)



_NW = 32
_SPW = N // _NW
_CH = 128
_NCH = _SPW // _CH


def _sc_body(pc_hbm, x_hbm, k_hbm, plast_hbm, out_hbm,
             pc_v, idx_v, k_v, plast_v, buf0, buf1, gsem, wsem):
  wid = lax.axis_index("s") * 2 + lax.axis_index("c")
  base = wid * _SPW
  pltpu.sync_copy(pc_hbm, pc_v)
  pltpu.sync_copy(k_hbm, k_v)
  pltpu.sync_copy(plast_hbm, plast_v)
  k0 = k_v[pl.ds(0, 16)]
  k1 = k_v[pl.ds(16, 16)]
  plast = plast_v[...]

  def qbody(c, carry):
    e = jnp.full((16,), base, jnp.int32) + c * 16 + lax.iota(jnp.int32, 16)
    bits = _random_bits_32(k0, k1, e.astype(jnp.uint32))
    u = _bits_to_unit_float(bits)
    r = plast * (jnp.float32(1.0) - u)

    def sstep(t, lh):
      lo, hi = lh
      mid = (lo + hi) >> 1
      cm = plsc.load_gather(pc_v, [mid])
      pred = cm < r
      return (jnp.where(pred, mid + 1, lo), jnp.where(pred, hi, mid))

    lo, _ = lax.fori_loop(0, 17, sstep,
                          (jnp.zeros((16,), jnp.int32),
                           jnp.full((16,), N, jnp.int32)))
    idx_v[pl.ds(c * 16, 16)] = lo
    return carry

  lax.fori_loop(0, _SPW // 16, qbody, 0)

  bufs = (buf0, buf1)
  gathers = [None] * _NCH
  writes = [None] * _NCH
  gathers[0] = pltpu.async_copy(x_hbm.at[idx_v.at[pl.ds(0, _CH)]], buf0, gsem)
  for g in range(_NCH):
    gathers[g].wait()
    if g + 1 < _NCH:
      if g >= 1:
        writes[g - 1].wait()
      gathers[g + 1] = pltpu.async_copy(
          x_hbm.at[idx_v.at[pl.ds((g + 1) * _CH, _CH)]],
          bufs[(g + 1) % 2], gsem)
    half = base // (N // 2)
    r0 = base - half * (N // 2) + g * _CH
    writes[g] = pltpu.async_copy(
        bufs[g % 2], out_hbm.at[pl.ds(r0, _CH), pl.ds(half * D, D)], wsem)
  writes[_NCH - 2].wait()
  writes[_NCH - 1].wait()


def _sc_sample(p_cuml, particles, kvec, plast_vec):
  mesh = plsc.VectorSubcoreMesh(core_axis_name="c", subcore_axis_name="s")
  f = pl.kernel(
      _sc_body,
      out_type=jax.ShapeDtypeStruct((N // 2, 2 * D), jnp.float32),
      mesh=mesh,
      scratch_types=[
          pltpu.VMEM((N,), jnp.float32),
          pltpu.VMEM((_SPW,), jnp.int32),
          pltpu.VMEM((32,), jnp.uint32),
          pltpu.VMEM((16,), jnp.float32),
          pltpu.VMEM((_CH, D), jnp.float32),
          pltpu.VMEM((_CH, D), jnp.float32),
          pltpu.SemaphoreType.DMA,
          pltpu.SemaphoreType.DMA,
      ],
      compiler_params=pltpu.CompilerParams(needs_layout_passes=False,
                                           use_tc_tiling_on_sc=False),
  )
  return f(p_cuml, particles, kvec, plast_vec)



_BC2 = 256


def _noise_body(k_ref, mu2_ref, lbig_ref, out_ref):
  i = pl.program_id(0)
  ks0 = k_ref[0]
  ks1 = k_ref[1]
  rows = lax.broadcasted_iota(jnp.int32, (_BC2, 2 * D), 0)
  cols = lax.broadcasted_iota(jnp.int32, (_BC2, 2 * D), 1)
  e = ((i * _BC2 + rows) * D
       + ((cols & (D - 1)) + (cols >> 6) * jnp.int32(N * D // 2)))
  bits = _random_bits_32(ks0, ks1, e.astype(jnp.uint32))
  f = _bits_to_unit_float(bits)
  u = jnp.maximum(jnp.float32(_LO), f * jnp.float32(_DELTA) + jnp.float32(_LO))
  z2 = jnp.float32(_SQRT2) * _erfinv(u)
  noise2 = lax.dot_general(z2, lbig_ref[...], (((1,), (0,)), ((), ())),
                           preferred_element_type=jnp.float32)
  out_ref[...] = jnp.float32(_OMA) * mu2_ref[...] + noise2


def _noise(kvec2, mu2, lbig):
  return pl.pallas_call(
      _noise_body,
      grid=(N // (2 * _BC2),),
      in_specs=[
          pl.BlockSpec(memory_space=pltpu.SMEM),
          pl.BlockSpec((1, 2 * D), lambda i: (0, 0)),
          pl.BlockSpec((2 * D, 2 * D), lambda i: (0, 0)),
      ],
      out_specs=pl.BlockSpec((_BC2, 2 * D), lambda i: (i, 0)),
      out_shape=jax.ShapeDtypeStruct((N // 2, 2 * D), jnp.float32),
      compiler_params=pltpu.CompilerParams(
          dimension_semantics=("arbitrary",)),
  )(kvec2, mu2, lbig)


_BF = 4096


def _final_body(chosen_ref, noise_ref, out_ref):
  h = pl.program_id(1)
  s = jnp.float32(_A) * chosen_ref[...] + noise_ref[...]
  half = jnp.where(h == 0, s[:, :D], s[:, D:])
  out_ref[...] = half.T


def _final(chosen2, noise2):
  nb = N // 2 // _BF
  return pl.pallas_call(
      _final_body,
      grid=(nb, 2),
      in_specs=[
          pl.BlockSpec((_BF, 2 * D), lambda j, h: (j, 0)),
          pl.BlockSpec((_BF, 2 * D), lambda j, h: (j, 0)),
      ],
      out_specs=pl.BlockSpec((D, _BF), lambda j, h: (0, h * nb + j)),
      out_shape=jax.ShapeDtypeStruct((D, N), jnp.float32),
      compiler_params=pltpu.CompilerParams(
          dimension_semantics=("arbitrary", "arbitrary")),
  )(chosen2, noise2)



def kernel(key, particles_locations, weights):
  key1, sub1 = jax.random.split(key)
  _, sub2 = jax.random.split(key1)
  kd1 = jax.random.key_data(sub1).astype(jnp.uint32)
  kd2 = jax.random.key_data(sub2).astype(jnp.uint32)

  p_cuml = jnp.cumsum(weights)
  plast_vec = jnp.full((16,), p_cuml[-1], jnp.float32)
  kvec = jnp.concatenate([jnp.full((16,), kd1[0], jnp.uint32),
                          jnp.full((16,), kd1[1], jnp.uint32)])

  chosen = _sc_sample(p_cuml, particles_locations, kvec, plast_vec)
  mu_col, lmat = _stats_chol(particles_locations.T, weights.reshape(1, N))
  mu = mu_col.T
  mu2 = jnp.concatenate([mu, mu], axis=1)
  lt = lmat.T
  zpad = jnp.zeros((D, D), jnp.float32)
  lbig = jnp.block([[lt, zpad], [zpad, lt]])
  noise2 = _noise(kd2, mu2, lbig)
  out_t = _final(chosen, noise2)
  out = out_t.T
  new_weights = jnp.full((N,), np.float32(1.0 / N), jnp.float32)
  return out, new_weights

# --- scband reference (transcript-rebuilt; emitter-appended) ---
"""Pipeline reference for scband-lwresampler-49787260895523 (READ-ONLY COPY).

The authoritative reference and input builder live on the scoring server;
editing this copy changes nothing except your own understanding.
"""

import jax, jax.numpy as jnp
import numpy as np

A = 0.98
N_PARTICLES = 65536
N_PARS = 64


def est_mean(particles, weights):
    # weighted mean over particles: [d]
    return jnp.einsum('n,nd->d', weights, particles)


def est_cov(particles, weights):
    # weighted covariance: [d, d]
    mu = est_mean(particles, weights)
    diff = particles - mu[None, :]
    return jnp.einsum('n,ni,nj->ij', weights, diff, diff)


def setup_inputs(seed: int = 0) -> dict:
    key = jax.random.key(seed)
    k1, k2, k3 = jax.random.split(key, 3)
    particles_locations = jax.random.normal(k1, (N_PARTICLES, N_PARS), dtype=jnp.float32)
    weights = jax.random.uniform(k2, (N_PARTICLES,), dtype=jnp.float32)
    weights = weights / jnp.sum(weights)
    return {
        'key': k3,
        'particles_locations': particles_locations,
        'weights': weights,
    }


def reference(key, particles_locations, weights):
    a = A
    no_particles = particles_locations.shape[0]
    mu = est_mean(particles_locations, weights)
    h = jnp.sqrt(1.0 - a ** 2)
    sigma = est_cov(particles_locations, weights) * h ** 2
    key, subkey = jax.random.split(key)
    chosen = jax.random.choice(subkey, particles_locations, shape=(no_particles,), p=weights)
    new_mu = a * chosen + (1.0 - a) * mu[None, :]
    key, subkey = jax.random.split(key)
    new_particles_location = jax.random.multivariate_normal(
        subkey, new_mu, sigma, shape=(no_particles,))
    new_weights = jnp.ones(no_particles, dtype=jnp.float32) / no_particles
    return (new_particles_location, new_weights)

if __name__ == "__main__":
    import jax
    _d = setup_inputs()
    print(jax.jit(kernel)(*tuple(_d.values())))

</pallas_src>

<mosaic_0001>
#map = affine_map<(d0, d1) -> (0)>
#map1 = affine_map<(d0, d1) -> (0, 0)>
module attributes {stable_mosaic.version = 14 : i64} {
  func.func @_sc_body(%arg0: i32, %arg1: i32, %arg2: memref<65536xf32, #tpu.memory_space<hbm>>, %arg3: memref<65536x64xf32, #tpu.memory_space<hbm>>, %arg4: memref<32xi32, #tpu.memory_space<hbm>>, %arg5: memref<16xf32, #tpu.memory_space<hbm>>, %arg6: memref<32768x128xf32, #tpu.memory_space<hbm>>, %arg7: memref<65536xf32, #tpu.memory_space<vmem>>, %arg8: memref<2048xi32, #tpu.memory_space<vmem>>, %arg9: memref<32xi32, #tpu.memory_space<vmem>>, %arg10: memref<16xf32, #tpu.memory_space<vmem>>, %arg11: memref<128x64xf32, #tpu.memory_space<vmem>>, %arg12: memref<128x64xf32, #tpu.memory_space<vmem>>, %arg13: memref<!tpu.dma_semaphore, #tpu.memory_space<semaphore_mem>>, %arg14: memref<!tpu.dma_semaphore, #tpu.memory_space<semaphore_mem>>) attributes {dimension_semantics = [#tpu.dimension_semantics<core_parallel>, #tpu.dimension_semantics<subcore_parallel>], iteration_bounds = array<i64: 2, 16>, scalar_prefetch = 0 : i64, scratch_operands = 8 : i64, tpu.core_type = #tpu.core_type<sc_vector_subcore>, window_params = [{transform_indices = #map}, {transform_indices = #map1}, {transform_indices = #map}, {transform_indices = #map}, {transform_indices = #map1}]} {
    %mul3A = arith.constant 2 : i32
    %mul3A_0 = arith.muli %arg1, %mul3A : i32
    %add3A = arith.addi %mul3A_0, %arg0 : i32
    %mul3A_1 = arith.constant 2048 : i32
    %mul3A_2 = arith.muli %add3A, %mul3A_1 : i32
    "tpu.region"() ({
      %run_scoped3A = tpu.sem_alloc : memref<!tpu.dma_semaphore, #tpu.memory_space<semaphore_mem>>
      tpu.enqueue_dma source(%arg2 : memref<65536xf32, #tpu.memory_space<hbm>>) target(%arg7 : memref<65536xf32, #tpu.memory_space<vmem>>) target_semaphore(%run_scoped3A : memref<!tpu.dma_semaphore, #tpu.memory_space<semaphore_mem>>)
      tpu.wait_dma2 semaphore(%run_scoped3A : memref<!tpu.dma_semaphore, #tpu.memory_space<semaphore_mem>>) src(%arg2 : memref<65536xf32, #tpu.memory_space<hbm>>) dst(%arg7 : memref<65536xf32, #tpu.memory_space<vmem>>)
      tpu.yield
    }) : () -> ()
    "tpu.region"() ({
      %run_scoped3A = tpu.sem_alloc : memref<!tpu.dma_semaphore, #tpu.memory_space<semaphore_mem>>
      tpu.enqueue_dma source(%arg4 : memref<32xi32, #tpu.memory_space<hbm>>) target(%arg9 : memref<32xi32, #tpu.memory_space<vmem>>) target_semaphore(%run_scoped3A : memref<!tpu.dma_semaphore, #tpu.memory_space<semaphore_mem>>)
      tpu.wait_dma2 semaphore(%run_scoped3A : memref<!tpu.dma_semaphore, #tpu.memory_space<semaphore_mem>>) src(%arg4 : memref<32xi32, #tpu.memory_space<hbm>>) dst(%arg9 : memref<32xi32, #tpu.memory_space<vmem>>)
      tpu.yield
    }) : () -> ()
    "tpu.region"() ({
      %run_scoped3A = tpu.sem_alloc : memref<!tpu.dma_semaphore, #tpu.memory_space<semaphore_mem>>
      tpu.enqueue_dma source(%arg5 : memref<16xf32, #tpu.memory_space<hbm>>) target(%arg10 : memref<16xf32, #tpu.memory_space<vmem>>) target_semaphore(%run_scoped3A : memref<!tpu.dma_semaphore, #tpu.memory_space<semaphore_mem>>)
      tpu.wait_dma2 semaphore(%run_scoped3A : memref<!tpu.dma_semaphore, #tpu.memory_space<semaphore_mem>>) src(%arg5 : memref<16xf32, #tpu.memory_space<hbm>>) dst(%arg10 : memref<16xf32, #tpu.memory_space<vmem>>)
      tpu.yield
    }) : () -> ()
    %get3A = arith.constant 0 : index
    %get3A_3 = tpu.vector_load %arg9[%get3A] {strides = array<i32>} : memref<32xi32, #tpu.memory_space<vmem>>, vector<16xi32>,
    %get3A_4 = arith.constant 16 : index
    %get3A_5 = tpu.vector_load %arg9[%get3A_4] {strides = array<i32>} : memref<32xi32, #tpu.memory_space<vmem>>, vector<16xi32>,
    %get3A_6 = arith.constant 0 : index
    %get3A_7 = tpu.vector_load %arg10[%get3A_6] {strides = array<i32>} : memref<16xf32, #tpu.memory_space<vmem>>, vector<16xf32>,
    %scan3A = arith.constant 0 : i32
    %scan3A_8 = arith.constant 0 : i32
    %scan3A_9 = arith.constant 128 : i32
    %scan3A_10 = arith.addi %scan3A_8, %scan3A_9 : i32
    %scan3A_11 = arith.constant 1 : i32
    scf.for %scan3A_723 = %scan3A_8 to %scan3A_10 step %scan3A_11  : i32 {
      %broadcast_in_dim3A = vector.broadcast %mul3A_2 : i32 to vector<16xi32>
      %mul3A_724 = arith.constant 16 : i32
      %mul3A_725 = arith.muli %scan3A_723, %mul3A_724 : i32
      %add3A_726 = vector.broadcast %mul3A_725 : i32 to vector<16xi32>
      %add3A_727 = arith.addi %broadcast_in_dim3A, %add3A_726 : vector<16xi32>
      %iota3A = tpu.iota {dimensions = array<i32: 0>} : vector<16xi32>
      %add3A_728 = arith.addi %add3A_727, %iota3A : vector<16xi32>
      %xor3A = arith.xori %get3A_3, %get3A_5 : vector<16xi32>
      %xor3A_729 = arith.constant 466688986 : i32
      %xor3A_730 = vector.broadcast %xor3A_729 : i32 to vector<16xi32>
      %xor3A_731 = arith.xori %xor3A, %xor3A_730 : vector<16xi32>
      %add3A_732 = arith.constant 0 : i32
      %add3A_733 = vector.broadcast %add3A_732 : i32 to vector<16xi32>
      %add3A_734 = arith.addi %add3A_733, %get3A_3 : vector<16xi32>
      %add3A_735 = arith.addi %add3A_728, %get3A_5 : vector<16xi32>
      %add3A_736 = arith.addi %add3A_734, %add3A_735 : vector<16xi32>
      %shift_left3A = arith.constant 13 : i32
      %shift_left3A_737 = vector.broadcast %shift_left3A : i32 to vector<16xi32>
      %shift_left3A_738 = arith.shli %add3A_735, %shift_left3A_737 : vector<16xi32>
      %shift_right_logical3A = arith.constant 19 : i32
      %shift_right_logical3A_739 = vector.broadcast %shift_right_logical3A : i32 to vector<16xi32>
      %shift_right_logical3A_740 = arith.shrui %add3A_735, %shift_right_logical3A_739 : vector<16xi32>
      %or3A = arith.ori %shift_left3A_738, %shift_right_logical3A_740 : vector<16xi32>
      %xor3A_741 = arith.xori %add3A_736, %or3A : vector<16xi32>
      %add3A_742 = arith.addi %add3A_736, %xor3A_741 : vector<16xi32>
      %shift_left3A_743 = arith.constant 15 : i32
      %shift_left3A_744 = vector.broadcast %shift_left3A_743 : i32 to vector<16xi32>
      %shift_left3A_745 = arith.shli %xor3A_741, %shift_left3A_744 : vector<16xi32>
      %shift_right_logical3A_746 = arith.constant 17 : i32
      %shift_right_logical3A_747 = vector.broadcast %shift_right_logical3A_746 : i32 to vector<16xi32>
      %shift_right_logical3A_748 = arith.shrui %xor3A_741, %shift_right_logical3A_747 : vector<16xi32>
      %or3A_749 = arith.ori %shift_left3A_745, %shift_right_logical3A_748 : vector<16xi32>
      %xor3A_750 = arith.xori %add3A_742, %or3A_749 : vector<16xi32>
      %add3A_751 = arith.addi %add3A_742, %xor3A_750 : vector<16xi32>
      %shift_left3A_752 = arith.constant 26 : i32
      %shift_left3A_753 = vector.broadcast %shift_left3A_752 : i32 to vector<16xi32>
      %shift_left3A_754 = arith.shli %xor3A_750, %shift_left3A_753 : vector<16xi32>
      %shift_right_logical3A_755 = arith.constant 6 : i32
      %shift_right_logical3A_756 = vector.broadcast %shift_right_logical3A_755 : i32 to vector<16xi32>
      %shift_right_logical3A_757 = arith.shrui %xor3A_750, %shift_right_logical3A_756 : vector<16xi32>
      %or3A_758 = arith.ori %shift_left3A_754, %shift_right_logical3A_757 : vector<16xi32>
      %xor3A_759 = arith.xori %add3A_751, %or3A_758 : vector<16xi32>
      %add3A_760 = arith.addi %add3A_751, %xor3A_759 : vector<16xi32>
      %shift_left3A_761 = arith.constant 6 : i32
      %shift_left3A_762 = vector.broadcast %shift_left3A_761 : i32 to vector<16xi32>
      %shift_left3A_763 = arith.shli %xor3A_759, %shift_left3A_762 : vector<16xi32>
      %shift_right_logical3A_764 = arith.constant 26 : i32
      %shift_right_logical3A_765 = vector.broadcast %shift_right_logical3A_764 : i32 to vector<16xi32>
      %shift_right_logical3A_766 = arith.shrui %xor3A_759, %shift_right_logical3A_765 : vector<16xi32>
      %or3A_767 = arith.ori %shift_left3A_763, %shift_right_logical3A_766 : vector<16xi32>
      %xor3A_768 = arith.xori %add3A_760, %or3A_767 : vector<16xi32>
      %add3A_769 = arith.addi %add3A_760, %get3A_5 : vector<16xi32>
      %add3A_770 = arith.addi %xor3A_768, %xor3A_731 : vector<16xi32>
      %add3A_771 = arith.constant 1 : i32
      %add3A_772 = vector.broadcast %add3A_771 : i32 to vector<16xi32>
      %add3A_773 = arith.addi %add3A_770, %add3A_772 : vector<16xi32>
      %add3A_774 = arith.addi %add3A_769, %add3A_773 : vector<16xi32>
      %shift_left3A_775 = arith.constant 17 : i32
      %shift_left3A_776 = vector.broadcast %shift_left3A_775 : i32 to vector<16xi32>
      %shift_left3A_777 = arith.shli %add3A_773, %shift_left3A_776 : vector<16xi32>
      %shift_right_logical3A_778 = arith.constant 15 : i32
      %shift_right_logical3A_779 = vector.broadcast %shift_right_logical3A_778 : i32 to vector<16xi32>
      %shift_right_logical3A_780 = arith.shrui %add3A_773, %shift_right_logical3A_779 : vector<16xi32>
      %or3A_781 = arith.ori %shift_left3A_777, %shift_right_logical3A_780 : vector<16xi32>
      %xor3A_782 = arith.xori %add3A_774, %or3A_781 : vector<16xi32>
      %add3A_783 = arith.addi %add3A_774, %xor3A_782 : vector<16xi32>
      %shift_left3A_784 = arith.constant 29 : i32
      %shift_left3A_785 = vector.broadcast %shift_left3A_784 : i32 to vector<16xi32>
      %shift_left3A_786 = arith.shli %xor3A_782, %shift_left3A_785 : vector<16xi32>
      %shift_right_logical3A_787 = arith.constant 3 : i32
      %shift_right_logical3A_788 = vector.broadcast %shift_right_logical3A_787 : i32 to vector<16xi32>
      %shift_right_logical3A_789 = arith.shrui %xor3A_782, %shift_right_logical3A_788 : vector<16xi32>
      %or3A_790 = arith.ori %shift_left3A_786, %shift_right_logical3A_789 : vector<16xi32>
      %xor3A_791 = arith.xori %add3A_783, %or3A_790 : vector<16xi32>
      %add3A_792 = arith.addi %add3A_783, %xor3A_791 : vector<16xi32>
      %shift_left3A_793 = arith.constant 16 : i32
      %shift_left3A_794 = vector.broadcast %shift_left3A_793 : i32 to vector<16xi32>
      %shift_left3A_795 = arith.shli %xor3A_791, %shift_left3A_794 : vector<16xi32>
      %shift_right_logical3A_796 = arith.constant 16 : i32
      %shift_right_logical3A_797 = vector.broadcast %shift_right_logical3A_796 : i32 to vector<16xi32>
      %shift_right_logical3A_798 = arith.shrui %xor3A_791, %shift_right_logical3A_797 : vector<16xi32>
      %or3A_799 = arith.ori %shift_left3A_795, %shift_right_logical3A_798 : vector<16xi32>
      %xor3A_800 = arith.xori %add3A_792, %or3A_799 : vector<16xi32>
      %add3A_801 = arith.addi %add3A_792, %xor3A_800 : vector<16xi32>
      %shift_left3A_802 = arith.constant 24 : i32
      %shift_left3A_803 = vector.broadcast %shift_left3A_802 : i32 to vector<16xi32>
      %shift_left3A_804 = arith.shli %xor3A_800, %shift_left3A_803 : vector<16xi32>
      %shift_right_logical3A_805 = arith.constant 8 : i32
      %shift_right_logical3A_806 = vector.broadcast %shift_right_logical3A_805 : i32 to vector<16xi32>
      %shift_right_logical3A_807 = arith.shrui %xor3A_800, %shift_right_logical3A_806 : vector<16xi32>
      %or3A_808 = arith.ori %shift_left3A_804, %shift_right_logical3A_807 : vector<16xi32>
      %xor3A_809 = arith.xori %add3A_801, %or3A_808 : vector<16xi32>
      %add3A_810 = arith.addi %add3A_801, %xor3A_731 : vector<16xi32>
      %add3A_811 = arith.addi %xor3A_809, %get3A_3 : vector<16xi32>
      %add3A_812 = arith.constant 2 : i32
      %add3A_813 = vector.broadcast %add3A_812 : i32 to vector<16xi32>
      %add3A_814 = arith.addi %add3A_811, %add3A_813 : vector<16xi32>
      %add3A_815 = arith.addi %add3A_810, %add3A_814 : vector<16xi32>
      %shift_left3A_816 = arith.constant 13 : i32
      %shift_left3A_817 = vector.broadcast %shift_left3A_816 : i32 to vector<16xi32>
      %shift_left3A_818 = arith.shli %add3A_814, %shift_left3A_817 : vector<16xi32>
      %shift_right_logical3A_819 = arith.constant 19 : i32
      %shift_right_logical3A_820 = vector.broadcast %shift_right_logical3A_819 : i32 to vector<16xi32>
      %shift_right_logical3A_821 = arith.shrui %add3A_814, %shift_right_logical3A_820 : vector<16xi32>
      %or3A_822 = arith.ori %shift_left3A_818, %shift_right_logical3A_821 : vector<16xi32>
      %xor3A_823 = arith.xori %add3A_815, %or3A_822 : vector<16xi32>
      %add3A_824 = arith.addi %add3A_815, %xor3A_823 : vector<16xi32>
      %shift_left3A_825 = arith.constant 15 : i32
      %shift_left3A_826 = vector.broadcast %shift_left3A_825 : i32 to vector<16xi32>
      %shift_left3A_827 = arith.shli %xor3A_823, %shift_left3A_826 : vector<16xi32>
      %shift_right_logical3A_828 = arith.constant 17 : i32
      %shift_right_logical3A_829 = vector.broadcast %shift_right_logical3A_828 : i32 to vector<16xi32>
      %shift_right_logical3A_830 = arith.shrui %xor3A_823, %shift_right_logical3A_829 : vector<16xi32>
      %or3A_831 = arith.ori %shift_left3A_827, %shift_right_logical3A_830 : vector<16xi32>
      %xor3A_832 = arith.xori %add3A_824, %or3A_831 : vector<16xi32>
      %add3A_833 = arith.addi %add3A_824, %xor3A_832 : vector<16xi32>
      %shift_left3A_834 = arith.constant 26 : i32
      %shift_left3A_835 = vector.broadcast %shift_left3A_834 : i32 to vector<16xi32>
      %shift_left3A_836 = arith.shli %xor3A_832, %shift_left3A_835 : vector<16xi32>
      %shift_right_logical3A_837 = arith.constant 6 : i32
      %shift_right_logical3A_838 = vector.broadcast %shift_right_logical3A_837 : i32 to vector<16xi32>
      %shift_right_logical3A_839 = arith.shrui %xor3A_832, %shift_right_logical3A_838 : vector<16xi32>
      %or3A_840 = arith.ori %shift_left3A_836, %shift_right_logical3A_839 : vector<16xi32>
      %xor3A_841 = arith.xori %add3A_833, %or3A_840 : vector<16xi32>
      %add3A_842 = arith.addi %add3A_833, %xor3A_841 : vector<16xi32>
      %shift_left3A_843 = arith.constant 6 : i32
      %shift_left3A_844 = vector.broadcast %shift_left3A_843 : i32 to vector<16xi32>
      %shift_left3A_845 = arith.shli %xor3A_841, %shift_left3A_844 : vector<16xi32>
      %shift_right_logical3A_846 = arith.constant 26 : i32
      %shift_right_logical3A_847 = vector.broadcast %shift_right_logical3A_846 : i32 to vector<16xi32>
      %shift_right_logical3A_848 = arith.shrui %xor3A_841, %shift_right_logical3A_847 : vector<16xi32>
      %or3A_849 = arith.ori %shift_left3A_845, %shift_right_logical3A_848 : vector<16xi32>
      %xor3A_850 = arith.xori %add3A_842, %or3A_849 : vector<16xi32>
      %add3A_851 = arith.addi %add3A_842, %get3A_3 : vector<16xi32>
      %add3A_852 = arith.addi %xor3A_850, %get3A_5 : vector<16xi32>
      %add3A_853 = arith.constant 3 : i32
      %add3A_854 = vector.broadcast %add3A_853 : i32 to vector<16xi32>
      %add3A_855 = arith.addi %add3A_852, %add3A_854 : vector<16xi32>
      %add3A_856 = arith.addi %add3A_851, %add3A_855 : vector<16xi32>
      %shift_left3A_857 = arith.constant 17 : i32
      %shift_left3A_858 = vector.broadcast %shift_left3A_857 : i32 to vector<16xi32>
      %shift_left3A_859 = arith.shli %add3A_855, %shift_left3A_858 : vector<16xi32>
      %shift_right_logical3A_860 = arith.constant 15 : i32
      %shift_right_logical3A_861 = vector.broadcast %shift_right_logical3A_860 : i32 to vector<16xi32>
      %shift_right_logical3A_862 = arith.shrui %add3A_855, %shift_right_logical3A_861 : vector<16xi32>
      %or3A_863 = arith.ori %shift_left3A_859, %shift_right_logical3A_862 : vector<16xi32>
      %xor3A_864 = arith.xori %add3A_856, %or3A_863 : vector<16xi32>
      %add3A_865 = arith.addi %add3A_856, %xor3A_864 : vector<16xi32>
      %shift_left3A_866 = arith.constant 29 : i32
      %shift_left3A_867 = vector.broadcast %shift_left3A_866 : i32 to vector<16xi32>
      %shift_left3A_868 = arith.shli %xor3A_864, %shift_left3A_867 : vector<16xi32>
      %shift_right_logical3A_869 = arith.constant 3 : i32
      %shift_right_logical3A_870 = vector.broadcast %shift_right_logical3A_869 : i32 to vector<16xi32>
      %shift_right_logical3A_871 = arith.shrui %xor3A_864, %shift_right_logical3A_870 : vector<16xi32>
      %or3A_872 = arith.ori %shift_left3A_868, %shift_right_logical3A_871 : vector<16xi32>
      %xor3A_873 = arith.xori %add3A_865, %or3A_872 : vector<16xi32>
      %add3A_874 = arith.addi %add3A_865, %xor3A_873 : vector<16xi32>
      %shift_left3A_875 = arith.constant 16 : i32
      %shift_left3A_876 = vector.broadcast %shift_left3A_875 : i32 to vector<16xi32>
      %shift_left3A_877 = arith.shli %xor3A_873, %shift_left3A_876 : vector<16xi32>
      %shift_right_logical3A_878 = arith.constant 16 : i32
      %shift_right_logical3A_879 = vector.broadcast %shift_right_logical3A_878 : i32 to vector<16xi32>
      %shift_right_logical3A_880 = arith.shrui %xor3A_873, %shift_right_logical3A_879 : vector<16xi32>
      %or3A_881 = arith.ori %shift_left3A_877, %shift_right_logical3A_880 : vector<16xi32>
      %xor3A_882 = arith.xori %add3A_874, %or3A_881 : vector<16xi32>
      %add3A_883 = arith.addi %add3A_874, %xor3A_882 : vector<16xi32>
      %shift_left3A_884 = arith.constant 24 : i32
      %shift_left3A_885 = vector.broadcast %shift_left3A_884 : i32 to vector<16xi32>
      %shift_left3A_886 = arith.shli %xor3A_882, %shift_left3A_885 : vector<16xi32>
      %shift_right_logical3A_887 = arith.constant 8 : i32
      %shift_right_logical3A_888 = vector.broadcast %shift_right_logical3A_887 : i32 to vector<16xi32>
      %shift_right_logical3A_889 = arith.shrui %xor3A_882, %shift_right_logical3A_888 : vector<16xi32>
      %or3A_890 = arith.ori %shift_left3A_886, %shift_right_logical3A_889 : vector<16xi32>
      %xor3A_891 = arith.xori %add3A_883, %or3A_890 : vector<16xi32>
      %add3A_892 = arith.addi %add3A_883, %get3A_5 : vector<16xi32>
      %add3A_893 = arith.addi %xor3A_891, %xor3A_731 : vector<16xi32>
      %add3A_894 = arith.constant 4 : i32
      %add3A_895 = vector.broadcast %add3A_894 : i32 to vector<16xi32>
      %add3A_896 = arith.addi %add3A_893, %add3A_895 : vector<16xi32>
      %add3A_897 = arith.addi %add3A_892, %add3A_896 : vector<16xi32>
      %shift_left3A_898 = arith.constant 13 : i32
      %shift_left3A_899 = vector.broadcast %shift_left3A_898 : i32 to vector<16xi32>
      %shift_left3A_900 = arith.shli %add3A_896, %shift_left3A_899 : vector<16xi32>
      %shift_right_logical3A_901 = arith.constant 19 : i32
      %shift_right_logical3A_902 = vector.broadcast %shift_right_logical3A_901 : i32 to vector<16xi32>
      %shift_right_logical3A_903 = arith.shrui %add3A_896, %shift_right_logical3A_902 : vector<16xi32>
      %or3A_904 = arith.ori %shift_left3A_900, %shift_right_logical3A_903 : vector<16xi32>
      %xor3A_905 = arith.xori %add3A_897, %or3A_904 : vector<16xi32>
      %add3A_906 = arith.addi %add3A_897, %xor3A_905 : vector<16xi32>
      %shift_left3A_907 = arith.constant 15 : i32
      %shift_left3A_908 = vector.broadcast %shift_left3A_907 : i32 to vector<16xi32>
      %shift_left3A_909 = arith.shli %xor3A_905, %shift_left3A_908 : vector<16xi32>
      %shift_right_logical3A_910 = arith.constant 17 : i32
      %shift_right_logical3A_911 = vector.broadcast %shift_right_logical3A_910 : i32 to vector<16xi32>
      %shift_right_logical3A_912 = arith.shrui %xor3A_905, %shift_right_logical3A_911 : vector<16xi32>
      %or3A_913 = arith.ori %shift_left3A_909, %shift_right_logical3A_912 : vector<16xi32>
      %xor3A_914 = arith.xori %add3A_906, %or3A_913 : vector<16xi32>
      %add3A_915 = arith.addi %add3A_906, %xor3A_914 : vector<16xi32>
      %shift_left3A_916 = arith.constant 26 : i32
      %shift_left3A_917 = vector.broadcast %shift_left3A_916 : i32 to vector<16xi32>
      %shift_left3A_918 = arith.shli %xor3A_914, %shift_left3A_917 : vector<16xi32>
      %shift_right_logical3A_919 = arith.constant 6 : i32
      %shift_right_logical3A_920 = vector.broadcast %shift_right_logical3A_919 : i32 to vector<16xi32>
      %shift_right_logical3A_921 = arith.shrui %xor3A_914, %shift_right_logical3A_920 : vector<16xi32>
      %or3A_922 = arith.ori %shift_left3A_918, %shift_right_logical3A_921 : vector<16xi32>
      %xor3A_923 = arith.xori %add3A_915, %or3A_922 : vector<16xi32>
      %add3A_924 = arith.addi %add3A_915, %xor3A_923 : vector<16xi32>
      %shift_left3A_925 = arith.constant 6 : i32
      %shift_left3A_926 = vector.broadcast %shift_left3A_925 : i32 to vector<16xi32>
      %shift_left3A_927 = arith.shli %xor3A_923, %shift_left3A_926 : vector<16xi32>
      %shift_right_logical3A_928 = arith.constant 26 : i32
      %shift_right_logical3A_929 = vector.broadcast %shift_right_logical3A_928 : i32 to vector<16xi32>
      %shift_right_logical3A_930 = arith.shrui %xor3A_923, %shift_right_logical3A_929 : vector<16xi32>
      %or3A_931 = arith.ori %shift_left3A_927, %shift_right_logical3A_930 : vector<16xi32>
      %xor3A_932 = arith.xori %add3A_924, %or3A_931 : vector<16xi32>
      %add3A_933 = arith.addi %add3A_924, %xor3A_731 : vector<16xi32>
      %add3A_934 = arith.addi %xor3A_932, %get3A_3 : vector<16xi32>
      %add3A_935 = arith.constant 5 : i32
      %add3A_936 = vector.broadcast %add3A_935 : i32 to vector<16xi32>
      %add3A_937 = arith.addi %add3A_934, %add3A_936 : vector<16xi32>
      %xor3A_938 = arith.xori %add3A_933, %add3A_937 : vector<16xi32>
      %shift_right_logical3A_939 = arith.constant 9 : i32
      %shift_right_logical3A_940 = vector.broadcast %shift_right_logical3A_939 : i32 to vector<16xi32>
      %shift_right_logical3A_941 = arith.shrui %xor3A_938, %shift_right_logical3A_940 : vector<16xi32>
      %or3A_942 = arith.constant 1065353216 : i32
      %or3A_943 = vector.broadcast %or3A_942 : i32 to vector<16xi32>
      %or3A_944 = arith.ori %shift_right_logical3A_941, %or3A_943 : vector<16xi32>
      %bitcast_convert_type3A = tpu.bitcast %or3A_944 : vector<16xi32> -> vector<16xf32>
      %sub3A_945 = arith.constant 1.000000e+00 : f32
      %sub3A_946 = vector.broadcast %sub3A_945 : f32 to vector<16xf32>
      %sub3A_947 = arith.subf %bitcast_convert_type3A, %sub3A_946 : vector<16xf32>
      %sub3A_948 = arith.constant 1.000000e+00 : f32
      %sub3A_949 = vector.broadcast %sub3A_948 : f32 to vector<16xf32>
      %sub3A_950 = arith.subf %sub3A_949, %sub3A_947 : vector<16xf32>
      %mul3A_951 = arith.mulf %get3A_7, %sub3A_950 : vector<16xf32>
      %broadcast_in_dim3A_952 = arith.constant 0 : i32
      %broadcast_in_dim3A_953 = vector.broadcast %broadcast_in_dim3A_952 : i32 to vector<16xi32>
      %broadcast_in_dim3A_954 = arith.constant 65536 : i32
      %broadcast_in_dim3A_955 = vector.broadcast %broadcast_in_dim3A_954 : i32 to vector<16xi32>
      %scan3A_956 = arith.constant 0 : i32
      %scan3A_957 = arith.constant 17 : i32
      %scan3A_958 = arith.addi %scan3A_956, %scan3A_957 : i32
      %scan3A_959 = arith.constant 1 : i32
      %scan3A_960:2 = scf.for %scan3A_965 = %scan3A_956 to %scan3A_958 step %scan3A_959 iter_args(%scan3A_966 = %broadcast_in_dim3A_953, %scan3A_967 = %broadcast_in_dim3A_955) -> (vector<16xi32>, vector<16xi32>)  : i32 {
        %add3A_968 = arith.addi %scan3A_966, %scan3A_967 : vector<16xi32>
        %shift_right_arithmetic3A = arith.constant 1 : i32
        %shift_right_arithmetic3A_969 = vector.broadcast %shift_right_arithmetic3A : i32 to vector<16xi32>
        %shift_right_arithmetic3A_970 = arith.shrsi %add3A_968, %shift_right_arithmetic3A_969 : vector<16xi32>
        %gather3A = tpu.vector_load_idx %arg7[%shift_right_arithmetic3A_970] : memref<65536xf32, #tpu.memory_space<vmem>>[vector<16xi32>], vector<16xf32>,
        %lt3A = arith.cmpf olt, %gather3A, %mul3A_951 : vector<16xf32>
        %add3A_971 = arith.constant 1 : i32
        %add3A_972 = vector.broadcast %add3A_971 : i32 to vector<16xi32>
        %add3A_973 = arith.addi %shift_right_arithmetic3A_970, %add3A_972 : vector<16xi32>
        %select_n3A_974 = arith.select %lt3A, %add3A_973, %scan3A_966 : vector<16xi1>, vector<16xi32>
        %select_n3A_975 = arith.select %lt3A, %scan3A_967, %shift_right_arithmetic3A_970 : vector<16xi1>, vector<16xi32>
        scf.yield %select_n3A_974, %select_n3A_975 : vector<16xi32>, vector<16xi32>
      }
      %scan3A_961 = arith.constant 17 : i32
      %mul3A_962 = arith.constant 16 : i32
      %mul3A_963 = arith.muli %scan3A_723, %mul3A_962 : i32
      %swap3A = arith.index_cast %mul3A_963 : i32 to index
      %swap3A_964 = tpu.vector_load %arg8[%swap3A] {strides = array<i32>} : memref<2048xi32, #tpu.memory_space<vmem>>, vector<16xi32>,
      tpu.vector_store %arg8[%swap3A], %scan3A_960#0 {strides = array<i32>} : memref<2048xi32, #tpu.memory_space<vmem>>, vector<16xi32>,
    }
    %scan3A_12 = arith.constant 128 : i32
    %dma_start3A = arith.constant 0 : i32
    %dma_start3A_13 = tpu.memref_slice %arg8[%dma_start3A] : memref<2048xi32, #tpu.memory_space<vmem>> -> memref<128xi32, #tpu.memory_space<vmem>>
    %dma_start3A_14 = arith.constant 0 : i32
    %dma_start3A_15 = arith.constant 0 : i32
    %dma_start3A_16 = tpu.memref_slice %arg3[%dma_start3A_14, %dma_start3A_15] : memref<65536x64xf32, #tpu.memory_space<hbm>> -> memref<65536x64xf32, #tpu.memory_space<hbm>>
    tpu.enqueue_indirect_dma source(%dma_start3A_16 : memref<65536x64xf32, #tpu.memory_space<hbm>>) target(%arg11 : memref<128x64xf32, #tpu.memory_space<vmem>>) offsets(%dma_start3A_13 : memref<128xi32, #tpu.memory_space<vmem>>) semaphore(%arg13 : memref<!tpu.dma_semaphore, #tpu.memory_space<semaphore_mem>>)
    %dma_wait3A = arith.constant 0 : i32
    %dma_wait3A_17 = tpu.memref_slice %arg8[%dma_wait3A] : memref<2048xi32, #tpu.memory_space<vmem>> -> memref<128xi32, #tpu.memory_space<vmem>>
    %dma_wait3A_18 = arith.constant 0 : i32
    %dma_wait3A_19 = arith.constant 0 : i32
    %dma_wait3A_20 = tpu.memref_slice %arg3[%dma_wait3A_18, %dma_wait3A_19] : memref<65536x64xf32, #tpu.memory_space<hbm>> -> memref<65536x64xf32, #tpu.memory_space<hbm>>
    tpu.wait_indirect_dma semaphore(%arg13 : memref<!tpu.dma_semaphore, #tpu.memory_space<semaphore_mem>>) src(%dma_wait3A_20 : memref<65536x64xf32, #tpu.memory_space<hbm>>) dst(%arg11 : memref<128x64xf32, #tpu.memory_space<vmem>>)
    %dma_start3A_21 = arith.constant 128 : i32
    %dma_start3A_22 = tpu.memref_slice %arg8[%dma_start3A_21] : memref<2048xi32, #tpu.memory_space<vmem>> -> memref<128xi32, #tpu.memory_space<vmem>>
    %dma_start3A_23 = arith.constant 0 : i32
    %dma_start3A_24 = arith.constant 0 : i32
    %dma_start3A_25 = tpu.memref_slice %arg3[%dma_start3A_23, %dma_start3A_24] : memref<65536x64xf32, #tpu.memory_space<hbm>> -> memref<65536x64xf32, #tpu.memory_space<hbm>>
    tpu.enqueue_indirect_dma source(%dma_start3A_25 : memref<65536x64xf32, #tpu.memory_space<hbm>>) target(%arg12 : memref<128x64xf32, #tpu.memory_space<vmem>>) offsets(%dma_start3A_22 : memref<128xi32, #tpu.memory_space<vmem>>) semaphore(%arg13 : memref<!tpu.dma_semaphore, #tpu.memory_space<semaphore_mem>>)
    %jit3A = arith.constant 32768 : i32
    %div3A = arith.divsi %mul3A_2, %jit3A : i32
    %sign3A = arith.constant 0 : i32
    %sign3A_26 = arith.cmpi sgt, %mul3A_2, %sign3A : i32
    %sign3A_27 = arith.extui %sign3A_26 : i1 to i32
    %sign3A_28 = arith.constant 0 : i32
    %sign3A_29 = arith.cmpi slt, %mul3A_2, %sign3A_28 : i32
    %sign3A_30 = arith.extui %sign3A_29 : i1 to i32
    %sign3A_31 = arith.subi %sign3A_27, %sign3A_30 : i32
    %sign3A_32 = arith.constant 0 : i32
    %sign3A_33 = arith.cmpi sgt, %jit3A, %sign3A_32 : i32
    %sign3A_34 = arith.extui %sign3A_33 : i1 to i32
    %sign3A_35 = arith.constant 0 : i32
    %sign3A_36 = arith.cmpi slt, %jit3A, %sign3A_35 : i32
    %sign3A_37 = arith.extui %sign3A_36 : i1 to i32
    %sign3A_38 = arith.subi %sign3A_34, %sign3A_37 : i32
    %ne3A = arith.cmpi ne, %sign3A_31, %sign3A_38 : i32
    %rem3A = arith.remsi %mul3A_2, %jit3A : i32
    %ne3A_39 = arith.constant 0 : i32
    %ne3A_40 = arith.cmpi ne, %rem3A, %ne3A_39 : i32
    %and3A = arith.andi %ne3A, %ne3A_40 : i1
    %sub3A = arith.constant 1 : i32
    %sub3A_41 = arith.subi %div3A, %sub3A : i32
    %select_n3A = arith.select %and3A, %sub3A_41, %div3A : i32
    %mul3A_42 = arith.constant 32768 : i32
    %mul3A_43 = arith.muli %select_n3A, %mul3A_42 : i32
    %sub3A_44 = arith.subi %mul3A_2, %mul3A_43 : i32
    %add3A_45 = arith.constant 0 : i32
    %add3A_46 = arith.addi %sub3A_44, %add3A_45 : i32
    %mul3A_47 = arith.constant 64 : i32
    %mul3A_48 = arith.muli %select_n3A, %mul3A_47 : i32
    %dma_start3A_49 = tpu.memref_slice %arg6[%add3A_46, %mul3A_48] : memref<32768x128xf32, #tpu.memory_space<hbm>> -> memref<128x64xf32, #tpu.memory_space<hbm>>
    %dma_start3A_50 = tpu.memref_slice %arg6[%add3A_46, %mul3A_48] : memref<32768x128xf32, #tpu.memory_space<hbm>> -> memref<128x64xf32, #tpu.memory_space<hbm>>
    tpu.enqueue_dma source(%arg11 : memref<128x64xf32, #tpu.memory_space<vmem>>) target(%dma_start3A_50 : memref<128x64xf32, #tpu.memory_space<hbm>>) target_semaphore(%arg14 : memref<!tpu.dma_semaphore, #tpu.memory_space<semaphore_mem>>)
    %dma_wait3A_51 = arith.constant 128 : i32
    %dma_wait3A_52 = tpu.memref_slice %arg8[%dma_wait3A_51] : memref<2048xi32, #tpu.memory_space<vmem>> -> memref<128xi32, #tpu.memory_space<vmem>>
    %dma_wait3A_53 = arith.constant 0 : i32
    %dma_wait3A_54 = arith.constant 0 : i32
    %dma_wait3A_55 = tpu.memref_slice %arg3[%dma_wait3A_53, %dma_wait3A_54] : memref<65536x64xf32, #tpu.memory_space<hbm>> -> memref<65536x64xf32, #tpu.memory_space<hbm>>
    tpu.wait_indirect_dma semaphore(%arg13 : memref<!tpu.dma_semaphore, #tpu.memory_space<semaphore_mem>>) src(%dma_wait3A_55 : memref<65536x64xf32, #tpu.memory_space<hbm>>) dst(%arg12 : memref<128x64xf32, #tpu.memory_space<vmem>>)
    %dma_wait3A_56 = tpu.memref_slice %arg6[%add3A_46, %mul3A_48] : memref<32768x128xf32, #tpu.memory_space<hbm>> -> memref<128x64xf32, #tpu.memory_space<hbm>>
    %dma_wait3A_57 = tpu.memref_slice %arg6[%add3A_46, %mul3A_48] : memref<32768x128xf32, #tpu.memory_space<hbm>> -> memref<128x64xf32, #tpu.memory_space<hbm>>
    tpu.wait_dma2 semaphore(%arg14 : memref<!tpu.dma_semaphore, #tpu.memory_space<semaphore_mem>>) src(%arg11 : memref<128x64xf32, #tpu.memory_space<vmem>>) dst(%dma_wait3A_57 : memref<128x64xf32, #tpu.memory_space<hbm>>)
    %dma_start3A_58 = arith.constant 256 : i32
    %dma_start3A_59 = tpu.memref_slice %arg8[%dma_start3A_58] : memref<2048xi32, #tpu.memory_space<vmem>> -> memref<128xi32, #tpu.memory_space<vmem>>
    %dma_start3A_60 = arith.constant 0 : i32
    %dma_start3A_61 = arith.constant 0 : i32
    %dma_start3A_62 = tpu.memref_slice %arg3[%dma_start3A_60, %dma_start3A_61] : memref<65536x64xf32, #tpu.memory_space<hbm>> -> memref<65536x64xf32, #tpu.memory_space<hbm>>
    tpu.enqueue_indirect_dma source(%dma_start3A_62 : memref<65536x64xf32, #tpu.memory_space<hbm>>) target(%arg11 : memref<128x64xf32, #tpu.memory_space<vmem>>) offsets(%dma_start3A_59 : memref<128xi32, #tpu.memory_space<vmem>>) semaphore(%arg13 : memref<!tpu.dma_semaphore, #tpu.memory_space<semaphore_mem>>)
    %jit3A_63 = arith.constant 32768 : i32
    %div3A_64 = arith.divsi %mul3A_2, %jit3A_63 : i32
    %sign3A_65 = arith.constant 0 : i32
    %sign3A_66 = arith.cmpi sgt, %mul3A_2, %sign3A_65 : i32
    %sign3A_67 = arith.extui %sign3A_66 : i1 to i32
    %sign3A_68 = arith.constant 0 : i32
    %sign3A_69 = arith.cmpi slt, %mul3A_2, %sign3A_68 : i32
    %sign3A_70 = arith.extui %sign3A_69 : i1 to i32
    %sign3A_71 = arith.subi %sign3A_67, %sign3A_70 : i32
    %sign3A_72 = arith.constant 0 : i32
    %sign3A_73 = arith.cmpi sgt, %jit3A_63, %sign3A_72 : i32
    %sign3A_74 = arith.extui %sign3A_73 : i1 to i32
    %sign3A_75 = arith.constant 0 : i32
    %sign3A_76 = arith.cmpi slt, %jit3A_63, %sign3A_75 : i32
    %sign3A_77 = arith.extui %sign3A_76 : i1 to i32
    %sign3A_78 = arith.subi %sign3A_74, %sign3A_77 : i32
    %ne3A_79 = arith.cmpi ne, %sign3A_71, %sign3A_78 : i32
    %rem3A_80 = arith.remsi %mul3A_2, %jit3A_63 : i32
    %ne3A_81 = arith.constant 0 : i32
    %ne3A_82 = arith.cmpi ne, %rem3A_80, %ne3A_81 : i32
    %and3A_83 = arith.andi %ne3A_79, %ne3A_82 : i1
    %sub3A_84 = arith.constant 1 : i32
    %sub3A_85 = arith.subi %div3A_64, %sub3A_84 : i32
    %select_n3A_86 = arith.select %and3A_83, %sub3A_85, %div3A_64 : i32
    %mul3A_87 = arith.constant 32768 : i32
    %mul3A_88 = arith.muli %select_n3A_86, %mul3A_87 : i32
    %sub3A_89 = arith.subi %mul3A_2, %mul3A_88 : i32
    %add3A_90 = arith.constant 128 : i32
    %add3A_91 = arith.addi %sub3A_89, %add3A_90 : i32
    %mul3A_92 = arith.constant 64 : i32
    %mul3A_93 = arith.muli %select_n3A_86, %mul3A_92 : i32
    %dma_start3A_94 = tpu.memref_slice %arg6[%add3A_91, %mul3A_93] : memref<32768x128xf32, #tpu.memory_space<hbm>> -> memref<128x64xf32, #tpu.memory_space<hbm>>
    %dma_start3A_95 = tpu.memref_slice %arg6[%add3A_91, %mul3A_93] : memref<32768x128xf32, #tpu.memory_space<hbm>> -> memref<128x64xf32, #tpu.memory_space<hbm>>
    tpu.enqueue_dma source(%arg12 : memref<128x64xf32, #tpu.memory_space<vmem>>) target(%dma_start3A_95 : memref<128x64xf32, #tpu.memory_space<hbm>>) target_semaphore(%arg14 : memref<!tpu.dma_semaphore, #tpu.memory_space<semaphore_mem>>)
    %dma_wait3A_96 = arith.constant 256 : i32
    %dma_wait3A_97 = tpu.memref_slice %arg8[%dma_wait3A_96] : memref<2048xi32, #tpu.memory_space<vmem>> -> memref<128xi32, #tpu.memory_space<vmem>>
    %dma_wait3A_98 = arith.constant 0 : i32
    %dma_wait3A_99 = arith.constant 0 : i32
    %dma_wait3A_100 = tpu.memref_slice %arg3[%dma_wait3A_98, %dma_wait3A_99] : memref<65536x64xf32, #tpu.memory_space<hbm>> -> memref<65536x64xf32, #tpu.memory_space<hbm>>
    tpu.wait_indirect_dma semaphore(%arg13 : memref<!tpu.dma_semaphore, #tpu.memory_space<semaphore_mem>>) src(%dma_wait3A_100 : memref<65536x64xf32, #tpu.memory_space<hbm>>) dst(%arg11 : memref<128x64xf32, #tpu.memory_space<vmem>>)
    %dma_wait3A_101 = tpu.memref_slice %arg6[%add3A_91, %mul3A_93] : memref<32768x128xf32, #tpu.memory_space<hbm>> -> memref<128x64xf32, #tpu.memory_space<hbm>>
    %dma_wait3A_102 = tpu.memref_slice %arg6[%add3A_91, %mul3A_93] : memref<32768x128xf32, #tpu.memory_space<hbm>> -> memref<128x64xf32, #tpu.memory_space<hbm>>
    tpu.wait_dma2 semaphore(%arg14 : memref<!tpu.dma_semaphore, #tpu.memory_space<semaphore_mem>>) src(%arg12 : memref<128x64xf32, #tpu.memory_space<vmem>>) dst(%dma_wait3A_102 : memref<128x64xf32, #tpu.memory_space<hbm>>)
    %dma_start3A_103 = arith.constant 384 : i32
    %dma_start3A_104 = tpu.memref_slice %arg8[%dma_start3A_103] : memref<2048xi32, #tpu.memory_space<vmem>> -> memref<128xi32, #tpu.memory_space<vmem>>
    %dma_start3A_105 = arith.constant 0 : i32
    %dma_start3A_106 = arith.constant 0 : i32
    %dma_start3A_107 = tpu.memref_slice %arg3[%dma_start3A_105, %dma_start3A_106] : memref<65536x64xf32, #tpu.memory_space<hbm>> -> memref<65536x64xf32, #tpu.memory_space<hbm>>
    tpu.enqueue_indirect_dma source(%dma_start3A_107 : memref<65536x64xf32, #tpu.memory_space<hbm>>) target(%arg12 : memref<128x64xf32, #tpu.memory_space<vmem>>) offsets(%dma_start3A_104 : memref<128xi32, #tpu.memory_space<vmem>>) semaphore(%arg13 : memref<!tpu.dma_semaphore, #tpu.memory_space<semaphore_mem>>)
    %jit3A_108 = arith.constant 32768 : i32
    %div3A_109 = arith.divsi %mul3A_2, %jit3A_108 : i32
    %sign3A_110 = arith.constant 0 : i32
    %sign3A_111 = arith.cmpi sgt, %mul3A_2, %sign3A_110 : i32
    %sign3A_112 = arith.extui %sign3A_111 : i1 to i32
    %sign3A_113 = arith.constant 0 : i32
    %sign3A_114 = arith.cmpi slt, %mul3A_2, %sign3A_113 : i32
    %sign3A_115 = arith.extui %sign3A_114 : i1 to i32
    %sign3A_116 = arith.subi %sign3A_112, %sign3A_115 : i32
    %sign3A_117 = arith.constant 0 : i32
    %sign3A_118 = arith.cmpi sgt, %jit3A_108, %sign3A_117 : i32
    %sign3A_119 = arith.extui %sign3A_118 : i1 to i32
    %sign3A_120 = arith.constant 0 : i32
    %sign3A_121 = arith.cmpi slt, %jit3A_108, %sign3A_120 : i32
    %sign3A_122 = arith.extui %sign3A_121 : i1 to i32
    %sign3A_123 = arith.subi %sign3A_119, %sign3A_122 : i32
    %ne3A_124 = arith.cmpi ne, %sign3A_116, %sign3A_123 : i32
    %rem3A_125 = arith.remsi %mul3A_2, %jit3A_108 : i32
    %ne3A_126 = arith.constant 0 : i32
    %ne3A_127 = arith.cmpi ne, %rem3A_125, %ne3A_126 : i32
    %and3A_128 = arith.andi %ne3A_124, %ne3A_127 : i1
    %sub3A_129 = arith.constant 1 : i32
    %sub3A_130 = arith.subi %div3A_109, %sub3A_129 : i32
    %select_n3A_131 = arith.select %and3A_128, %sub3A_130, %div3A_109 : i32
    %mul3A_132 = arith.constant 32768 : i32
    %mul3A_133 = arith.muli %select_n3A_131, %mul3A_132 : i32
    %sub3A_134 = arith.subi %mul3A_2, %mul3A_133 : i32
    %add3A_135 = arith.constant 256 : i32
    %add3A_136 = arith.addi %sub3A_134, %add3A_135 : i32
    %mul3A_137 = arith.constant 64 : i32
    %mul3A_138 = arith.muli %select_n3A_131, %mul3A_137 : i32
    %dma_start3A_139 = tpu.memref_slice %arg6[%add3A_136, %mul3A_138] : memref<32768x128xf32, #tpu.memory_space<hbm>> -> memref<128x64xf32, #tpu.memory_space<hbm>>
    %dma_start3A_140 = tpu.memref_slice %arg6[%add3A_136, %mul3A_138] : memref<32768x128xf32, #tpu.memory_space<hbm>> -> memref<128x64xf32, #tpu.memory_space<hbm>>
    tpu.enqueue_dma source(%arg11 : memref<128x64xf32, #tpu.memory_space<vmem>>) target(%dma_start3A_140 : memref<128x64xf32, #tpu.memory_space<hbm>>) target_semaphore(%arg14 : memref<!tpu.dma_semaphore, #tpu.memory_space<semaphore_mem>>)
    %dma_wait3A_141 = arith.constant 384 : i32
    %dma_wait3A_142 = tpu.memref_slice %arg8[%dma_wait3A_141] : memref<2048xi32, #tpu.memory_space<vmem>> -> memref<128xi32, #tpu.memory_space<vmem>>
    %dma_wait3A_143 = arith.constant 0 : i32
    %dma_wait3A_144 = arith.constant 0 : i32
    %dma_wait3A_145 = tpu.memref_slice %arg3[%dma_wait3A_143, %dma_wait3A_144] : memref<65536x64xf32, #tpu.memory_space<hbm>> -> memref<65536x64xf32, #tpu.memory_space<hbm>>
    tpu.wait_indirect_dma semaphore(%arg13 : memref<!tpu.dma_semaphore, #tpu.memory_space<semaphore_mem>>) src(%dma_wait3A_145 : memref<65536x64xf32, #tpu.memory_space<hbm>>) dst(%arg12 : memref<128x64xf32, #tpu.memory_space<vmem>>)
    %dma_wait3A_146 = tpu.memref_slice %arg6[%add3A_136, %mul3A_138] : memref<32768x128xf32, #tpu.memory_space<hbm>> -> memref<128x64xf32, #tpu.memory_space<hbm>>
    %dma_wait3A_147 = tpu.memref_slice %arg6[%add3A_136, %mul3A_138] : memref<32768x128xf32, #tpu.memory_space<hbm>> -> memref<128x64xf32, #tpu.memory_space<hbm>>
    tpu.wait_dma2 semaphore(%arg14 : memref<!tpu.dma_semaphore, #tpu.memory_space<semaphore_mem>>) src(%arg11 : memref<128x64xf32, #tpu.memory_space<vmem>>) dst(%dma_wait3A_147 : memref<128x64xf32, #tpu.memory_space<hbm>>)
    %dma_start3A_148 = arith.constant 512 : i32
    %dma_start3A_149 = tpu.memref_slice %arg8[%dma_start3A_148] : memref<2048xi32, #tpu.memory_space<vmem>> -> memref<128xi32, #tpu.memory_space<vmem>>
    %dma_start3A_150 = arith.constant 0 : i32
    %dma_start3A_151 = arith.constant 0 : i32
    %dma_start3A_152 = tpu.memref_slice %arg3[%dma_start3A_150, %dma_start3A_151] : memref<65536x64xf32, #tpu.memory_space<hbm>> -> memref<65536x64xf32, #tpu.memory_space<hbm>>
    tpu.enqueue_indirect_dma source(%dma_start3A_152 : memref<65536x64xf32, #tpu.memory_space<hbm>>) target(%arg11 : memref<128x64xf32, #tpu.memory_space<vmem>>) offsets(%dma_start3A_149 : memref<128xi32, #tpu.memory_space<vmem>>) semaphore(%arg13 : memref<!tpu.dma_semaphore, #tpu.memory_space<semaphore_mem>>)
    %jit3A_153 = arith.constant 32768 : i32
    %div3A_154 = arith.divsi %mul3A_2, %jit3A_153 : i32
    %sign3A_155 = arith.constant 0 : i32
    %sign3A_156 = arith.cmpi sgt, %mul3A_2, %sign3A_155 : i32
    %sign3A_157 = arith.extui %sign3A_156 : i1 to i32
    %sign3A_158 = arith.constant 0 : i32
    %sign3A_159 = arith.cmpi slt, %mul3A_2, %sign3A_158 : i32
    %sign3A_160 = arith.extui %sign3A_159 : i1 to i32
    %sign3A_161 = arith.subi %sign3A_157, %sign3A_160 : i32
    %sign3A_162 = arith.constant 0 : i32
    %sign3A_163 = arith.cmpi sgt, %jit3A_153, %sign3A_162 : i32
    %sign3A_164 = arith.extui %sign3A_163 : i1 to i32
    %sign3A_165 = arith.constant 0 : i32
    %sign3A_166 = arith.cmpi slt, %jit3A_153, %sign3A_165 : i32
    %sign3A_167 = arith.extui %sign3A_166 : i1 to i32
    %sign3A_168 = arith.subi %sign3A_164, %sign3A_167 : i32
    %ne3A_169 = arith.cmpi ne, %sign3A_161, %sign3A_168 : i32
    %rem3A_170 = arith.remsi %mul3A_2, %jit3A_153 : i32
    %ne3A_171 = arith.constant 0 : i32
    %ne3A_172 = arith.cmpi ne, %rem3A_170, %ne3A_171 : i32
    %and3A_173 = arith.andi %ne3A_169, %ne3A_172 : i1
    %sub3A_174 = arith.constant 1 : i32
    %sub3A_175 = arith.subi %div3A_154, %sub3A_174 : i32
    %select_n3A_176 = arith.select %and3A_173, %sub3A_175, %div3A_154 : i32
    %mul3A_177 = arith.constant 32768 : i32
    %mul3A_178 = arith.muli %select_n3A_176, %mul3A_177 : i32
    %sub3A_179 = arith.subi %mul3A_2, %mul3A_178 : i32
    %add3A_180 = arith.constant 384 : i32
    %add3A_181 = arith.addi %sub3A_179, %add3A_180 : i32
    %mul3A_182 = arith.constant 64 : i32
    %mul3A_183 = arith.muli %select_n3A_176, %mul3A_182 : i32
    %dma_start3A_184 = tpu.memref_slice %arg6[%add3A_181, %mul3A_183] : memref<32768x128xf32, #tpu.memory_space<hbm>> -> memref<128x64xf32, #tpu.memory_space<hbm>>
    %dma_start3A_185 = tpu.memref_slice %arg6[%add3A_181, %mul3A_183] : memref<32768x128xf32, #tpu.memory_space<hbm>> -> memref<128x64xf32, #tpu.memory_space<hbm>>
    tpu.enqueue_dma source(%arg12 : memref<128x64xf32, #tpu.memory_space<vmem>>) target(%dma_start3A_185 : memref<128x64xf32, #tpu.memory_space<hbm>>) target_semaphore(%arg14 : memref<!tpu.dma_semaphore, #tpu.memory_space<semaphore_mem>>)
    %dma_wait3A_186 = arith.constant 512 : i32
    %dma_wait3A_187 = tpu.memref_slice %arg8[%dma_wait3A_186] : memref<2048xi32, #tpu.memory_space<vmem>> -> memref<128xi32, #tpu.memory_space<vmem>>
    %dma_wait3A_188 = arith.constant 0 : i32
    %dma_wait3A_189 = arith.constant 0 : i32
    %dma_wait3A_190 = tpu.memref_slice %arg3[%dma_wait3A_188, %dma_wait3A_189] : memref<65536x64xf32, #tpu.memory_space<hbm>> -> memref<65536x64xf32, #tpu.memory_space<hbm>>
    tpu.wait_indirect_dma semaphore(%arg13 : memref<!tpu.dma_semaphore, #tpu.memory_space<semaphore_mem>>) src(%dma_wait3A_190 : memref<65536x64xf32, #tpu.memory_space<hbm>>) dst(%arg11 : memref<128x64xf32, #tpu.memory_space<vmem>>)
    %dma_wait3A_191 = tpu.memref_slice %arg6[%add3A_181, %mul3A_183] : memref<32768x128xf32, #tpu.memory_space<hbm>> -> memref<128x64xf32, #tpu.memory_space<hbm>>
    %dma_wait3A_192 = tpu.memref_slice %arg6[%add3A_181, %mul3A_183] : memref<32768x128xf32, #tpu.memory_space<hbm>> -> memref<128x64xf32, #tpu.memory_space<hbm>>
    tpu.wait_dma2 semaphore(%arg14 : memref<!tpu.dma_semaphore, #tpu.memory_space<semaphore_mem>>) src(%arg12 : memref<128x64xf32, #tpu.memory_space<vmem>>) dst(%dma_wait3A_192 : memref<128x64xf32, #tpu.memory_space<hbm>>)
    %dma_start3A_193 = arith.constant 640 : i32
    %dma_start3A_194 = tpu.memref_slice %arg8[%dma_start3A_193] : memref<2048xi32, #tpu.memory_space<vmem>> -> memref<128xi32, #tpu.memory_space<vmem>>
    %dma_start3A_195 = arith.constant 0 : i32
    %dma_start3A_196 = arith.constant 0 : i32
    %dma_start3A_197 = tpu.memref_slice %arg3[%dma_start3A_195, %dma_start3A_196] : memref<65536x64xf32, #tpu.memory_space<hbm>> -> memref<65536x64xf32, #tpu.memory_space<hbm>>
    tpu.enqueue_indirect_dma source(%dma_start3A_197 : memref<65536x64xf32, #tpu.memory_space<hbm>>) target(%arg12 : memref<128x64xf32, #tpu.memory_space<vmem>>) offsets(%dma_start3A_194 : memref<128xi32, #tpu.memory_space<vmem>>) semaphore(%arg13 : memref<!tpu.dma_semaphore, #tpu.memory_space<semaphore_mem>>)
    %jit3A_198 = arith.constant 32768 : i32
    %div3A_199 = arith.divsi %mul3A_2, %jit3A_198 : i32
    %sign3A_200 = arith.constant 0 : i32
    %sign3A_201 = arith.cmpi sgt, %mul3A_2, %sign3A_200 : i32
    %sign3A_202 = arith.extui %sign3A_201 : i1 to i32
    %sign3A_203 = arith.constant 0 : i32
    %sign3A_204 = arith.cmpi slt, %mul3A_2, %sign3A_203 : i32
    %sign3A_205 = arith.extui %sign3A_204 : i1 to i32
    %sign3A_206 = arith.subi %sign3A_202, %sign3A_205 : i32
    %sign3A_207 = arith.constant 0 : i32
    %sign3A_208 = arith.cmpi sgt, %jit3A_198, %sign3A_207 : i32
    %sign3A_209 = arith.extui %sign3A_208 : i1 to i32
    %sign3A_210 = arith.constant 0 : i32
    %sign3A_211 = arith.cmpi slt, %jit3A_198, %sign3A_210 : i32
    %sign3A_212 = arith.extui %sign3A_211 : i1 to i32
    %sign3A_213 = arith.subi %sign3A_209, %sign3A_212 : i32
    %ne3A_214 = arith.cmpi ne, %sign3A_206, %sign3A_213 : i32
    %rem3A_215 = arith.remsi %mul3A_2, %jit3A_198 : i32
    %ne3A_216 = arith.constant 0 : i32
    %ne3A_217 = arith.cmpi ne, %rem3A_215, %ne3A_216 : i32
    %and3A_218 = arith.andi %ne3A_214, %ne3A_217 : i1
    %sub3A_219 = arith.constant 1 : i32
    %sub3A_220 = arith.subi %div3A_199, %sub3A_219 : i32
    %select_n3A_221 = arith.select %and3A_218, %sub3A_220, %div3A_199 : i32
    %mul3A_222 = arith.constant 32768 : i32
    %mul3A_223 = arith.muli %select_n3A_221, %mul3A_222 : i32
    %sub3A_224 = arith.subi %mul3A_2, %mul3A_223 : i32
    %add3A_225 = arith.constant 512 : i32
    %add3A_226 = arith.addi %sub3A_224, %add3A_225 : i32
    %mul3A_227 = arith.constant 64 : i32
    %mul3A_228 = arith.muli %select_n3A_221, %mul3A_227 : i32
    %dma_start3A_229 = tpu.memref_slice %arg6[%add3A_226, %mul3A_228] : memref<32768x128xf32, #tpu.memory_space<hbm>> -> memref<128x64xf32, #tpu.memory_space<hbm>>
    %dma_start3A_230 = tpu.memref_slice %arg6[%add3A_226, %mul3A_228] : memref<32768x128xf32, #tpu.memory_space<hbm>> -> memref<128x64xf32, #tpu.memory_space<hbm>>
    tpu.enqueue_dma source(%arg11 : memref<128x64xf32, #tpu.memory_space<vmem>>) target(%dma_start3A_230 : memref<128x64xf32, #tpu.memory_space<hbm>>) target_semaphore(%arg14 : memref<!tpu.dma_semaphore, #tpu.memory_space<semaphore_mem>>)
    %dma_wait3A_231 = arith.constant 640 : i32
    %dma_wait3A_232 = tpu.memref_slice %arg8[%dma_wait3A_231] : memref<2048xi32, #tpu.memory_space<vmem>> -> memref<128xi32, #tpu.memory_space<vmem>>
    %dma_wait3A_233 = arith.constant 0 : i32
    %dma_wait3A_234 = arith.constant 0 : i32
    %dma_wait3A_235 = tpu.memref_slice %arg3[%dma_wait3A_233, %dma_wait3A_234] : memref<65536x64xf32, #tpu.memory_space<hbm>> -> memref<65536x64xf32, #tpu.memory_space<hbm>>
    tpu.wait_indirect_dma semaphore(%arg13 : memref<!tpu.dma_semaphore, #tpu.memory_space<semaphore_mem>>) src(%dma_wait3A_235 : memref<65536x64xf32, #tpu.memory_space<hbm>>) dst(%arg12 : memref<128x64xf32, #tpu.memory_space<vmem>>)
    %dma_wait3A_236 = tpu.memref_slice %arg6[%add3A_226, %mul3A_228] : memref<32768x128xf32, #tpu.memory_space<hbm>> -> memref<128x64xf32, #tpu.memory_space<hbm>>
    %dma_wait3A_237 = tpu.memref_slice %arg6[%add3A_226, %mul3A_228] : memref<32768x128xf32, #tpu.memory_space<hbm>> -> memref<128x64xf32, #tpu.memory_space<hbm>>
    tpu.wait_dma2 semaphore(%arg14 : memref<!tpu.dma_semaphore, #tpu.memory_space<semaphore_mem>>) src(%arg11 : memref<128x64xf32, #tpu.memory_space<vmem>>) dst(%dma_wait3A_237 : memref<128x64xf32, #tpu.memory_space<hbm>>)
    %dma_start3A_238 = arith.constant 768 : i32
    %dma_start3A_239 = tpu.memref_slice %arg8[%dma_start3A_238] : memref<2048xi32, #tpu.memory_space<vmem>> -> memref<128xi32, #tpu.memory_space<vmem>>
    %dma_start3A_240 = arith.constant 0 : i32
    %dma_start3A_241 = arith.constant 0 : i32
    %dma_start3A_242 = tpu.memref_slice %arg3[%dma_start3A_240, %dma_start3A_241] : memref<65536x64xf32, #tpu.memory_space<hbm>> -> memref<65536x64xf32, #tpu.memory_space<hbm>>
    tpu.enqueue_indirect_dma source(%dma_start3A_242 : memref<65536x64xf32, #tpu.memory_space<hbm>>) target(%arg11 : memref<128x64xf32, #tpu.memory_space<vmem>>) offsets(%dma_start3A_239 : memref<128xi32, #tpu.memory_space<vmem>>) semaphore(%arg13 : memref<!tpu.dma_semaphore, #tpu.memory_space<semaphore_mem>>)
    %jit3A_243 = arith.constant 32768 : i32
    %div3A_244 = arith.divsi %mul3A_2, %jit3A_243 : i32
    %sign3A_245 = arith.constant 0 : i32
    %sign3A_246 = arith.cmpi sgt, %mul3A_2, %sign3A_245 : i32
    %sign3A_247 = arith.extui %sign3A_246 : i1 to i32
    %sign3A_248 = arith.constant 0 : i32
    %sign3A_249 = arith.cmpi slt, %mul3A_2, %sign3A_248 : i32
    %sign3A_250 = arith.extui %sign3A_249 : i1 to i32
    %sign3A_251 = arith.subi %sign3A_247, %sign3A_250 : i32
    %sign3A_252 = arith.constant 0 : i32
    %sign3A_253 = arith.cmpi sgt, %jit3A_243, %sign3A_252 : i32
    %sign3A_254 = arith.extui %sign3A_253 : i1 to i32
    %sign3A_255 = arith.constant 0 : i32
    %sign3A_256 = arith.cmpi slt, %jit3A_243, %sign3A_255 : i32
    %sign3A_257 = arith.extui %sign3A_256 : i1 to i32
    %sign3A_258 = arith.subi %sign3A_254, %sign3A_257 : i32
    %ne3A_259 = arith.cmpi ne, %sign3A_251, %sign3A_258 : i32
    %rem3A_260 = arith.remsi %mul3A_2, %jit3A_243 : i32
    %ne3A_261 = arith.constant 0 : i32
    %ne3A_262 = arith.cmpi ne, %rem3A_260, %ne3A_261 : i32
    %and3A_263 = arith.andi %ne3A_259, %ne3A_262 : i1
    %sub3A_264 = arith.constant 1 : i32
    %sub3A_265 = arith.subi %div3A_244, %sub3A_264 : i32
    %select_n3A_266 = arith.select %and3A_263, %sub3A_265, %div3A_244 : i32
    %mul3A_267 = arith.constant 32768 : i32
    %mul3A_268 = arith.muli %select_n3A_266, %mul3A_267 : i32
    %sub3A_269 = arith.subi %mul3A_2, %mul3A_268 : i32
    %add3A_270 = arith.constant 640 : i32
    %add3A_271 = arith.addi %sub3A_269, %add3A_270 : i32
    %mul3A_272 = arith.constant 64 : i32
    %mul3A_273 = arith.muli %select_n3A_266, %mul3A_272 : i32
    %dma_start3A_274 = tpu.memref_slice %arg6[%add3A_271, %mul3A_273] : memref<32768x128xf32, #tpu.memory_space<hbm>> -> memref<128x64xf32, #tpu.memory_space<hbm>>
    %dma_start3A_275 = tpu.memref_slice %arg6[%add3A_271, %mul3A_273] : memref<32768x128xf32, #tpu.memory_space<hbm>> -> memref<128x64xf32, #tpu.memory_space<hbm>>
    tpu.enqueue_dma source(%arg12 : memref<128x64xf32, #tpu.memory_space<vmem>>) target(%dma_start3A_275 : memref<128x64xf32, #tpu.memory_space<hbm>>) target_semaphore(%arg14 : memref<!tpu.dma_semaphore, #tpu.memory_space<semaphore_mem>>)
    %dma_wait3A_276 = arith.constant 768 : i32
    %dma_wait3A_277 = tpu.memref_slice %arg8[%dma_wait3A_276] : memref<2048xi32, #tpu.memory_space<vmem>> -> memref<128xi32, #tpu.memory_space<vmem>>
    %dma_wait3A_278 = arith.constant 0 : i32
    %dma_wait3A_279 = arith.constant 0 : i32
    %dma_wait3A_280 = tpu.memref_slice %arg3[%dma_wait3A_278, %dma_wait3A_279] : memref<65536x64xf32, #tpu.memory_space<hbm>> -> memref<65536x64xf32, #tpu.memory_space<hbm>>
    tpu.wait_indirect_dma semaphore(%arg13 : memref<!tpu.dma_semaphore, #tpu.memory_space<semaphore_mem>>) src(%dma_wait3A_280 : memref<65536x64xf32, #tpu.memory_space<hbm>>) dst(%arg11 : memref<128x64xf32, #tpu.memory_space<vmem>>)
    %dma_wait3A_281 = tpu.memref_slice %arg6[%add3A_271, %mul3A_273] : memref<32768x128xf32, #tpu.memory_space<hbm>> -> memref<128x64xf32, #tpu.memory_space<hbm>>
    %dma_wait3A_282 = tpu.memref_slice %arg6[%add3A_271, %mul3A_273] : memref<32768x128xf32, #tpu.memory_space<hbm>> -> memref<128x64xf32, #tpu.memory_space<hbm>>
    tpu.wait_dma2 semaphore(%arg14 : memref<!tpu.dma_semaphore, #tpu.memory_space<semaphore_mem>>) src(%arg12 : memref<128x64xf32, #tpu.memory_space<vmem>>) dst(%dma_wait3A_282 : memref<128x64xf32, #tpu.memory_space<hbm>>)
    %dma_start3A_283 = arith.constant 896 : i32
    %dma_start3A_284 = tpu.memref_slice %arg8[%dma_start3A_283] : memref<2048xi32, #tpu.memory_space<vmem>> -> memref<128xi32, #tpu.memory_space<vmem>>
    %dma_start3A_285 = arith.constant 0 : i32
    %dma_start3A_286 = arith.constant 0 : i32
    %dma_start3A_287 = tpu.memref_slice %arg3[%dma_start3A_285, %dma_start3A_286] : memref<65536x64xf32, #tpu.memory_space<hbm>> -> memref<65536x64xf32, #tpu.memory_space<hbm>>
    tpu.enqueue_indirect_dma source(%dma_start3A_287 : memref<65536x64xf32, #tpu.memory_space<hbm>>) target(%arg12 : memref<128x64xf32, #tpu.memory_space<vmem>>) offsets(%dma_start3A_284 : memref<128xi32, #tpu.memory_space<vmem>>) semaphore(%arg13 : memref<!tpu.dma_semaphore, #tpu.memory_space<semaphore_mem>>)
    %jit3A_288 = arith.constant 32768 : i32
    %div3A_289 = arith.divsi %mul3A_2, %jit3A_288 : i32
    %sign3A_290 = arith.constant 0 : i32
    %sign3A_291 = arith.cmpi sgt, %mul3A_2, %sign3A_290 : i32
    %sign3A_292 = arith.extui %sign3A_291 : i1 to i32
    %sign3A_293 = arith.constant 0 : i32
    %sign3A_294 = arith.cmpi slt, %mul3A_2, %sign3A_293 : i32
    %sign3A_295 = arith.extui %sign3A_294 : i1 to i32
    %sign3A_296 = arith.subi %sign3A_292, %sign3A_295 : i32
    %sign3A_297 = arith.constant 0 : i32
    %sign3A_298 = arith.cmpi sgt, %jit3A_288, %sign3A_297 : i32
    %sign3A_299 = arith.extui %sign3A_298 : i1 to i32
    %sign3A_300 = arith.constant 0 : i32
    %sign3A_301 = arith.cmpi slt, %jit3A_288, %sign3A_300 : i32
    %sign3A_302 = arith.extui %sign3A_301 : i1 to i32
    %sign3A_303 = arith.subi %sign3A_299, %sign3A_302 : i32
    %ne3A_304 = arith.cmpi ne, %sign3A_296, %sign3A_303 : i32
    %rem3A_305 = arith.remsi %mul3A_2, %jit3A_288 : i32
    %ne3A_306 = arith.constant 0 : i32
    %ne3A_307 = arith.cmpi ne, %rem3A_305, %ne3A_306 : i32
    %and3A_308 = arith.andi %ne3A_304, %ne3A_307 : i1
    %sub3A_309 = arith.constant 1 : i32
    %sub3A_310 = arith.subi %div3A_289, %sub3A_309 : i32
    %select_n3A_311 = arith.select %and3A_308, %sub3A_310, %div3A_289 : i32
    %mul3A_312 = arith.constant 32768 : i32
    %mul3A_313 = arith.muli %select_n3A_311, %mul3A_312 : i32
    %sub3A_314 = arith.subi %mul3A_2, %mul3A_313 : i32
    %add3A_315 = arith.constant 768 : i32
    %add3A_316 = arith.addi %sub3A_314, %add3A_315 : i32
    %mul3A_317 = arith.constant 64 : i32
    %mul3A_318 = arith.muli %select_n3A_311, %mul3A_317 : i32
    %dma_start3A_319 = tpu.memref_slice %arg6[%add3A_316, %mul3A_318] : memref<32768x128xf32, #tpu.memory_space<hbm>> -> memref<128x64xf32, #tpu.memory_space<hbm>>
    %dma_start3A_320 = tpu.memref_slice %arg6[%add3A_316, %mul3A_318] : memref<32768x128xf32, #tpu.memory_space<hbm>> -> memref<128x64xf32, #tpu.memory_space<hbm>>
    tpu.enqueue_dma source(%arg11 : memref<128x64xf32, #tpu.memory_space<vmem>>) target(%dma_start3A_320 : memref<128x64xf32, #tpu.memory_space<hbm>>) target_semaphore(%arg14 : memref<!tpu.dma_semaphore, #tpu.memory_space<semaphore_mem>>)
    %dma_wait3A_321 = arith.constant 896 : i32
    %dma_wait3A_322 = tpu.memref_slice %arg8[%dma_wait3A_321] : memref<2048xi32, #tpu.memory_space<vmem>> -> memref<128xi32, #tpu.memory_space<vmem>>
    %dma_wait3A_323 = arith.constant 0 : i32
    %dma_wait3A_324 = arith.constant 0 : i32
    %dma_wait3A_325 = tpu.memref_slice %arg3[%dma_wait3A_323, %dma_wait3A_324] : memref<65536x64xf32, #tpu.memory_space<hbm>> -> memref<65536x64xf32, #tpu.memory_space<hbm>>
    tpu.wait_indirect_dma semaphore(%arg13 : memref<!tpu.dma_semaphore, #tpu.memory_space<semaphore_mem>>) src(%dma_wait3A_325 : memref<65536x64xf32, #tpu.memory_space<hbm>>) dst(%arg12 : memref<128x64xf32, #tpu.memory_space<vmem>>)
    %dma_wait3A_326 = tpu.memref_slice %arg6[%add3A_316, %mul3A_318] : memref<32768x128xf32, #tpu.memory_space<hbm>> -> memref<128x64xf32, #tpu.memory_space<hbm>>
    %dma_wait3A_327 = tpu.memref_slice %arg6[%add3A_316, %mul3A_318] : memref<32768x128xf32, #tpu.memory_space<hbm>> -> memref<128x64xf32, #tpu.memory_space<hbm>>
    tpu.wait_dma2 semaphore(%arg14 : memref<!tpu.dma_semaphore, #tpu.memory_space<semaphore_mem>>) src(%arg11 : memref<128x64xf32, #tpu.memory_space<vmem>>) dst(%dma_wait3A_327 : memref<128x64xf32, #tpu.memory_space<hbm>>)
    %dma_start3A_328 = arith.constant 1024 : i32
    %dma_start3A_329 = tpu.memref_slice %arg8[%dma_start3A_328] : memref<2048xi32, #tpu.memory_space<vmem>> -> memref<128xi32, #tpu.memory_space<vmem>>
    %dma_start3A_330 = arith.constant 0 : i32
    %dma_start3A_331 = arith.constant 0 : i32
    %dma_start3A_332 = tpu.memref_slice %arg3[%dma_start3A_330, %dma_start3A_331] : memref<65536x64xf32, #tpu.memory_space<hbm>> -> memref<65536x64xf32, #tpu.memory_space<hbm>>
    tpu.enqueue_indirect_dma source(%dma_start3A_332 : memref<65536x64xf32, #tpu.memory_space<hbm>>) target(%arg11 : memref<128x64xf32, #tpu.memory_space<vmem>>) offsets(%dma_start3A_329 : memref<128xi32, #tpu.memory_space<vmem>>) semaphore(%arg13 : memref<!tpu.dma_semaphore, #tpu.memory_space<semaphore_mem>>)
    %jit3A_333 = arith.constant 32768 : i32
    %div3A_334 = arith.divsi %mul3A_2, %jit3A_333 : i32
    %sign3A_335 = arith.constant 0 : i32
    %sign3A_336 = arith.cmpi sgt, %mul3A_2, %sign3A_335 : i32
    %sign3A_337 = arith.extui %sign3A_336 : i1 to i32
    %sign3A_338 = arith.constant 0 : i32
    %sign3A_339 = arith.cmpi slt, %mul3A_2, %sign3A_338 : i32
    %sign3A_340 = arith.extui %sign3A_339 : i1 to i32
    %sign3A_341 = arith.subi %sign3A_337, %sign3A_340 : i32
    %sign3A_342 = arith.constant 0 : i32
    %sign3A_343 = arith.cmpi sgt, %jit3A_333, %sign3A_342 : i32
    %sign3A_344 = arith.extui %sign3A_343 : i1 to i32
    %sign3A_345 = arith.constant 0 : i32
    %sign3A_346 = arith.cmpi slt, %jit3A_333, %sign3A_345 : i32
    %sign3A_347 = arith.extui %sign3A_346 : i1 to i32
    %sign3A_348 = arith.subi %sign3A_344, %sign3A_347 : i32
    %ne3A_349 = arith.cmpi ne, %sign3A_341, %sign3A_348 : i32
    %rem3A_350 = arith.remsi %mul3A_2, %jit3A_333 : i32
    %ne3A_351 = arith.constant 0 : i32
    %ne3A_352 = arith.cmpi ne, %rem3A_350, %ne3A_351 : i32
    %and3A_353 = arith.andi %ne3A_349, %ne3A_352 : i1
    %sub3A_354 = arith.constant 1 : i32
    %sub3A_355 = arith.subi %div3A_334, %sub3A_354 : i32
    %select_n3A_356 = arith.select %and3A_353, %sub3A_355, %div3A_334 : i32
    %mul3A_357 = arith.constant 32768 : i32
    %mul3A_358 = arith.muli %select_n3A_356, %mul3A_357 : i32
    %sub3A_359 = arith.subi %mul3A_2, %mul3A_358 : i32
    %add3A_360 = arith.constant 896 : i32
    %add3A_361 = arith.addi %sub3A_359, %add3A_360 : i32
    %mul3A_362 = arith.constant 64 : i32
    %mul3A_363 = arith.muli %select_n3A_356, %mul3A_362 : i32
    %dma_start3A_364 = tpu.memref_slice %arg6[%add3A_361, %mul3A_363] : memref<32768x128xf32, #tpu.memory_space<hbm>> -> memref<128x64xf32, #tpu.memory_space<hbm>>
    %dma_start3A_365 = tpu.memref_slice %arg6[%add3A_361, %mul3A_363] : memref<32768x128xf32, #tpu.memory_space<hbm>> -> memref<128x64xf32, #tpu.memory_space<hbm>>
    tpu.enqueue_dma source(%arg12 : memref<128x64xf32, #tpu.memory_space<vmem>>) target(%dma_start3A_365 : memref<128x64xf32, #tpu.memory_space<hbm>>) target_semaphore(%arg14 : memref<!tpu.dma_semaphore, #tpu.memory_space<semaphore_mem>>)
    %dma_wait3A_366 = arith.constant 1024 : i32
    %dma_wait3A_367 = tpu.memref_slice %arg8[%dma_wait3A_366] : memref<2048xi32, #tpu.memory_space<vmem>> -> memref<128xi32, #tpu.memory_space<vmem>>
    %dma_wait3A_368 = arith.constant 0 : i32
    %dma_wait3A_369 = arith.constant 0 : i32
    %dma_wait3A_370 = tpu.memref_slice %arg3[%dma_wait3A_368, %dma_wait3A_369] : memref<65536x64xf32, #tpu.memory_space<hbm>> -> memref<65536x64xf32, #tpu.memory_space<hbm>>
    tpu.wait_indirect_dma semaphore(%arg13 : memref<!tpu.dma_semaphore, #tpu.memory_space<semaphore_mem>>) src(%dma_wait3A_370 : memref<65536x64xf32, #tpu.memory_space<hbm>>) dst(%arg11 : memref<128x64xf32, #tpu.memory_space<vmem>>)
    %dma_wait3A_371 = tpu.memref_slice %arg6[%add3A_361, %mul3A_363] : memref<32768x128xf32, #tpu.memory_space<hbm>> -> memref<128x64xf32, #tpu.memory_space<hbm>>
    %dma_wait3A_372 = tpu.memref_slice %arg6[%add3A_361, %mul3A_363] : memref<32768x128xf32, #tpu.memory_space<hbm>> -> memref<128x64xf32, #tpu.memory_space<hbm>>
    tpu.wait_dma2 semaphore(%arg14 : memref<!tpu.dma_semaphore, #tpu.memory_space<semaphore_mem>>) src(%arg12 : memref<128x64xf32, #tpu.memory_space<vmem>>) dst(%dma_wait3A_372 : memref<128x64xf32, #tpu.memory_space<hbm>>)
    %dma_start3A_373 = arith.constant 1152 : i32
    %dma_start3A_374 = tpu.memref_slice %arg8[%dma_start3A_373] : memref<2048xi32, #tpu.memory_space<vmem>> -> memref<128xi32, #tpu.memory_space<vmem>>
    %dma_start3A_375 = arith.constant 0 : i32
    %dma_start3A_376 = arith.constant 0 : i32
    %dma_start3A_377 = tpu.memref_slice %arg3[%dma_start3A_375, %dma_start3A_376] : memref<65536x64xf32, #tpu.memory_space<hbm>> -> memref<65536x64xf32, #tpu.memory_space<hbm>>
    tpu.enqueue_indirect_dma source(%dma_start3A_377 : memref<65536x64xf32, #tpu.memory_space<hbm>>) target(%arg12 : memref<128x64xf32, #tpu.memory_space<vmem>>) offsets(%dma_start3A_374 : memref<128xi32, #tpu.memory_space<vmem>>) semaphore(%arg13 : memref<!tpu.dma_semaphore, #tpu.memory_space<semaphore_mem>>)
    %jit3A_378 = arith.constant 32768 : i32
    %div3A_379 = arith.divsi %mul3A_2, %jit3A_378 : i32
    %sign3A_380 = arith.constant 0 : i32
    %sign3A_381 = arith.cmpi sgt, %mul3A_2, %sign3A_380 : i32
    %sign3A_382 = arith.extui %sign3A_381 : i1 to i32
    %sign3A_383 = arith.constant 0 : i32
    %sign3A_384 = arith.cmpi slt, %mul3A_2, %sign3A_383 : i32
    %sign3A_385 = arith.extui %sign3A_384 : i1 to i32
    %sign3A_386 = arith.subi %sign3A_382, %sign3A_385 : i32
    %sign3A_387 = arith.constant 0 : i32
    %sign3A_388 = arith.cmpi sgt, %jit3A_378, %sign3A_387 : i32
    %sign3A_389 = arith.extui %sign3A_388 : i1 to i32
    %sign3A_390 = arith.constant 0 : i32
    %sign3A_391 = arith.cmpi slt, %jit3A_378, %sign3A_390 : i32
    %sign3A_392 = arith.extui %sign3A_391 : i1 to i32
    %sign3A_393 = arith.subi %sign3A_389, %sign3A_392 : i32
    %ne3A_394 = arith.cmpi ne, %sign3A_386, %sign3A_393 : i32
    %rem3A_395 = arith.remsi %mul3A_2, %jit3A_378 : i32
    %ne3A_396 = arith.constant 0 : i32
    %ne3A_397 = arith.cmpi ne, %rem3A_395, %ne3A_396 : i32
    %and3A_398 = arith.andi %ne3A_394, %ne3A_397 : i1
    %sub3A_399 = arith.constant 1 : i32
    %sub3A_400 = arith.subi %div3A_379, %sub3A_399 : i32
    %select_n3A_401 = arith.select %and3A_398, %sub3A_400, %div3A_379 : i32
    %mul3A_402 = arith.constant 32768 : i32
    %mul3A_403 = arith.muli %select_n3A_401, %mul3A_402 : i32
    %sub3A_404 = arith.subi %mul3A_2, %mul3A_403 : i32
    %add3A_405 = arith.constant 1024 : i32
    %add3A_406 = arith.addi %sub3A_404, %add3A_405 : i32
    %mul3A_407 = arith.constant 64 : i32
    %mul3A_408 = arith.muli %select_n3A_401, %mul3A_407 : i32
    %dma_start3A_409 = tpu.memref_slice %arg6[%add3A_406, %mul3A_408] : memref<32768x128xf32, #tpu.memory_space<hbm>> -> memref<128x64xf32, #tpu.memory_space<hbm>>
    %dma_start3A_410 = tpu.memref_slice %arg6[%add3A_406, %mul3A_408] : memref<32768x128xf32, #tpu.memory_space<hbm>> -> memref<128x64xf32, #tpu.memory_space<hbm>>
    tpu.enqueue_dma source(%arg11 : memref<128x64xf32, #tpu.memory_space<vmem>>) target(%dma_start3A_410 : memref<128x64xf32, #tpu.memory_space<hbm>>) target_semaphore(%arg14 : memref<!tpu.dma_semaphore, #tpu.memory_space<semaphore_mem>>)
    %dma_wait3A_411 = arith.constant 1152 : i32
    %dma_wait3A_412 = tpu.memref_slice %arg8[%dma_wait3A_411] : memref<2048xi32, #tpu.memory_space<vmem>> -> memref<128xi32, #tpu.memory_space<vmem>>
    %dma_wait3A_413 = arith.constant 0 : i32
    %dma_wait3A_414 = arith.constant 0 : i32
    %dma_wait3A_415 = tpu.memref_slice %arg3[%dma_wait3A_413, %dma_wait3A_414] : memref<65536x64xf32, #tpu.memory_space<hbm>> -> memref<65536x64xf32, #tpu.memory_space<hbm>>
    tpu.wait_indirect_dma semaphore(%arg13 : memref<!tpu.dma_semaphore, #tpu.memory_space<semaphore_mem>>) src(%dma_wait3A_415 : memref<65536x64xf32, #tpu.memory_space<hbm>>) dst(%arg12 : memref<128x64xf32, #tpu.memory_space<vmem>>)
    %dma_wait3A_416 = tpu.memref_slice %arg6[%add3A_406, %mul3A_408] : memref<32768x128xf32, #tpu.memory_space<hbm>> -> memref<128x64xf32, #tpu.memory_space<hbm>>
    %dma_wait3A_417 = tpu.memref_slice %arg6[%add3A_406, %mul3A_408] : memref<32768x128xf32, #tpu.memory_space<hbm>> -> memref<128x64xf32, #tpu.memory_space<hbm>>
    tpu.wait_dma2 semaphore(%arg14 : memref<!tpu.dma_semaphore, #tpu.memory_space<semaphore_mem>>) src(%arg11 : memref<128x64xf32, #tpu.memory_space<vmem>>) dst(%dma_wait3A_417 : memref<128x64xf32, #tpu.memory_space<hbm>>)
    %dma_start3A_418 = arith.constant 1280 : i32
    %dma_start3A_419 = tpu.memref_slice %arg8[%dma_start3A_418] : memref<2048xi32, #tpu.memory_space<vmem>> -> memref<128xi32, #tpu.memory_space<vmem>>
    %dma_start3A_420 = arith.constant 0 : i32
    %dma_start3A_421 = arith.constant 0 : i32
    %dma_start3A_422 = tpu.memref_slice %arg3[%dma_start3A_420, %dma_start3A_421] : memref<65536x64xf32, #tpu.memory_space<hbm>> -> memref<65536x64xf32, #tpu.memory_space<hbm>>
    tpu.enqueue_indirect_dma source(%dma_start3A_422 : memref<65536x64xf32, #tpu.memory_space<hbm>>) target(%arg11 : memref<128x64xf32, #tpu.memory_space<vmem>>) offsets(%dma_start3A_419 : memref<128xi32, #tpu.memory_space<vmem>>) semaphore(%arg13 : memref<!tpu.dma_semaphore, #tpu.memory_space<semaphore_mem>>)
    %jit3A_423 = arith.constant 32768 : i32
    %div3A_424 = arith.divsi %mul3A_2, %jit3A_423 : i32
    %sign3A_425 = arith.constant 0 : i32
    %sign3A_426 = arith.cmpi sgt, %mul3A_2, %sign3A_425 : i32
    %sign3A_427 = arith.extui %sign3A_426 : i1 to i32
    %sign3A_428 = arith.constant 0 : i32
    %sign3A_429 = arith.cmpi slt, %mul3A_2, %sign3A_428 : i32
    %sign3A_430 = arith.extui %sign3A_429 : i1 to i32
    %sign3A_431 = arith.subi %sign3A_427, %sign3A_430 : i32
    %sign3A_432 = arith.constant 0 : i32
    %sign3A_433 = arith.cmpi sgt, %jit3A_423, %sign3A_432 : i32
    %sign3A_434 = arith.extui %sign3A_433 : i1 to i32
    %sign3A_435 = arith.constant 0 : i32
    %sign3A_436 = arith.cmpi slt, %jit3A_423, %sign3A_435 : i32
    %sign3A_437 = arith.extui %sign3A_436 : i1 to i32
    %sign3A_438 = arith.subi %sign3A_434, %sign3A_437 : i32
    %ne3A_439 = arith.cmpi ne, %sign3A_431, %sign3A_438 : i32
    %rem3A_440 = arith.remsi %mul3A_2, %jit3A_423 : i32
    %ne3A_441 = arith.constant 0 : i32
    %ne3A_442 = arith.cmpi ne, %rem3A_440, %ne3A_441 : i32
    %and3A_443 = arith.andi %ne3A_439, %ne3A_442 : i1
    %sub3A_444 = arith.constant 1 : i32
    %sub3A_445 = arith.subi %div3A_424, %sub3A_444 : i32
    %select_n3A_446 = arith.select %and3A_443, %sub3A_445, %div3A_424 : i32
    %mul3A_447 = arith.constant 32768 : i32
    %mul3A_448 = arith.muli %select_n3A_446, %mul3A_447 : i32
    %sub3A_449 = arith.subi %mul3A_2, %mul3A_448 : i32
    %add3A_450 = arith.constant 1152 : i32
    %add3A_451 = arith.addi %sub3A_449, %add3A_450 : i32
    %mul3A_452 = arith.constant 64 : i32
    %mul3A_453 = arith.muli %select_n3A_446, %mul3A_452 : i32
    %dma_start3A_454 = tpu.memref_slice %arg6[%add3A_451, %mul3A_453] : memref<32768x128xf32, #tpu.memory_space<hbm>> -> memref<128x64xf32, #tpu.memory_space<hbm>>
    %dma_start3A_455 = tpu.memref_slice %arg6[%add3A_451, %mul3A_453] : memref<32768x128xf32, #tpu.memory_space<hbm>> -> memref<128x64xf32, #tpu.memory_space<hbm>>
    tpu.enqueue_dma source(%arg12 : memref<128x64xf32, #tpu.memory_space<vmem>>) target(%dma_start3A_455 : memref<128x64xf32, #tpu.memory_space<hbm>>) target_semaphore(%arg14 : memref<!tpu.dma_semaphore, #tpu.memory_space<semaphore_mem>>)
    %dma_wait3A_456 = arith.constant 1280 : i32
    %dma_wait3A_457 = tpu.memref_slice %arg8[%dma_wait3A_456] : memref<2048xi32, #tpu.memory_space<vmem>> -> memref<128xi32, #tpu.memory_space<vmem>>
    %dma_wait3A_458 = arith.constant 0 : i32
    %dma_wait3A_459 = arith.constant 0 : i32
    %dma_wait3A_460 = tpu.memref_slice %arg3[%dma_wait3A_458, %dma_wait3A_459] : memref<65536x64xf32, #tpu.memory_space<hbm>> -> memref<65536x64xf32, #tpu.memory_space<hbm>>
    tpu.wait_indirect_dma semaphore(%arg13 : memref<!tpu.dma_semaphore, #tpu.memory_space<semaphore_mem>>) src(%dma_wait3A_460 : memref<65536x64xf32, #tpu.memory_space<hbm>>) dst(%arg11 : memref<128x64xf32, #tpu.memory_space<vmem>>)
    %dma_wait3A_461 = tpu.memref_slice %arg6[%add3A_451, %mul3A_453] : memref<32768x128xf32, #tpu.memory_space<hbm>> -> memref<128x64xf32, #tpu.memory_space<hbm>>
    %dma_wait3A_462 = tpu.memref_slice %arg6[%add3A_451, %mul3A_453] : memref<32768x128xf32, #tpu.memory_space<hbm>> -> memref<128x64xf32, #tpu.memory_space<hbm>>
    tpu.wait_dma2 semaphore(%arg14 : memref<!tpu.dma_semaphore, #tpu.memory_space<semaphore_mem>>) src(%arg12 : memref<128x64xf32, #tpu.memory_space<vmem>>) dst(%dma_wait3A_462 : memref<128x64xf32, #tpu.memory_space<hbm>>)
    %dma_start3A_463 = arith.constant 1408 : i32
    %dma_start3A_464 = tpu.memref_slice %arg8[%dma_start3A_463] : memref<2048xi32, #tpu.memory_space<vmem>> -> memref<128xi32, #tpu.memory_space<vmem>>
    %dma_start3A_465 = arith.constant 0 : i32
    %dma_start3A_466 = arith.constant 0 : i32
    %dma_start3A_467 = tpu.memref_slice %arg3[%dma_start3A_465, %dma_start3A_466] : memref<65536x64xf32, #tpu.memory_space<hbm>> -> memref<65536x64xf32, #tpu.memory_space<hbm>>
    tpu.enqueue_indirect_dma source(%dma_start3A_467 : memref<65536x64xf32, #tpu.memory_space<hbm>>) target(%arg12 : memref<128x64xf32, #tpu.memory_space<vmem>>) offsets(%dma_start3A_464 : memref<128xi32, #tpu.memory_space<vmem>>) semaphore(%arg13 : memref<!tpu.dma_semaphore, #tpu.memory_space<semaphore_mem>>)
    %jit3A_468 = arith.constant 32768 : i32
    %div3A_469 = arith.divsi %mul3A_2, %jit3A_468 : i32
    %sign3A_470 = arith.constant 0 : i32
    %sign3A_471 = arith.cmpi sgt, %mul3A_2, %sign3A_470 : i32
    %sign3A_472 = arith.extui %sign3A_471 : i1 to i32
    %sign3A_473 = arith.constant 0 : i32
    %sign3A_474 = arith.cmpi slt, %mul3A_2, %sign3A_473 : i32
    %sign3A_475 = arith.extui %sign3A_474 : i1 to i32
    %sign3A_476 = arith.subi %sign3A_472, %sign3A_475 : i32
    %sign3A_477 = arith.constant 0 : i32
    %sign3A_478 = arith.cmpi sgt, %jit3A_468, %sign3A_477 : i32
    %sign3A_479 = arith.extui %sign3A_478 : i1 to i32
    %sign3A_480 = arith.constant 0 : i32
    %sign3A_481 = arith.cmpi slt, %jit3A_468, %sign3A_480 : i32
    %sign3A_482 = arith.extui %sign3A_481 : i1 to i32
    %sign3A_483 = arith.subi %sign3A_479, %sign3A_482 : i32
    %ne3A_484 = arith.cmpi ne, %sign3A_476, %sign3A_483 : i32
    %rem3A_485 = arith.remsi %mul3A_2, %jit3A_468 : i32
    %ne3A_486 = arith.constant 0 : i32
    %ne3A_487 = arith.cmpi ne, %rem3A_485, %ne3A_486 : i32
    %and3A_488 = arith.andi %ne3A_484, %ne3A_487 : i1
    %sub3A_489 = arith.constant 1 : i32
    %sub3A_490 = arith.subi %div3A_469, %sub3A_489 : i32
    %select_n3A_491 = arith.select %and3A_488, %sub3A_490, %div3A_469 : i32
    %mul3A_492 = arith.constant 32768 : i32
    %mul3A_493 = arith.muli %select_n3A_491, %mul3A_492 : i32
    %sub3A_494 = arith.subi %mul3A_2, %mul3A_493 : i32
    %add3A_495 = arith.constant 1280 : i32
    %add3A_496 = arith.addi %sub3A_494, %add3A_495 : i32
    %mul3A_497 = arith.constant 64 : i32
    %mul3A_498 = arith.muli %select_n3A_491, %mul3A_497 : i32
    %dma_start3A_499 = tpu.memref_slice %arg6[%add3A_496, %mul3A_498] : memref<32768x128xf32, #tpu.memory_space<hbm>> -> memref<128x64xf32, #tpu.memory_space<hbm>>
    %dma_start3A_500 = tpu.memref_slice %arg6[%add3A_496, %mul3A_498] : memref<32768x128xf32, #tpu.memory_space<hbm>> -> memref<128x64xf32, #tpu.memory_space<hbm>>
    tpu.enqueue_dma source(%arg11 : memref<128x64xf32, #tpu.memory_space<vmem>>) target(%dma_start3A_500 : memref<128x64xf32, #tpu.memory_space<hbm>>) target_semaphore(%arg14 : memref<!tpu.dma_semaphore, #tpu.memory_space<semaphore_mem>>)
    %dma_wait3A_501 = arith.constant 1408 : i32
    %dma_wait3A_502 = tpu.memref_slice %arg8[%dma_wait3A_501] : memref<2048xi32, #tpu.memory_space<vmem>> -> memref<128xi32, #tpu.memory_space<vmem>>
    %dma_wait3A_503 = arith.constant 0 : i32
    %dma_wait3A_504 = arith.constant 0 : i32
    %dma_wait3A_505 = tpu.memref_slice %arg3[%dma_wait3A_503, %dma_wait3A_504] : memref<65536x64xf32, #tpu.memory_space<hbm>> -> memref<65536x64xf32, #tpu.memory_space<hbm>>
    tpu.wait_indirect_dma semaphore(%arg13 : memref<!tpu.dma_semaphore, #tpu.memory_space<semaphore_mem>>) src(%dma_wait3A_505 : memref<65536x64xf32, #tpu.memory_space<hbm>>) dst(%arg12 : memref<128x64xf32, #tpu.memory_space<vmem>>)
    %dma_wait3A_506 = tpu.memref_slice %arg6[%add3A_496, %mul3A_498] : memref<32768x128xf32, #tpu.memory_space<hbm>> -> memref<128x64xf32, #tpu.memory_space<hbm>>
    %dma_wait3A_507 = tpu.memref_slice %arg6[%add3A_496, %mul3A_498] : memref<32768x128xf32, #tpu.memory_space<hbm>> -> memref<128x64xf32, #tpu.memory_space<hbm>>
    tpu.wait_dma2 semaphore(%arg14 : memref<!tpu.dma_semaphore, #tpu.memory_space<semaphore_mem>>) src(%arg11 : memref<128x64xf32, #tpu.memory_space<vmem>>) dst(%dma_wait3A_507 : memref<128x64xf32, #tpu.memory_space<hbm>>)
    %dma_start3A_508 = arith.constant 1536 : i32
    %dma_start3A_509 = tpu.memref_slice %arg8[%dma_start3A_508] : memref<2048xi32, #tpu.memory_space<vmem>> -> memref<128xi32, #tpu.memory_space<vmem>>
    %dma_start3A_510 = arith.constant 0 : i32
    %dma_start3A_511 = arith.constant 0 : i32
    %dma_start3A_512 = tpu.memref_slice %arg3[%dma_start3A_510, %dma_start3A_511] : memref<65536x64xf32, #tpu.memory_space<hbm>> -> memref<65536x64xf32, #tpu.memory_space<hbm>>
    tpu.enqueue_indirect_dma source(%dma_start3A_512 : memref<65536x64xf32, #tpu.memory_space<hbm>>) target(%arg11 : memref<128x64xf32, #tpu.memory_space<vmem>>) offsets(%dma_start3A_509 : memref<128xi32, #tpu.memory_space<vmem>>) semaphore(%arg13 : memref<!tpu.dma_semaphore, #tpu.memory_space<semaphore_mem>>)
    %jit3A_513 = arith.constant 32768 : i32
    %div3A_514 = arith.divsi %mul3A_2, %jit3A_513 : i32
    %sign3A_515 = arith.constant 0 : i32
    %sign3A_516 = arith.cmpi sgt, %mul3A_2, %sign3A_515 : i32
    %sign3A_517 = arith.extui %sign3A_516 : i1 to i32
    %sign3A_518 = arith.constant 0 : i32
    %sign3A_519 = arith.cmpi slt, %mul3A_2, %sign3A_518 : i32
    %sign3A_520 = arith.extui %sign3A_519 : i1 to i32
    %sign3A_521 = arith.subi %sign3A_517, %sign3A_520 : i32
    %sign3A_522 = arith.constant 0 : i32
    %sign3A_523 = arith.cmpi sgt, %jit3A_513, %sign3A_522 : i32
    %sign3A_524 = arith.extui %sign3A_523 : i1 to i32
    %sign3A_525 = arith.constant 0 : i32
    %sign3A_526 = arith.cmpi slt, %jit3A_513, %sign3A_525 : i32
    %sign3A_527 = arith.extui %sign3A_526 : i1 to i32
    %sign3A_528 = arith.subi %sign3A_524, %sign3A_527 : i32
    %ne3A_529 = arith.cmpi ne, %sign3A_521, %sign3A_528 : i32
    %rem3A_530 = arith.remsi %mul3A_2, %jit3A_513 : i32
    %ne3A_531 = arith.constant 0 : i32
    %ne3A_532 = arith.cmpi ne, %rem3A_530, %ne3A_531 : i32
    %and3A_533 = arith.andi %ne3A_529, %ne3A_532 : i1
    %sub3A_534 = arith.constant 1 : i32
    %sub3A_535 = arith.subi %div3A_514, %sub3A_534 : i32
    %select_n3A_536 = arith.select %and3A_533, %sub3A_535, %div3A_514 : i32
    %mul3A_537 = arith.constant 32768 : i32
    %mul3A_538 = arith.muli %select_n3A_536, %mul3A_537 : i32
    %sub3A_539 = arith.subi %mul3A_2, %mul3A_538 : i32
    %add3A_540 = arith.constant 1408 : i32
    %add3A_541 = arith.addi %sub3A_539, %add3A_540 : i32
    %mul3A_542 = arith.constant 64 : i32
    %mul3A_543 = arith.muli %select_n3A_536, %mul3A_542 : i32
    %dma_start3A_544 = tpu.memref_slice %arg6[%add3A_541, %mul3A_543] : memref<32768x128xf32, #tpu.memory_space<hbm>> -> memref<128x64xf32, #tpu.memory_space<hbm>>
    %dma_start3A_545 = tpu.memref_slice %arg6[%add3A_541, %mul3A_543] : memref<32768x128xf32, #tpu.memory_space<hbm>> -> memref<128x64xf32, #tpu.memory_space<hbm>>
    tpu.enqueue_dma source(%arg12 : memref<128x64xf32, #tpu.memory_space<vmem>>) target(%dma_start3A_545 : memref<128x64xf32, #tpu.memory_space<hbm>>) target_semaphore(%arg14 : memref<!tpu.dma_semaphore, #tpu.memory_space<semaphore_mem>>)
    %dma_wait3A_546 = arith.constant 1536 : i32
    %dma_wait3A_547 = tpu.memref_slice %arg8[%dma_wait3A_546] : memref<2048xi32, #tpu.memory_space<vmem>> -> memref<128xi32, #tpu.memory_space<vmem>>
    %dma_wait3A_548 = arith.constant 0 : i32
    %dma_wait3A_549 = arith.constant 0 : i32
    %dma_wait3A_550 = tpu.memref_slice %arg3[%dma_wait3A_548, %dma_wait3A_549] : memref<65536x64xf32, #tpu.memory_space<hbm>> -> memref<65536x64xf32, #tpu.memory_space<hbm>>
    tpu.wait_indirect_dma semaphore(%arg13 : memref<!tpu.dma_semaphore, #tpu.memory_space<semaphore_mem>>) src(%dma_wait3A_550 : memref<65536x64xf32, #tpu.memory_space<hbm>>) dst(%arg11 : memref<128x64xf32, #tpu.memory_space<vmem>>)
    %dma_wait3A_551 = tpu.memref_slice %arg6[%add3A_541, %mul3A_543] : memref<32768x128xf32, #tpu.memory_space<hbm>> -> memref<128x64xf32, #tpu.memory_space<hbm>>
    %dma_wait3A_552 = tpu.memref_slice %arg6[%add3A_541, %mul3A_543] : memref<32768x128xf32, #tpu.memory_space<hbm>> -> memref<128x64xf32, #tpu.memory_space<hbm>>
    tpu.wait_dma2 semaphore(%arg14 : memref<!tpu.dma_semaphore, #tpu.memory_space<semaphore_mem>>) src(%arg12 : memref<128x64xf32, #tpu.memory_space<vmem>>) dst(%dma_wait3A_552 : memref<128x64xf32, #tpu.memory_space<hbm>>)
    %dma_start3A_553 = arith.constant 1664 : i32
    %dma_start3A_554 = tpu.memref_slice %arg8[%dma_start3A_553] : memref<2048xi32, #tpu.memory_space<vmem>> -> memref<128xi32, #tpu.memory_space<vmem>>
    %dma_start3A_555 = arith.constant 0 : i32
    %dma_start3A_556 = arith.constant 0 : i32
    %dma_start3A_557 = tpu.memref_slice %arg3[%dma_start3A_555, %dma_start3A_556] : memref<65536x64xf32, #tpu.memory_space<hbm>> -> memref<65536x64xf32, #tpu.memory_space<hbm>>
    tpu.enqueue_indirect_dma source(%dma_start3A_557 : memref<65536x64xf32, #tpu.memory_space<hbm>>) target(%arg12 : memref<128x64xf32, #tpu.memory_space<vmem>>) offsets(%dma_start3A_554 : memref<128xi32, #tpu.memory_space<vmem>>) semaphore(%arg13 : memref<!tpu.dma_semaphore, #tpu.memory_space<semaphore_mem>>)
    %jit3A_558 = arith.constant 32768 : i32
    %div3A_559 = arith.divsi %mul3A_2, %jit3A_558 : i32
    %sign3A_560 = arith.constant 0 : i32
    %sign3A_561 = arith.cmpi sgt, %mul3A_2, %sign3A_560 : i32
    %sign3A_562 = arith.extui %sign3A_561 : i1 to i32
    %sign3A_563 = arith.constant 0 : i32
    %sign3A_564 = arith.cmpi slt, %mul3A_2, %sign3A_563 : i32
    %sign3A_565 = arith.extui %sign3A_564 : i1 to i32
    %sign3A_566 = arith.subi %sign3A_562, %sign3A_565 : i32
    %sign3A_567 = arith.constant 0 : i32
    %sign3A_568 = arith.cmpi sgt, %jit3A_558, %sign3A_567 : i32
    %sign3A_569 = arith.extui %sign3A_568 : i1 to i32
    %sign3A_570 = arith.constant 0 : i32
    %sign3A_571 = arith.cmpi slt, %jit3A_558, %sign3A_570 : i32
    %sign3A_572 = arith.extui %sign3A_571 : i1 to i32
    %sign3A_573 = arith.subi %sign3A_569, %sign3A_572 : i32
    %ne3A_574 = arith.cmpi ne, %sign3A_566, %sign3A_573 : i32
    %rem3A_575 = arith.remsi %mul3A_2, %jit3A_558 : i32
    %ne3A_576 = arith.constant 0 : i32
    %ne3A_577 = arith.cmpi ne, %rem3A_575, %ne3A_576 : i32
    %and3A_578 = arith.andi %ne3A_574, %ne3A_577 : i1
    %sub3A_579 = arith.constant 1 : i32
    %sub3A_580 = arith.subi %div3A_559, %sub3A_579 : i32
    %select_n3A_581 = arith.select %and3A_578, %sub3A_580, %div3A_559 : i32
    %mul3A_582 = arith.constant 32768 : i32
    %mul3A_583 = arith.muli %select_n3A_581, %mul3A_582 : i32
    %sub3A_584 = arith.subi %mul3A_2, %mul3A_583 : i32
    %add3A_585 = arith.constant 1536 : i32
    %add3A_586 = arith.addi %sub3A_584, %add3A_585 : i32
    %mul3A_587 = arith.constant 64 : i32
    %mul3A_588 = arith.muli %select_n3A_581, %mul3A_587 : i32
    %dma_start3A_589 = tpu.memref_slice %arg6[%add3A_586, %mul3A_588] : memref<32768x128xf32, #tpu.memory_space<hbm>> -> memref<128x64xf32, #tpu.memory_space<hbm>>
    %dma_start3A_590 = tpu.memref_slice %arg6[%add3A_586, %mul3A_588] : memref<32768x128xf32, #tpu.memory_space<hbm>> -> memref<128x64xf32, #tpu.memory_space<hbm>>
    tpu.enqueue_dma source(%arg11 : memref<128x64xf32, #tpu.memory_space<vmem>>) target(%dma_start3A_590 : memref<128x64xf32, #tpu.memory_space<hbm>>) target_semaphore(%arg14 : memref<!tpu.dma_semaphore, #tpu.memory_space<semaphore_mem>>)
    %dma_wait3A_591 = arith.constant 1664 : i32
    %dma_wait3A_592 = tpu.memref_slice %arg8[%dma_wait3A_591] : memref<2048xi32, #tpu.memory_space<vmem>> -> memref<128xi32, #tpu.memory_space<vmem>>
    %dma_wait3A_593 = arith.constant 0 : i32
    %dma_wait3A_594 = arith.constant 0 : i32
    %dma_wait3A_595 = tpu.memref_slice %arg3[%dma_wait3A_593, %dma_wait3A_594] : memref<65536x64xf32, #tpu.memory_space<hbm>> -> memref<65536x64xf32, #tpu.memory_space<hbm>>
    tpu.wait_indirect_dma semaphore(%arg13 : memref<!tpu.dma_semaphore, #tpu.memory_space<semaphore_mem>>) src(%dma_wait3A_595 : memref<65536x64xf32, #tpu.memory_space<hbm>>) dst(%arg12 : memref<128x64xf32, #tpu.memory_space<vmem>>)
    %dma_wait3A_596 = tpu.memref_slice %arg6[%add3A_586, %mul3A_588] : memref<32768x128xf32, #tpu.memory_space<hbm>> -> memref<128x64xf32, #tpu.memory_space<hbm>>
    %dma_wait3A_597 = tpu.memref_slice %arg6[%add3A_586, %mul3A_588] : memref<32768x128xf32, #tpu.memory_space<hbm>> -> memref<128x64xf32, #tpu.memory_space<hbm>>
    tpu.wait_dma2 semaphore(%arg14 : memref<!tpu.dma_semaphore, #tpu.memory_space<semaphore_mem>>) src(%arg11 : memref<128x64xf32, #tpu.memory_space<vmem>>) dst(%dma_wait3A_597 : memref<128x64xf32, #tpu.memory_space<hbm>>)
    %dma_start3A_598 = arith.constant 1792 : i32
    %dma_start3A_599 = tpu.memref_slice %arg8[%dma_start3A_598] : memref<2048xi32, #tpu.memory_space<vmem>> -> memref<128xi32, #tpu.memory_space<vmem>>
    %dma_start3A_600 = arith.constant 0 : i32
    %dma_start3A_601 = arith.constant 0 : i32
    %dma_start3A_602 = tpu.memref_slice %arg3[%dma_start3A_600, %dma_start3A_601] : memref<65536x64xf32, #tpu.memory_space<hbm>> -> memref<65536x64xf32, #tpu.memory_space<hbm>>
    tpu.enqueue_indirect_dma source(%dma_start3A_602 : memref<65536x64xf32, #tpu.memory_space<hbm>>) target(%arg11 : memref<128x64xf32, #tpu.memory_space<vmem>>) offsets(%dma_start3A_599 : memref<128xi32, #tpu.memory_space<vmem>>) semaphore(%arg13 : memref<!tpu.dma_semaphore, #tpu.memory_space<semaphore_mem>>)
    %jit3A_603 = arith.constant 32768 : i32
    %div3A_604 = arith.divsi %mul3A_2, %jit3A_603 : i32
    %sign3A_605 = arith.constant 0 : i32
    %sign3A_606 = arith.cmpi sgt, %mul3A_2, %sign3A_605 : i32
    %sign3A_607 = arith.extui %sign3A_606 : i1 to i32
    %sign3A_608 = arith.constant 0 : i32
    %sign3A_609 = arith.cmpi slt, %mul3A_2, %sign3A_608 : i32
    %sign3A_610 = arith.extui %sign3A_609 : i1 to i32
    %sign3A_611 = arith.subi %sign3A_607, %sign3A_610 : i32
    %sign3A_612 = arith.constant 0 : i32
    %sign3A_613 = arith.cmpi sgt, %jit3A_603, %sign3A_612 : i32
    %sign3A_614 = arith.extui %sign3A_613 : i1 to i32
    %sign3A_615 = arith.constant 0 : i32
    %sign3A_616 = arith.cmpi slt, %jit3A_603, %sign3A_615 : i32
    %sign3A_617 = arith.extui %sign3A_616 : i1 to i32
    %sign3A_618 = arith.subi %sign3A_614, %sign3A_617 : i32
    %ne3A_619 = arith.cmpi ne, %sign3A_611, %sign3A_618 : i32
    %rem3A_620 = arith.remsi %mul3A_2, %jit3A_603 : i32
    %ne3A_621 = arith.constant 0 : i32
    %ne3A_622 = arith.cmpi ne, %rem3A_620, %ne3A_621 : i32
    %and3A_623 = arith.andi %ne3A_619, %ne3A_622 : i1
    %sub3A_624 = arith.constant 1 : i32
    %sub3A_625 = arith.subi %div3A_604, %sub3A_624 : i32
    %select_n3A_626 = arith.select %and3A_623, %sub3A_625, %div3A_604 : i32
    %mul3A_627 = arith.constant 32768 : i32
    %mul3A_628 = arith.muli %select_n3A_626, %mul3A_627 : i32
    %sub3A_629 = arith.subi %mul3A_2, %mul3A_628 : i32
    %add3A_630 = arith.constant 1664 : i32
    %add3A_631 = arith.addi %sub3A_629, %add3A_630 : i32
    %mul3A_632 = arith.constant 64 : i32
    %mul3A_633 = arith.muli %select_n3A_626, %mul3A_632 : i32
    %dma_start3A_634 = tpu.memref_slice %arg6[%add3A_631, %mul3A_633] : memref<32768x128xf32, #tpu.memory_space<hbm>> -> memref<128x64xf32, #tpu.memory_space<hbm>>
    %dma_start3A_635 = tpu.memref_slice %arg6[%add3A_631, %mul3A_633] : memref<32768x128xf32, #tpu.memory_space<hbm>> -> memref<128x64xf32, #tpu.memory_space<hbm>>
    tpu.enqueue_dma source(%arg12 : memref<128x64xf32, #tpu.memory_space<vmem>>) target(%dma_start3A_635 : memref<128x64xf32, #tpu.memory_space<hbm>>) target_semaphore(%arg14 : memref<!tpu.dma_semaphore, #tpu.memory_space<semaphore_mem>>)
    %dma_wait3A_636 = arith.constant 1792 : i32
    %dma_wait3A_637 = tpu.memref_slice %arg8[%dma_wait3A_636] : memref<2048xi32, #tpu.memory_space<vmem>> -> memref<128xi32, #tpu.memory_space<vmem>>
    %dma_wait3A_638 = arith.constant 0 : i32
    %dma_wait3A_639 = arith.constant 0 : i32
    %dma_wait3A_640 = tpu.memref_slice %arg3[%dma_wait3A_638, %dma_wait3A_639] : memref<65536x64xf32, #tpu.memory_space<hbm>> -> memref<65536x64xf32, #tpu.memory_space<hbm>>
    tpu.wait_indirect_dma semaphore(%arg13 : memref<!tpu.dma_semaphore, #tpu.memory_space<semaphore_mem>>) src(%dma_wait3A_640 : memref<65536x64xf32, #tpu.memory_space<hbm>>) dst(%arg11 : memref<128x64xf32, #tpu.memory_space<vmem>>)
    %dma_wait3A_641 = tpu.memref_slice %arg6[%add3A_631, %mul3A_633] : memref<32768x128xf32, #tpu.memory_space<hbm>> -> memref<128x64xf32, #tpu.memory_space<hbm>>
    %dma_wait3A_642 = tpu.memref_slice %arg6[%add3A_631, %mul3A_633] : memref<32768x128xf32, #tpu.memory_space<hbm>> -> memref<128x64xf32, #tpu.memory_space<hbm>>
    tpu.wait_dma2 semaphore(%arg14 : memref<!tpu.dma_semaphore, #tpu.memory_space<semaphore_mem>>) src(%arg12 : memref<128x64xf32, #tpu.memory_space<vmem>>) dst(%dma_wait3A_642 : memref<128x64xf32, #tpu.memory_space<hbm>>)
    %dma_start3A_643 = arith.constant 1920 : i32
    %dma_start3A_644 = tpu.memref_slice %arg8[%dma_start3A_643] : memref<2048xi32, #tpu.memory_space<vmem>> -> memref<128xi32, #tpu.memory_space<vmem>>
    %dma_start3A_645 = arith.constant 0 : i32
    %dma_start3A_646 = arith.constant 0 : i32
    %dma_start3A_647 = tpu.memref_slice %arg3[%dma_start3A_645, %dma_start3A_646] : memref<65536x64xf32, #tpu.memory_space<hbm>> -> memref<65536x64xf32, #tpu.memory_space<hbm>>
    tpu.enqueue_indirect_dma source(%dma_start3A_647 : memref<65536x64xf32, #tpu.memory_space<hbm>>) target(%arg12 : memref<128x64xf32, #tpu.memory_space<vmem>>) offsets(%dma_start3A_644 : memref<128xi32, #tpu.memory_space<vmem>>) semaphore(%arg13 : memref<!tpu.dma_semaphore, #tpu.memory_space<semaphore_mem>>)
    %jit3A_648 = arith.constant 32768 : i32
    %div3A_649 = arith.divsi %mul3A_2, %jit3A_648 : i32
    %sign3A_650 = arith.constant 0 : i32
    %sign3A_651 = arith.cmpi sgt, %mul3A_2, %sign3A_650 : i32
    %sign3A_652 = arith.extui %sign3A_651 : i1 to i32
    %sign3A_653 = arith.constant 0 : i32
    %sign3A_654 = arith.cmpi slt, %mul3A_2, %sign3A_653 : i32
    %sign3A_655 = arith.extui %sign3A_654 : i1 to i32
    %sign3A_656 = arith.subi %sign3A_652, %sign3A_655 : i32
    %sign3A_657 = arith.constant 0 : i32
    %sign3A_658 = arith.cmpi sgt, %jit3A_648, %sign3A_657 : i32
    %sign3A_659 = arith.extui %sign3A_658 : i1 to i32
    %sign3A_660 = arith.constant 0 : i32
    %sign3A_661 = arith.cmpi slt, %jit3A_648, %sign3A_660 : i32
    %sign3A_662 = arith.extui %sign3A_661 : i1 to i32
    %sign3A_663 = arith.subi %sign3A_659, %sign3A_662 : i32
    %ne3A_664 = arith.cmpi ne, %sign3A_656, %sign3A_663 : i32
    %rem3A_665 = arith.remsi %mul3A_2, %jit3A_648 : i32
    %ne3A_666 = arith.constant 0 : i32
    %ne3A_667 = arith.cmpi ne, %rem3A_665, %ne3A_666 : i32
    %and3A_668 = arith.andi %ne3A_664, %ne3A_667 : i1
    %sub3A_669 = arith.constant 1 : i32
    %sub3A_670 = arith.subi %div3A_649, %sub3A_669 : i32
    %select_n3A_671 = arith.select %and3A_668, %sub3A_670, %div3A_649 : i32
    %mul3A_672 = arith.constant 32768 : i32
    %mul3A_673 = arith.muli %select_n3A_671, %mul3A_672 : i32
    %sub3A_674 = arith.subi %mul3A_2, %mul3A_673 : i32
    %add3A_675 = arith.constant 1792 : i32
    %add3A_676 = arith.addi %sub3A_674, %add3A_675 : i32
    %mul3A_677 = arith.constant 64 : i32
    %mul3A_678 = arith.muli %select_n3A_671, %mul3A_677 : i32
    %dma_start3A_679 = tpu.memref_slice %arg6[%add3A_676, %mul3A_678] : memref<32768x128xf32, #tpu.memory_space<hbm>> -> memref<128x64xf32, #tpu.memory_space<hbm>>
    %dma_start3A_680 = tpu.memref_slice %arg6[%add3A_676, %mul3A_678] : memref<32768x128xf32, #tpu.memory_space<hbm>> -> memref<128x64xf32, #tpu.memory_space<hbm>>
    tpu.enqueue_dma source(%arg11 : memref<128x64xf32, #tpu.memory_space<vmem>>) target(%dma_start3A_680 : memref<128x64xf32, #tpu.memory_space<hbm>>) target_semaphore(%arg14 : memref<!tpu.dma_semaphore, #tpu.memory_space<semaphore_mem>>)
    %dma_wait3A_681 = arith.constant 1920 : i32
    %dma_wait3A_682 = tpu.memref_slice %arg8[%dma_wait3A_681] : memref<2048xi32, #tpu.memory_space<vmem>> -> memref<128xi32, #tpu.memory_space<vmem>>
    %dma_wait3A_683 = arith.constant 0 : i32
    %dma_wait3A_684 = arith.constant 0 : i32
    %dma_wait3A_685 = tpu.memref_slice %arg3[%dma_wait3A_683, %dma_wait3A_684] : memref<65536x64xf32, #tpu.memory_space<hbm>> -> memref<65536x64xf32, #tpu.memory_space<hbm>>
    tpu.wait_indirect_dma semaphore(%arg13 : memref<!tpu.dma_semaphore, #tpu.memory_space<semaphore_mem>>) src(%dma_wait3A_685 : memref<65536x64xf32, #tpu.memory_space<hbm>>) dst(%arg12 : memref<128x64xf32, #tpu.memory_space<vmem>>)
    %jit3A_686 = arith.constant 32768 : i32
    %div3A_687 = arith.divsi %mul3A_2, %jit3A_686 : i32
    %sign3A_688 = arith.constant 0 : i32
    %sign3A_689 = arith.cmpi sgt, %mul3A_2, %sign3A_688 : i32
    %sign3A_690 = arith.extui %sign3A_689 : i1 to i32
    %sign3A_691 = arith.constant 0 : i32
    %sign3A_692 = arith.cmpi slt, %mul3A_2, %sign3A_691 : i32
    %sign3A_693 = arith.extui %sign3A_692 : i1 to i32
    %sign3A_694 = arith.subi %sign3A_690, %sign3A_693 : i32
    %sign3A_695 = arith.constant 0 : i32
    %sign3A_696 = arith.cmpi sgt, %jit3A_686, %sign3A_695 : i32
    %sign3A_697 = arith.extui %sign3A_696 : i1 to i32
    %sign3A_698 = arith.constant 0 : i32
    %sign3A_699 = arith.cmpi slt, %jit3A_686, %sign3A_698 : i32
    %sign3A_700 = arith.extui %sign3A_699 : i1 to i32
    %sign3A_701 = arith.subi %sign3A_697, %sign3A_700 : i32
    %ne3A_702 = arith.cmpi ne, %sign3A_694, %sign3A_701 : i32
    %rem3A_703 = arith.remsi %mul3A_2, %jit3A_686 : i32
    %ne3A_704 = arith.constant 0 : i32
    %ne3A_705 = arith.cmpi ne, %rem3A_703, %ne3A_704 : i32
    %and3A_706 = arith.andi %ne3A_702, %ne3A_705 : i1
    %sub3A_707 = arith.constant 1 : i32
    %sub3A_708 = arith.subi %div3A_687, %sub3A_707 : i32
    %select_n3A_709 = arith.select %and3A_706, %sub3A_708, %div3A_687 : i32
    %mul3A_710 = arith.constant 32768 : i32
    %mul3A_711 = arith.muli %select_n3A_709, %mul3A_710 : i32
    %sub3A_712 = arith.subi %mul3A_2, %mul3A_711 : i32
    %add3A_713 = arith.constant 1920 : i32
    %add3A_714 = arith.addi %sub3A_712, %add3A_713 : i32
    %mul3A_715 = arith.constant 64 : i32
    %mul3A_716 = arith.muli %select_n3A_709, %mul3A_715 : i32
    %dma_start3A_717 = tpu.memref_slice %arg6[%add3A_714, %mul3A_716] : memref<32768x128xf32, #tpu.memory_space<hbm>> -> memref<128x64xf32, #tpu.memory_space<hbm>>
    %dma_start3A_718 = tpu.memref_slice %arg6[%add3A_714, %mul3A_716] : memref<32768x128xf32, #tpu.memory_space<hbm>> -> memref<128x64xf32, #tpu.memory_space<hbm>>
    tpu.enqueue_dma source(%arg12 : memref<128x64xf32, #tpu.memory_space<vmem>>) target(%dma_start3A_718 : memref<128x64xf32, #tpu.memory_space<hbm>>) target_semaphore(%arg14 : memref<!tpu.dma_semaphore, #tpu.memory_space<semaphore_mem>>)
    %dma_wait3A_719 = tpu.memref_slice %arg6[%add3A_676, %mul3A_678] : memref<32768x128xf32, #tpu.memory_space<hbm>> -> memref<128x64xf32, #tpu.memory_space<hbm>>
    %dma_wait3A_720 = tpu.memref_slice %arg6[%add3A_676, %mul3A_678] : memref<32768x128xf32, #tpu.memory_space<hbm>> -> memref<128x64xf32, #tpu.memory_space<hbm>>
    tpu.wait_dma2 semaphore(%arg14 : memref<!tpu.dma_semaphore, #tpu.memory_space<semaphore_mem>>) src(%arg11 : memref<128x64xf32, #tpu.memory_space<vmem>>) dst(%dma_wait3A_720 : memref<128x64xf32, #tpu.memory_space<hbm>>)
    %dma_wait3A_721 = tpu.memref_slice %arg6[%add3A_714, %mul3A_716] : memref<32768x128xf32, #tpu.memory_space<hbm>> -> memref<128x64xf32, #tpu.memory_space<hbm>>
    %dma_wait3A_722 = tpu.memref_slice %arg6[%add3A_714, %mul3A_716] : memref<32768x128xf32, #tpu.memory_space<hbm>> -> memref<128x64xf32, #tpu.memory_space<hbm>>
    tpu.wait_dma2 semaphore(%arg14 : memref<!tpu.dma_semaphore, #tpu.memory_space<semaphore_mem>>) src(%arg12 : memref<128x64xf32, #tpu.memory_space<vmem>>) dst(%dma_wait3A_722 : memref<128x64xf32, #tpu.memory_space<hbm>>)
    return
  }
}

module attributes {stable_mosaic.version = 14 : i64} {
  func.func @_stats_body(%arg0: i32, %arg1: memref<64x16384xf32, #tpu.memory_space<vmem>>, %arg2: memref<1x16384xf32, #tpu.memory_space<vmem>>, %arg3: memref<64x1xf32, #tpu.memory_space<vmem>>, %arg4: memref<64x64xf32, #tpu.memory_space<vmem>>, %arg5: memref<64x64xf32, #tpu.memory_space<vmem>>, %arg6: memref<64x1xf32, #tpu.memory_space<vmem>>, %arg7: memref<1x1xf32, #tpu.memory_space<smem>>) attributes {dimension_semantics = [#tpu.dimension_semantics<arbitrary>], iteration_bounds = array<i64: 4>, scalar_prefetch = 0 : i64, scratch_operands = 3 : i64, tpu.core_type = #tpu.core_type<tc>, window_params = [{transform_indices = @transform_0, window_bounds = array<i64: 64, 16384>}, {transform_indices = @transform_1, window_bounds = array<i64: 1, 16384>}, {pipeline_mode = #tpu.pipeline_mode<synchronous>, transform_indices = @transform_2, window_bounds = array<i64: 64, 1>}, {pipeline_mode = #tpu.pipeline_mode<synchronous>, transform_indices = @transform_3, window_bounds = array<i64: 64, 64>}]} {
    %eq3A = arith.constant 0 : i32
    %eq3A_0 = arith.cmpi eq, %arg0, %eq3A : i32
    %convert_element_type3A = arith.extui %eq3A_0 : i1 to i32
    %cond3A = arith.constant 0 : i32
    %cond3A_1 = arith.cmpi ne, %convert_element_type3A, %cond3A : i32
    scf.if %cond3A_1 {
      %broadcast_in_dim3A_39 = arith.constant 0.000000e+00 : f32
      %broadcast_in_dim3A_40 = vector.broadcast %broadcast_in_dim3A_39 : f32 to vector<64x64xf32>
      %swap3A_41 = arith.constant 0 : index
      %swap3A_42 = arith.constant 0 : index
      %swap3A_43 = vector.load %arg5[%swap3A_41, %swap3A_42] : memref<64x64xf32, #tpu.memory_space<vmem>>, vector<64x64xf32>
      tpu.vector_store %arg5[%swap3A_41, %swap3A_42], %broadcast_in_dim3A_40 {strides = array<i32>} : memref<64x64xf32, #tpu.memory_space<vmem>>, vector<64x64xf32>,
      %broadcast_in_dim3A_44 = arith.constant 0.000000e+00 : f32
      %broadcast_in_dim3A_45 = vector.broadcast %broadcast_in_dim3A_44 : f32 to vector<64x1xf32>
      %swap3A_46 = arith.constant 0 : index
      %swap3A_47 = arith.constant 0 : index
      %swap3A_48 = vector.load %arg6[%swap3A_46, %swap3A_47] : memref<64x1xf32, #tpu.memory_space<vmem>>, vector<64x1xf32>
      tpu.vector_store %arg6[%swap3A_46, %swap3A_47], %broadcast_in_dim3A_45 {strides = array<i32>} : memref<64x1xf32, #tpu.memory_space<vmem>>, vector<64x1xf32>,
      %swap3A_49 = arith.constant 0.000000e+00 : f32
      %swap3A_50 = arith.constant 0 : index
      %swap3A_51 = arith.constant 0 : index
      %swap3A_52 = memref.load %arg7[%swap3A_50, %swap3A_51] : memref<1x1xf32, #tpu.memory_space<smem>>
      memref.store %swap3A_49, %arg7[%swap3A_50, %swap3A_51] : memref<1x1xf32, #tpu.memory_space<smem>>
    } else {
    }
    %get3A = arith.constant 0 : index
    %get3A_2 = arith.constant 0 : index
    %get3A_3 = vector.load %arg1[%get3A, %get3A_2] : memref<64x16384xf32, #tpu.memory_space<vmem>>, vector<64x16384xf32>
    %get3A_4 = arith.constant 0 : index
    %get3A_5 = arith.constant 0 : index
    %get3A_6 = vector.load %arg2[%get3A_4, %get3A_5] : memref<1x16384xf32, #tpu.memory_space<vmem>>, vector<1x16384xf32>
    %mul3A = vector.broadcast %get3A_6 : vector<1x16384xf32> to vector<64x16384xf32>
    %mul3A_7 = arith.mulf %get3A_3, %mul3A : vector<64x16384xf32>
    %get3A_8 = arith.constant 0 : index
    %get3A_9 = arith.constant 0 : index
    %get3A_10 = vector.load %arg5[%get3A_8, %get3A_9] : memref<64x64xf32, #tpu.memory_space<vmem>>, vector<64x64xf32>
    %dot_general3A = arith.constant dense<0.000000e+00> : vector<64x64xf32>
    %dot_general3A_11 = tpu.matmul %mul3A_7, %get3A_3, %dot_general3A {dimension_numbers = #tpu.dot_dimension_numbers<[1], [1], [0], [0], [0, 0, 1, 0], [], []>, transpose_lhs_hint = false} : vector<64x16384xf32>, vector<64x16384xf32>, vector<64x64xf32> -> vector<64x64xf32>
    %add3A = arith.addf %get3A_10, %dot_general3A_11 : vector<64x64xf32>
    %swap3A = arith.constant 0 : index
    %swap3A_12 = arith.constant 0 : index
    %swap3A_13 = vector.load %arg5[%swap3A, %swap3A_12] : memref<64x64xf32, #tpu.memory_space<vmem>>, vector<64x64xf32>
    tpu.vector_store %arg5[%swap3A, %swap3A_12], %add3A {strides = array<i32>} : memref<64x64xf32, #tpu.memory_space<vmem>>, vector<64x64xf32>,
    %get3A_14 = arith.constant 0 : index
    %get3A_15 = arith.constant 0 : index
    %get3A_16 = vector.load %arg6[%get3A_14, %get3A_15] : memref<64x1xf32, #tpu.memory_space<vmem>>, vector<64x1xf32>
    %reduce_sum3A = arith.constant dense<0.000000e+00> : vector<64xf32>
    %reduce_sum3A_17 = vector.multi_reduction <add>, %mul3A_7, %reduce_sum3A [1] : vector<64x16384xf32> to vector<64xf32>
    %broadcast_in_dim3A = vector.shape_cast %reduce_sum3A_17 : vector<64xf32> to vector<64x1xf32>
    %add3A_18 = arith.addf %get3A_16, %broadcast_in_dim3A : vector<64x1xf32>
    %swap3A_19 = arith.constant 0 : index
    %swap3A_20 = arith.constant 0 : index
    %swap3A_21 = vector.load %arg6[%swap3A_19, %swap3A_20] : memref<64x1xf32, #tpu.memory_space<vmem>>, vector<64x1xf32>
    tpu.vector_store %arg6[%swap3A_19, %swap3A_20], %add3A_18 {strides = array<i32>} : memref<64x1xf32, #tpu.memory_space<vmem>>, vector<64x1xf32>,
    %get3A_22 = arith.constant 0 : index
    %get3A_23 = arith.constant 0 : index
    %get3A_24 = memref.load %arg7[%get3A_22, %get3A_23] : memref<1x1xf32, #tpu.memory_space<smem>>
    %reduce_sum3A_25 = vector.shape_cast %get3A_6 : vector<1x16384xf32> to vector<1x1x16384xf32>
    %reduce_sum3A_26 = arith.constant dense<0.000000e+00> : vector<1xf32>
    %reduce_sum3A_27 = vector.multi_reduction <add>, %reduce_sum3A_25, %reduce_sum3A_26 [1, 2] : vector<1x1x16384xf32> to vector<1xf32>
    %reduce_sum3A_28 = vector.shape_cast %reduce_sum3A_27 : vector<1xf32> to vector<1x1x1xf32>
    %reduce_sum3A_29 = vector.extract %reduce_sum3A_28[0, 0, 0] : f32 from vector<1x1x1xf32>
    %add3A_30 = arith.addf %get3A_24, %reduce_sum3A_29 : f32
    %swap3A_31 = arith.constant 0 : index
    %swap3A_32 = arith.constant 0 : index
    %swap3A_33 = memref.load %arg7[%swap3A_31, %swap3A_32] : memref<1x1xf32, #tpu.memory_space<smem>>
    memref.store %add3A_30, %arg7[%swap3A_31, %swap3A_32] : memref<1x1xf32, #tpu.memory_space<smem>>
    %eq3A_34 = arith.constant 3 : i32
    %eq3A_35 = arith.cmpi eq, %arg0, %eq3A_34 : i32
    %convert_element_type3A_36 = arith.extui %eq3A_35 : i1 to i32
    %cond3A_37 = arith.constant 0 : i32
    %cond3A_38 = arith.cmpi ne, %convert_element_type3A_36, %cond3A_37 : i32
    scf.if %cond3A_38 {
      %get3A_39 = arith.constant 0 : index
      %get3A_40 = arith.constant 0 : index
      %get3A_41 = vector.load %arg6[%get3A_39, %get3A_40] : memref<64x1xf32, #tpu.memory_space<vmem>>, vector<64x1xf32>
      %get3A_42 = arith.constant 0 : index
      %get3A_43 = arith.constant 0 : index
      %get3A_44 = memref.load %arg7[%get3A_42, %get3A_43] : memref<1x1xf32, #tpu.memory_space<smem>>
      %dot_general3A_45 = arith.constant dense<0.000000e+00> : vector<64x64xf32>
      %dot_general3A_46 = tpu.matmul %get3A_41, %get3A_41, %dot_general3A_45 {dimension_numbers = #tpu.dot_dimension_numbers<[1], [1], [0], [0], [0, 0, 1, 0], [], []>, transpose_lhs_hint = false} : vector<64x1xf32>, vector<64x1xf32>, vector<64x64xf32> -> vector<64x64xf32>
      %get3A_47 = arith.constant 0 : index
      %get3A_48 = arith.constant 0 : index
      %get3A_49 = vector.load %arg5[%get3A_47, %get3A_48] : memref<64x64xf32, #tpu.memory_space<vmem>>, vector<64x64xf32>
      %sub3A = arith.constant 2.000000e+00 : f32
      %sub3A_50 = arith.subf %sub3A, %get3A_44 : f32
      %mul3A_51 = vector.broadcast %sub3A_50 : f32 to vector<64x64xf32>
      %mul3A_52 = arith.mulf %mul3A_51, %dot_general3A_46 : vector<64x64xf32>
      %sub3A_53 = arith.subf %get3A_49, %mul3A_52 : vector<64x64xf32>
      %mul3A_54 = arith.constant 3.960000e-02 : f32
      %mul3A_55 = vector.broadcast %mul3A_54 : f32 to vector<64x64xf32>
      %mul3A_56 = arith.mulf %sub3A_53, %mul3A_55 : vector<64x64xf32>
      %iota3A = tpu.iota {dimensions = array<i32: 0>} : vector<64x64xi32>
      %iota3A_57 = tpu.iota {dimensions = array<i32: 1>} : vector<64x64xi32>
      %iota3A_58 = tpu.iota {dimensions = array<i32: 0>} : vector<64x1xi32>
      %broadcast_in_dim3A_59 = arith.constant 0.000000e+00 : f32
      %broadcast_in_dim3A_60 = vector.broadcast %broadcast_in_dim3A_59 : f32 to vector<64x64xf32>
      %scan3A = arith.constant 0 : i32
      %scan3A_61 = arith.constant 64 : i32
      %scan3A_62 = arith.addi %scan3A, %scan3A_61 : i32
      %scan3A_63 = arith.constant 1 : i32
      %scan3A_64 = scf.for %scan3A_72 = %scan3A to %scan3A_62 step %scan3A_63 iter_args(%scan3A_73 = %broadcast_in_dim3A_60) -> (vector<64x64xf32>)  : i32 {
        %eq3A_74 = vector.broadcast %scan3A_72 : i32 to vector<64x64xi32>
        %eq3A_75 = arith.cmpi eq, %iota3A, %eq3A_74 : vector<64x64xi32>
        %jit3A = arith.constant 0.000000e+00 : f32
        %broadcast_in_dim3A_76 = vector.broadcast %jit3A : f32 to vector<64x64xf32>
        %select_n3A = arith.select %eq3A_75, %scan3A_73, %broadcast_in_dim3A_76 : vector<64x64xi1>, vector<64x64xf32>
        %reduce_sum3A_77 = arith.constant dense<0.000000e+00> : vector<64xf32>
        %reduce_sum3A_78 = vector.multi_reduction <add>, %select_n3A, %reduce_sum3A_77 [0] : vector<64x64xf32> to vector<64xf32>
        %broadcast_in_dim3A_79 = vector.shape_cast %reduce_sum3A_78 : vector<64xf32> to vector<1x64xf32>
        %mul3A_80 = vector.broadcast %broadcast_in_dim3A_79 : vector<1x64xf32> to vector<64x64xf32>
        %mul3A_81 = arith.mulf %scan3A_73, %mul3A_80 : vector<64x64xf32>
        %reduce_sum3A_82 = arith.constant dense<0.000000e+00> : vector<64xf32>
        %reduce_sum3A_83 = vector.multi_reduction <add>, %mul3A_81, %reduce_sum3A_82 [1] : vector<64x64xf32> to vector<64xf32>
        %broadcast_in_dim3A_84 = vector.shape_cast %reduce_sum3A_83 : vector<64xf32> to vector<64x1xf32>
        %eq3A_85 = vector.broadcast %scan3A_72 : i32 to vector<64x64xi32>
        %eq3A_86 = arith.cmpi eq, %iota3A_57, %eq3A_85 : vector<64x64xi32>
        %jit3A_87 = arith.constant 0.000000e+00 : f32
        %broadcast_in_dim3A_88 = vector.broadcast %jit3A_87 : f32 to vector<64x64xf32>
        %select_n3A_89 = arith.select %eq3A_86, %mul3A_56, %broadcast_in_dim3A_88 : vector<64x64xi1>, vector<64x64xf32>
        %reduce_sum3A_90 = arith.constant dense<0.000000e+00> : vector<64xf32>
        %reduce_sum3A_91 = vector.multi_reduction <add>, %select_n3A_89, %reduce_sum3A_90 [1] : vector<64x64xf32> to vector<64xf32>
        %broadcast_in_dim3A_92 = vector.shape_cast %reduce_sum3A_91 : vector<64xf32> to vector<64x1xf32>
        %sub3A_93 = arith.subf %broadcast_in_dim3A_92, %broadcast_in_dim3A_84 : vector<64x1xf32>
        %eq3A_94 = vector.broadcast %scan3A_72 : i32 to vector<64x1xi32>
        %eq3A_95 = arith.cmpi eq, %iota3A_58, %eq3A_94 : vector<64x1xi32>
        %jit3A_96 = arith.constant 0.000000e+00 : f32
        %broadcast_in_dim3A_97 = vector.broadcast %jit3A_96 : f32 to vector<64x1xf32>
        %select_n3A_98 = arith.select %eq3A_95, %sub3A_93, %broadcast_in_dim3A_97 : vector<64x1xi1>, vector<64x1xf32>
        %reduce_sum3A_99 = vector.shape_cast %select_n3A_98 : vector<64x1xf32> to vector<1x64x1xf32>
        %reduce_sum3A_100 = arith.constant dense<0.000000e+00> : vector<1xf32>
        %reduce_sum3A_101 = vector.multi_reduction <add>, %reduce_sum3A_99, %reduce_sum3A_100 [1, 2] : vector<1x64x1xf32> to vector<1xf32>
        %reduce_sum3A_102 = vector.shape_cast %reduce_sum3A_101 : vector<1xf32> to vector<1x1x1xf32>
        %reduce_sum3A_103 = vector.extract %reduce_sum3A_102[0, 0, 0] : f32 from vector<1x1x1xf32>
        %sqrt3A = math.sqrt %reduce_sum3A_103 : f32
        %div3A = vector.broadcast %sqrt3A : f32 to vector<64x1xf32>
        %div3A_104 = arith.divf %sub3A_93, %div3A : vector<64x1xf32>
        %eq3A_105 = vector.broadcast %scan3A_72 : i32 to vector<64x64xi32>
        %eq3A_106 = arith.cmpi eq, %iota3A_57, %eq3A_105 : vector<64x64xi32>
        %ge3A = vector.broadcast %scan3A_72 : i32 to vector<64x64xi32>
        %ge3A_107 = arith.cmpi sge, %iota3A, %ge3A : vector<64x64xi32>
        %and3A = arith.andi %eq3A_106, %ge3A_107 : vector<64x64xi1>
        %broadcast_in_dim3A_108 = vector.shape_cast %div3A_104 : vector<64x1xf32> to vector<64x1xf32>
        %broadcast_in_dim3A_109 = vector.broadcast %broadcast_in_dim3A_108 : vector<64x1xf32> to vector<64x64xf32>
        %select_n3A_110 = arith.select %and3A, %broadcast_in_dim3A_109, %scan3A_73 : vector<64x64xi1>, vector<64x64xf32>
        scf.yield %select_n3A_110 : vector<64x64xf32>
      }
      %scan3A_65 = arith.constant 64 : i32
      %swap3A_66 = arith.constant 0 : index
      %swap3A_67 = arith.constant 0 : index
      %swap3A_68 = vector.load %arg4[%swap3A_66, %swap3A_67] : memref<64x64xf32, #tpu.memory_space<vmem>>, vector<64x64xf32>
      tpu.vector_store %arg4[%swap3A_66, %swap3A_67], %scan3A_64 {strides = array<i32>} : memref<64x64xf32, #tpu.memory_space<vmem>>, vector<64x64xf32>,
      %swap3A_69 = arith.constant 0 : index
      %swap3A_70 = arith.constant 0 : index
      %swap3A_71 = vector.load %arg3[%swap3A_69, %swap3A_70] : memref<64x1xf32, #tpu.memory_space<vmem>>, vector<64x1xf32>
      tpu.vector_store %arg3[%swap3A_69, %swap3A_70], %get3A_41 {strides = array<i32>} : memref<64x1xf32, #tpu.memory_space<vmem>>, vector<64x1xf32>,
    } else {
    }
    return
  }
  func.func @transform_0(%arg0: i32) -> (i32, i32) {
    %c0_i32 = arith.constant 0 : i32
    %c0_i32_0 = arith.constant 0 : i32
    return %c0_i32, %arg0 : i32, i32
  }
  func.func @transform_1(%arg0: i32) -> (i32, i32) {
    %c0_i32 = arith.constant 0 : i32
    %c0_i32_0 = arith.constant 0 : i32
    return %c0_i32, %arg0 : i32, i32
  }
  func.func @transform_2(%arg0: i32) -> (i32, i32) {
    %c0_i32 = arith.constant 0 : i32
    %c0_i32_0 = arith.constant 0 : i32
    %c0_i32_1 = arith.constant 0 : i32
    return %c0_i32, %c0_i32_0 : i32, i32
  }
  func.func @transform_3(%arg0: i32) -> (i32, i32) {
    %c0_i32 = arith.constant 0 : i32
    %c0_i32_0 = arith.constant 0 : i32
    %c0_i32_1 = arith.constant 0 : i32
    return %c0_i32, %c0_i32_0 : i32, i32
  }
}

module attributes {stable_mosaic.version = 14 : i64} {
  func.func @_noise_body(%arg0: i32, %arg1: memref<2xi32, #tpu.memory_space<smem>>, %arg2: memref<1x128xf32, #tpu.memory_space<vmem>>, %arg3: memref<128x128xf32, #tpu.memory_space<vmem>>, %arg4: memref<256x128xf32, #tpu.memory_space<vmem>>) attributes {dimension_semantics = [#tpu.dimension_semantics<arbitrary>], iteration_bounds = array<i64: 128>, scalar_prefetch = 0 : i64, scratch_operands = 0 : i64, tpu.core_type = #tpu.core_type<tc>, window_params = [{transform_indices = @transform_0, window_bounds = array<i64: 2>}, {pipeline_mode = #tpu.pipeline_mode<synchronous>, transform_indices = @transform_1, window_bounds = array<i64: 1, 128>}, {pipeline_mode = #tpu.pipeline_mode<synchronous>, transform_indices = @transform_2, window_bounds = array<i64: 128, 128>}, {transform_indices = @transform_3, window_bounds = array<i64: 256, 128>}]} {
    %get3A = arith.constant 0 : index
    %get3A_0 = memref.load %arg1[%get3A] : memref<2xi32, #tpu.memory_space<smem>>
    %get3A_1 = arith.constant 1 : index
    %get3A_2 = memref.load %arg1[%get3A_1] : memref<2xi32, #tpu.memory_space<smem>>
    %iota3A = tpu.iota {dimensions = array<i32: 0>} : vector<256x128xi32>
    %iota3A_3 = tpu.iota {dimensions = array<i32: 1>} : vector<256x128xi32>
    %mul3A = arith.constant 256 : i32
    %mul3A_4 = arith.muli %arg0, %mul3A : i32
    %add3A = vector.broadcast %mul3A_4 : i32 to vector<256x128xi32>
    %add3A_5 = arith.addi %add3A, %iota3A : vector<256x128xi32>
    %mul3A_6 = arith.constant 64 : i32
    %mul3A_7 = vector.broadcast %mul3A_6 : i32 to vector<256x128xi32>
    %mul3A_8 = arith.muli %add3A_5, %mul3A_7 : vector<256x128xi32>
    %and3A = arith.constant 63 : i32
    %and3A_9 = vector.broadcast %and3A : i32 to vector<256x128xi32>
    %and3A_10 = arith.andi %iota3A_3, %and3A_9 : vector<256x128xi32>
    %shift_right_arithmetic3A = arith.constant 6 : i32
    %shift_right_arithmetic3A_11 = vector.broadcast %shift_right_arithmetic3A : i32 to vector<256x128xi32>
    %shift_right_arithmetic3A_12 = arith.shrsi %iota3A_3, %shift_right_arithmetic3A_11 : vector<256x128xi32>
    %mul3A_13 = arith.constant 2097152 : i32
    %mul3A_14 = vector.broadcast %mul3A_13 : i32 to vector<256x128xi32>
    %mul3A_15 = arith.muli %shift_right_arithmetic3A_12, %mul3A_14 : vector<256x128xi32>
    %add3A_16 = arith.addi %and3A_10, %mul3A_15 : vector<256x128xi32>
    %add3A_17 = arith.addi %mul3A_8, %add3A_16 : vector<256x128xi32>
    %xor3A = arith.xori %get3A_0, %get3A_2 : i32
    %xor3A_18 = arith.constant 466688986 : i32
    %xor3A_19 = arith.xori %xor3A, %xor3A_18 : i32
    %add3A_20 = arith.constant 0 : i32
    %add3A_21 = arith.addi %add3A_20, %get3A_0 : i32
    %add3A_22 = vector.broadcast %get3A_2 : i32 to vector<256x128xi32>
    %add3A_23 = arith.addi %add3A_17, %add3A_22 : vector<256x128xi32>
    %add3A_24 = vector.broadcast %add3A_21 : i32 to vector<256x128xi32>
    %add3A_25 = arith.addi %add3A_24, %add3A_23 : vector<256x128xi32>
    %shift_left3A = arith.constant 13 : i32
    %shift_left3A_26 = vector.broadcast %shift_left3A : i32 to vector<256x128xi32>
    %shift_left3A_27 = arith.shli %add3A_23, %shift_left3A_26 : vector<256x128xi32>
    %shift_right_logical3A = arith.constant 19 : i32
    %shift_right_logical3A_28 = vector.broadcast %shift_right_logical3A : i32 to vector<256x128xi32>
    %shift_right_logical3A_29 = arith.shrui %add3A_23, %shift_right_logical3A_28 : vector<256x128xi32>
    %or3A = arith.ori %shift_left3A_27, %shift_right_logical3A_29 : vector<256x128xi32>
    %xor3A_30 = arith.xori %add3A_25, %or3A : vector<256x128xi32>
    %add3A_31 = arith.addi %add3A_25, %xor3A_30 : vector<256x128xi32>
    %shift_left3A_32 = arith.constant 15 : i32
    %shift_left3A_33 = vector.broadcast %shift_left3A_32 : i32 to vector<256x128xi32>
    %shift_left3A_34 = arith.shli %xor3A_30, %shift_left3A_33 : vector<256x128xi32>
    %shift_right_logical3A_35 = arith.constant 17 : i32
    %shift_right_logical3A_36 = vector.broadcast %shift_right_logical3A_35 : i32 to vector<256x128xi32>
    %shift_right_logical3A_37 = arith.shrui %xor3A_30, %shift_right_logical3A_36 : vector<256x128xi32>
    %or3A_38 = arith.ori %shift_left3A_34, %shift_right_logical3A_37 : vector<256x128xi32>
    %xor3A_39 = arith.xori %add3A_31, %or3A_38 : vector<256x128xi32>
    %add3A_40 = arith.addi %add3A_31, %xor3A_39 : vector<256x128xi32>
    %shift_left3A_41 = arith.constant 26 : i32
    %shift_left3A_42 = vector.broadcast %shift_left3A_41 : i32 to vector<256x128xi32>
    %shift_left3A_43 = arith.shli %xor3A_39, %shift_left3A_42 : vector<256x128xi32>
    %shift_right_logical3A_44 = arith.constant 6 : i32
    %shift_right_logical3A_45 = vector.broadcast %shift_right_logical3A_44 : i32 to vector<256x128xi32>
    %shift_right_logical3A_46 = arith.shrui %xor3A_39, %shift_right_logical3A_45 : vector<256x128xi32>
    %or3A_47 = arith.ori %shift_left3A_43, %shift_right_logical3A_46 : vector<256x128xi32>
    %xor3A_48 = arith.xori %add3A_40, %or3A_47 : vector<256x128xi32>
    %add3A_49 = arith.addi %add3A_40, %xor3A_48 : vector<256x128xi32>
    %shift_left3A_50 = arith.constant 6 : i32
    %shift_left3A_51 = vector.broadcast %shift_left3A_50 : i32 to vector<256x128xi32>
    %shift_left3A_52 = arith.shli %xor3A_48, %shift_left3A_51 : vector<256x128xi32>
    %shift_right_logical3A_53 = arith.constant 26 : i32
    %shift_right_logical3A_54 = vector.broadcast %shift_right_logical3A_53 : i32 to vector<256x128xi32>
    %shift_right_logical3A_55 = arith.shrui %xor3A_48, %shift_right_logical3A_54 : vector<256x128xi32>
    %or3A_56 = arith.ori %shift_left3A_52, %shift_right_logical3A_55 : vector<256x128xi32>
    %xor3A_57 = arith.xori %add3A_49, %or3A_56 : vector<256x128xi32>
    %add3A_58 = vector.broadcast %get3A_2 : i32 to vector<256x128xi32>
    %add3A_59 = arith.addi %add3A_49, %add3A_58 : vector<256x128xi32>
    %add3A_60 = vector.broadcast %xor3A_19 : i32 to vector<256x128xi32>
    %add3A_61 = arith.addi %xor3A_57, %add3A_60 : vector<256x128xi32>
    %add3A_62 = arith.constant 1 : i32
    %add3A_63 = vector.broadcast %add3A_62 : i32 to vector<256x128xi32>
    %add3A_64 = arith.addi %add3A_61, %add3A_63 : vector<256x128xi32>
    %add3A_65 = arith.addi %add3A_59, %add3A_64 : vector<256x128xi32>
    %shift_left3A_66 = arith.constant 17 : i32
    %shift_left3A_67 = vector.broadcast %shift_left3A_66 : i32 to vector<256x128xi32>
    %shift_left3A_68 = arith.shli %add3A_64, %shift_left3A_67 : vector<256x128xi32>
    %shift_right_logical3A_69 = arith.constant 15 : i32
    %shift_right_logical3A_70 = vector.broadcast %shift_right_logical3A_69 : i32 to vector<256x128xi32>
    %shift_right_logical3A_71 = arith.shrui %add3A_64, %shift_right_logical3A_70 : vector<256x128xi32>
    %or3A_72 = arith.ori %shift_left3A_68, %shift_right_logical3A_71 : vector<256x128xi32>
    %xor3A_73 = arith.xori %add3A_65, %or3A_72 : vector<256x128xi32>
    %add3A_74 = arith.addi %add3A_65, %xor3A_73 : vector<256x128xi32>
    %shift_left3A_75 = arith.constant 29 : i32
    %shift_left3A_76 = vector.broadcast %shift_left3A_75 : i32 to vector<256x128xi32>
    %shift_left3A_77 = arith.shli %xor3A_73, %shift_left3A_76 : vector<256x128xi32>
    %shift_right_logical3A_78 = arith.constant 3 : i32
    %shift_right_logical3A_79 = vector.broadcast %shift_right_logical3A_78 : i32 to vector<256x128xi32>
    %shift_right_logical3A_80 = arith.shrui %xor3A_73, %shift_right_logical3A_79 : vector<256x128xi32>
    %or3A_81 = arith.ori %shift_left3A_77, %shift_right_logical3A_80 : vector<256x128xi32>
    %xor3A_82 = arith.xori %add3A_74, %or3A_81 : vector<256x128xi32>
    %add3A_83 = arith.addi %add3A_74, %xor3A_82 : vector<256x128xi32>
    %shift_left3A_84 = arith.constant 16 : i32
    %shift_left3A_85 = vector.broadcast %shift_left3A_84 : i32 to vector<256x128xi32>
    %shift_left3A_86 = arith.shli %xor3A_82, %shift_left3A_85 : vector<256x128xi32>
    %shift_right_logical3A_87 = arith.constant 16 : i32
    %shift_right_logical3A_88 = vector.broadcast %shift_right_logical3A_87 : i32 to vector<256x128xi32>
    %shift_right_logical3A_89 = arith.shrui %xor3A_82, %shift_right_logical3A_88 : vector<256x128xi32>
    %or3A_90 = arith.ori %shift_left3A_86, %shift_right_logical3A_89 : vector<256x128xi32>
    %xor3A_91 = arith.xori %add3A_83, %or3A_90 : vector<256x128xi32>
    %add3A_92 = arith.addi %add3A_83, %xor3A_91 : vector<256x128xi32>
    %shift_left3A_93 = arith.constant 24 : i32
    %shift_left3A_94 = vector.broadcast %shift_left3A_93 : i32 to vector<256x128xi32>
    %shift_left3A_95 = arith.shli %xor3A_91, %shift_left3A_94 : vector<256x128xi32>
    %shift_right_logical3A_96 = arith.constant 8 : i32
    %shift_right_logical3A_97 = vector.broadcast %shift_right_logical3A_96 : i32 to vector<256x128xi32>
    %shift_right_logical3A_98 = arith.shrui %xor3A_91, %shift_right_logical3A_97 : vector<256x128xi32>
    %or3A_99 = arith.ori %shift_left3A_95, %shift_right_logical3A_98 : vector<256x128xi32>
    %xor3A_100 = arith.xori %add3A_92, %or3A_99 : vector<256x128xi32>
    %add3A_101 = vector.broadcast %xor3A_19 : i32 to vector<256x128xi32>
    %add3A_102 = arith.addi %add3A_92, %add3A_101 : vector<256x128xi32>
    %add3A_103 = vector.broadcast %get3A_0 : i32 to vector<256x128xi32>
    %add3A_104 = arith.addi %xor3A_100, %add3A_103 : vector<256x128xi32>
    %add3A_105 = arith.constant 2 : i32
    %add3A_106 = vector.broadcast %add3A_105 : i32 to vector<256x128xi32>
    %add3A_107 = arith.addi %add3A_104, %add3A_106 : vector<256x128xi32>
    %add3A_108 = arith.addi %add3A_102, %add3A_107 : vector<256x128xi32>
    %shift_left3A_109 = arith.constant 13 : i32
    %shift_left3A_110 = vector.broadcast %shift_left3A_109 : i32 to vector<256x128xi32>
    %shift_left3A_111 = arith.shli %add3A_107, %shift_left3A_110 : vector<256x128xi32>
    %shift_right_logical3A_112 = arith.constant 19 : i32
    %shift_right_logical3A_113 = vector.broadcast %shift_right_logical3A_112 : i32 to vector<256x128xi32>
    %shift_right_logical3A_114 = arith.shrui %add3A_107, %shift_right_logical3A_113 : vector<256x128xi32>
    %or3A_115 = arith.ori %shift_left3A_111, %shift_right_logical3A_114 : vector<256x128xi32>
    %xor3A_116 = arith.xori %add3A_108, %or3A_115 : vector<256x128xi32>
    %add3A_117 = arith.addi %add3A_108, %xor3A_116 : vector<256x128xi32>
    %shift_left3A_118 = arith.constant 15 : i32
    %shift_left3A_119 = vector.broadcast %shift_left3A_118 : i32 to vector<256x128xi32>
    %shift_left3A_120 = arith.shli %xor3A_116, %shift_left3A_119 : vector<256x128xi32>
    %shift_right_logical3A_121 = arith.constant 17 : i32
    %shift_right_logical3A_122 = vector.broadcast %shift_right_logical3A_121 : i32 to vector<256x128xi32>
    %shift_right_logical3A_123 = arith.shrui %xor3A_116, %shift_right_logical3A_122 : vector<256x128xi32>
    %or3A_124 = arith.ori %shift_left3A_120, %shift_right_logical3A_123 : vector<256x128xi32>
    %xor3A_125 = arith.xori %add3A_117, %or3A_124 : vector<256x128xi32>
    %add3A_126 = arith.addi %add3A_117, %xor3A_125 : vector<256x128xi32>
    %shift_left3A_127 = arith.constant 26 : i32
    %shift_left3A_128 = vector.broadcast %shift_left3A_127 : i32 to vector<256x128xi32>
    %shift_left3A_129 = arith.shli %xor3A_125, %shift_left3A_128 : vector<256x128xi32>
    %shift_right_logical3A_130 = arith.constant 6 : i32
    %shift_right_logical3A_131 = vector.broadcast %shift_right_logical3A_130 : i32 to vector<256x128xi32>
    %shift_right_logical3A_132 = arith.shrui %xor3A_125, %shift_right_logical3A_131 : vector<256x128xi32>
    %or3A_133 = arith.ori %shift_left3A_129, %shift_right_logical3A_132 : vector<256x128xi32>
    %xor3A_134 = arith.xori %add3A_126, %or3A_133 : vector<256x128xi32>
    %add3A_135 = arith.addi %add3A_126, %xor3A_134 : vector<256x128xi32>
    %shift_left3A_136 = arith.constant 6 : i32
    %shift_left3A_137 = vector.broadcast %shift_left3A_136 : i32 to vector<256x128xi32>
    %shift_left3A_138 = arith.shli %xor3A_134, %shift_left3A_137 : vector<256x128xi32>
    %shift_right_logical3A_139 = arith.constant 26 : i32
    %shift_right_logical3A_140 = vector.broadcast %shift_right_logical3A_139 : i32 to vector<256x128xi32>
    %shift_right_logical3A_141 = arith.shrui %xor3A_134, %shift_right_logical3A_140 : vector<256x128xi32>
    %or3A_142 = arith.ori %shift_left3A_138, %shift_right_logical3A_141 : vector<256x128xi32>
    %xor3A_143 = arith.xori %add3A_135, %or3A_142 : vector<256x128xi32>
    %add3A_144 = vector.broadcast %get3A_0 : i32 to vector<256x128xi32>
    %add3A_145 = arith.addi %add3A_135, %add3A_144 : vector<256x128xi32>
    %add3A_146 = vector.broadcast %get3A_2 : i32 to vector<256x128xi32>
    %add3A_147 = arith.addi %xor3A_143, %add3A_146 : vector<256x128xi32>
    %add3A_148 = arith.constant 3 : i32
    %add3A_149 = vector.broadcast %add3A_148 : i32 to vector<256x128xi32>
    %add3A_150 = arith.addi %add3A_147, %add3A_149 : vector<256x128xi32>
    %add3A_151 = arith.addi %add3A_145, %add3A_150 : vector<256x128xi32>
    %shift_left3A_152 = arith.constant 17 : i32
    %shift_left3A_153 = vector.broadcast %shift_left3A_152 : i32 to vector<256x128xi32>
    %shift_left3A_154 = arith.shli %add3A_150, %shift_left3A_153 : vector<256x128xi32>
    %shift_right_logical3A_155 = arith.constant 15 : i32
    %shift_right_logical3A_156 = vector.broadcast %shift_right_logical3A_155 : i32 to vector<256x128xi32>
    %shift_right_logical3A_157 = arith.shrui %add3A_150, %shift_right_logical3A_156 : vector<256x128xi32>
    %or3A_158 = arith.ori %shift_left3A_154, %shift_right_logical3A_157 : vector<256x128xi32>
    %xor3A_159 = arith.xori %add3A_151, %or3A_158 : vector<256x128xi32>
    %add3A_160 = arith.addi %add3A_151, %xor3A_159 : vector<256x128xi32>
    %shift_left3A_161 = arith.constant 29 : i32
    %shift_left3A_162 = vector.broadcast %shift_left3A_161 : i32 to vector<256x128xi32>
    %shift_left3A_163 = arith.shli %xor3A_159, %shift_left3A_162 : vector<256x128xi32>
    %shift_right_logical3A_164 = arith.constant 3 : i32
    %shift_right_logical3A_165 = vector.broadcast %shift_right_logical3A_164 : i32 to vector<256x128xi32>
    %shift_right_logical3A_166 = arith.shrui %xor3A_159, %shift_right_logical3A_165 : vector<256x128xi32>
    %or3A_167 = arith.ori %shift_left3A_163, %shift_right_logical3A_166 : vector<256x128xi32>
    %xor3A_168 = arith.xori %add3A_160, %or3A_167 : vector<256x128xi32>
    %add3A_169 = arith.addi %add3A_160, %xor3A_168 : vector<256x128xi32>
    %shift_left3A_170 = arith.constant 16 : i32
    %shift_left3A_171 = vector.broadcast %shift_left3A_170 : i32 to vector<256x128xi32>
    %shift_left3A_172 = arith.shli %xor3A_168, %shift_left3A_171 : vector<256x128xi32>
    %shift_right_logical3A_173 = arith.constant 16 : i32
    %shift_right_logical3A_174 = vector.broadcast %shift_right_logical3A_173 : i32 to vector<256x128xi32>
    %shift_right_logical3A_175 = arith.shrui %xor3A_168, %shift_right_logical3A_174 : vector<256x128xi32>
    %or3A_176 = arith.ori %shift_left3A_172, %shift_right_logical3A_175 : vector<256x128xi32>
    %xor3A_177 = arith.xori %add3A_169, %or3A_176 : vector<256x128xi32>
    %add3A_178 = arith.addi %add3A_169, %xor3A_177 : vector<256x128xi32>
    %shift_left3A_179 = arith.constant 24 : i32
    %shift_left3A_180 = vector.broadcast %shift_left3A_179 : i32 to vector<256x128xi32>
    %shift_left3A_181 = arith.shli %xor3A_177, %shift_left3A_180 : vector<256x128xi32>
    %shift_right_logical3A_182 = arith.constant 8 : i32
    %shift_right_logical3A_183 = vector.broadcast %shift_right_logical3A_182 : i32 to vector<256x128xi32>
    %shift_right_logical3A_184 = arith.shrui %xor3A_177, %shift_right_logical3A_183 : vector<256x128xi32>
    %or3A_185 = arith.ori %shift_left3A_181, %shift_right_logical3A_184 : vector<256x128xi32>
    %xor3A_186 = arith.xori %add3A_178, %or3A_185 : vector<256x128xi32>
    %add3A_187 = vector.broadcast %get3A_2 : i32 to vector<256x128xi32>
    %add3A_188 = arith.addi %add3A_178, %add3A_187 : vector<256x128xi32>
    %add3A_189 = vector.broadcast %xor3A_19 : i32 to vector<256x128xi32>
    %add3A_190 = arith.addi %xor3A_186, %add3A_189 : vector<256x128xi32>
    %add3A_191 = arith.constant 4 : i32
    %add3A_192 = vector.broadcast %add3A_191 : i32 to vector<256x128xi32>
    %add3A_193 = arith.addi %add3A_190, %add3A_192 : vector<256x128xi32>
    %add3A_194 = arith.addi %add3A_188, %add3A_193 : vector<256x128xi32>
    %shift_left3A_195 = arith.constant 13 : i32
    %shift_left3A_196 = vector.broadcast %shift_left3A_195 : i32 to vector<256x128xi32>
    %shift_left3A_197 = arith.shli %add3A_193, %shift_left3A_196 : vector<256x128xi32>
    %shift_right_logical3A_198 = arith.constant 19 : i32
    %shift_right_logical3A_199 = vector.broadcast %shift_right_logical3A_198 : i32 to vector<256x128xi32>
    %shift_right_logical3A_200 = arith.shrui %add3A_193, %shift_right_logical3A_199 : vector<256x128xi32>
    %or3A_201 = arith.ori %shift_left3A_197, %shift_right_logical3A_200 : vector<256x128xi32>
    %xor3A_202 = arith.xori %add3A_194, %or3A_201 : vector<256x128xi32>
    %add3A_203 = arith.addi %add3A_194, %xor3A_202 : vector<256x128xi32>
    %shift_left3A_204 = arith.constant 15 : i32
    %shift_left3A_205 = vector.broadcast %shift_left3A_204 : i32 to vector<256x128xi32>
    %shift_left3A_206 = arith.shli %xor3A_202, %shift_left3A_205 : vector<256x128xi32>
    %shift_right_logical3A_207 = arith.constant 17 : i32
    %shift_right_logical3A_208 = vector.broadcast %shift_right_logical3A_207 : i32 to vector<256x128xi32>
    %shift_right_logical3A_209 = arith.shrui %xor3A_202, %shift_right_logical3A_208 : vector<256x128xi32>
    %or3A_210 = arith.ori %shift_left3A_206, %shift_right_logical3A_209 : vector<256x128xi32>
    %xor3A_211 = arith.xori %add3A_203, %or3A_210 : vector<256x128xi32>
    %add3A_212 = arith.addi %add3A_203, %xor3A_211 : vector<256x128xi32>
    %shift_left3A_213 = arith.constant 26 : i32
    %shift_left3A_214 = vector.broadcast %shift_left3A_213 : i32 to vector<256x128xi32>
    %shift_left3A_215 = arith.shli %xor3A_211, %shift_left3A_214 : vector<256x128xi32>
    %shift_right_logical3A_216 = arith.constant 6 : i32
    %shift_right_logical3A_217 = vector.broadcast %shift_right_logical3A_216 : i32 to vector<256x128xi32>
    %shift_right_logical3A_218 = arith.shrui %xor3A_211, %shift_right_logical3A_217 : vector<256x128xi32>
    %or3A_219 = arith.ori %shift_left3A_215, %shift_right_logical3A_218 : vector<256x128xi32>
    %xor3A_220 = arith.xori %add3A_212, %or3A_219 : vector<256x128xi32>
    %add3A_221 = arith.addi %add3A_212, %xor3A_220 : vector<256x128xi32>
    %shift_left3A_222 = arith.constant 6 : i32
    %shift_left3A_223 = vector.broadcast %shift_left3A_222 : i32 to vector<256x128xi32>
    %shift_left3A_224 = arith.shli %xor3A_220, %shift_left3A_223 : vector<256x128xi32>
    %shift_right_logical3A_225 = arith.constant 26 : i32
    %shift_right_logical3A_226 = vector.broadcast %shift_right_logical3A_225 : i32 to vector<256x128xi32>
    %shift_right_logical3A_227 = arith.shrui %xor3A_220, %shift_right_logical3A_226 : vector<256x128xi32>
    %or3A_228 = arith.ori %shift_left3A_224, %shift_right_logical3A_227 : vector<256x128xi32>
    %xor3A_229 = arith.xori %add3A_221, %or3A_228 : vector<256x128xi32>
    %add3A_230 = vector.broadcast %xor3A_19 : i32 to vector<256x128xi32>
    %add3A_231 = arith.addi %add3A_221, %add3A_230 : vector<256x128xi32>
    %add3A_232 = vector.broadcast %get3A_0 : i32 to vector<256x128xi32>
    %add3A_233 = arith.addi %xor3A_229, %add3A_232 : vector<256x128xi32>
    %add3A_234 = arith.constant 5 : i32
    %add3A_235 = vector.broadcast %add3A_234 : i32 to vector<256x128xi32>
    %add3A_236 = arith.addi %add3A_233, %add3A_235 : vector<256x128xi32>
    %xor3A_237 = arith.xori %add3A_231, %add3A_236 : vector<256x128xi32>
    %shift_right_logical3A_238 = arith.constant 9 : i32
    %shift_right_logical3A_239 = vector.broadcast %shift_right_logical3A_238 : i32 to vector<256x128xi32>
    %shift_right_logical3A_240 = arith.shrui %xor3A_237, %shift_right_logical3A_239 : vector<256x128xi32>
    %or3A_241 = arith.constant 1065353216 : i32
    %or3A_242 = vector.broadcast %or3A_241 : i32 to vector<256x128xi32>
    %or3A_243 = arith.ori %shift_right_logical3A_240, %or3A_242 : vector<256x128xi32>
    %bitcast_convert_type3A = tpu.bitcast %or3A_243 : vector<256x128xi32> -> vector<256x128xf32>
    %sub3A = arith.constant 1.000000e+00 : f32
    %sub3A_244 = vector.broadcast %sub3A : f32 to vector<256x128xf32>
    %sub3A_245 = arith.subf %bitcast_convert_type3A, %sub3A_244 : vector<256x128xf32>
    %mul3A_246 = arith.constant 2.000000e+00 : f32
    %mul3A_247 = vector.broadcast %mul3A_246 : f32 to vector<256x128xf32>
    %mul3A_248 = arith.mulf %sub3A_245, %mul3A_247 : vector<256x128xf32>
    %add3A_249 = arith.constant -0.99999994 : f32
    %add3A_250 = vector.broadcast %add3A_249 : f32 to vector<256x128xf32>
    %add3A_251 = arith.addf %mul3A_248, %add3A_250 : vector<256x128xf32>
    %max3A = arith.constant -0.99999994 : f32
    %max3A_252 = vector.broadcast %max3A : f32 to vector<256x128xf32>
    %max3A_253 = arith.maximumf %max3A_252, %add3A_251 : vector<256x128xf32>
    %sub3A_254 = arith.constant 1.000000e+00 : f32
    %sub3A_255 = vector.broadcast %sub3A_254 : f32 to vector<256x128xf32>
    %sub3A_256 = arith.subf %sub3A_255, %max3A_253 : vector<256x128xf32>
    %add3A_257 = arith.constant 1.000000e+00 : f32
    %add3A_258 = vector.broadcast %add3A_257 : f32 to vector<256x128xf32>
    %add3A_259 = arith.addf %add3A_258, %max3A_253 : vector<256x128xf32>
    %mul3A_260 = arith.mulf %sub3A_256, %add3A_259 : vector<256x128xf32>
    %log3A = math.log %mul3A_260 : vector<256x128xf32>
    %neg3A = arith.constant 0.000000e+00 : f32
    %neg3A_261 = vector.broadcast %neg3A : f32 to vector<256x128xf32>
    %neg3A_262 = arith.subf %neg3A_261, %log3A : vector<256x128xf32>
    %sqrt3A = math.sqrt %neg3A_262 : vector<256x128xf32>
    %mul3A_263 = arith.constant 3.20952764E-4 : f32
    %mul3A_264 = vector.broadcast %mul3A_263 : f32 to vector<256x128xf32>
    %mul3A_265 = arith.mulf %mul3A_264, %sqrt3A : vector<256x128xf32>
    %add3A_266 = arith.constant -0.00589907449 : f32
    %add3A_267 = vector.broadcast %add3A_266 : f32 to vector<256x128xf32>
    %add3A_268 = arith.addf %mul3A_265, %add3A_267 : vector<256x128xf32>
    %mul3A_269 = arith.mulf %add3A_268, %sqrt3A : vector<256x128xf32>
    %add3A_270 = arith.constant 0.0435519777 : f32
    %add3A_271 = vector.broadcast %add3A_270 : f32 to vector<256x128xf32>
    %add3A_272 = arith.addf %mul3A_269, %add3A_271 : vector<256x128xf32>
    %mul3A_273 = arith.mulf %add3A_272, %sqrt3A : vector<256x128xf32>
    %add3A_274 = arith.constant -0.161653787 : f32
    %add3A_275 = vector.broadcast %add3A_274 : f32 to vector<256x128xf32>
    %add3A_276 = arith.addf %mul3A_273, %add3A_275 : vector<256x128xf32>
    %mul3A_277 = arith.mulf %add3A_276, %sqrt3A : vector<256x128xf32>
    %add3A_278 = arith.constant 0.306063563 : f32
    %add3A_279 = vector.broadcast %add3A_278 : f32 to vector<256x128xf32>
    %add3A_280 = arith.addf %mul3A_277, %add3A_279 : vector<256x128xf32>
    %mul3A_281 = arith.mulf %add3A_280, %sqrt3A : vector<256x128xf32>
    %add3A_282 = arith.constant -0.290852606 : f32
    %add3A_283 = vector.broadcast %add3A_282 : f32 to vector<256x128xf32>
    %add3A_284 = arith.addf %mul3A_281, %add3A_283 : vector<256x128xf32>
    %mul3A_285 = arith.mulf %add3A_284, %sqrt3A : vector<256x128xf32>
    %add3A_286 = arith.constant 0.382224649 : f32
    %add3A_287 = vector.broadcast %add3A_286 : f32 to vector<256x128xf32>
    %add3A_288 = arith.addf %mul3A_285, %add3A_287 : vector<256x128xf32>
    %mul3A_289 = arith.mulf %add3A_288, %sqrt3A : vector<256x128xf32>
    %add3A_290 = arith.constant -0.0353325419 : f32
    %add3A_291 = vector.broadcast %add3A_290 : f32 to vector<256x128xf32>
    %add3A_292 = arith.addf %mul3A_289, %add3A_291 : vector<256x128xf32>
    %mul3A_293 = arith.mulf %add3A_292, %sqrt3A : vector<256x128xf32>
    %add3A_294 = arith.constant 0.888815224 : f32
    %add3A_295 = vector.broadcast %add3A_294 : f32 to vector<256x128xf32>
    %add3A_296 = arith.addf %mul3A_293, %add3A_295 : vector<256x128xf32>
    %mul3A_297 = arith.mulf %add3A_296, %max3A_253 : vector<256x128xf32>
    %mul3A_298 = arith.constant 1.41421354 : f32
    %mul3A_299 = vector.broadcast %mul3A_298 : f32 to vector<256x128xf32>
    %mul3A_300 = arith.mulf %mul3A_299, %mul3A_297 : vector<256x128xf32>
    %get3A_301 = arith.constant 0 : index
    %get3A_302 = arith.constant 0 : index
    %get3A_303 = vector.load %arg3[%get3A_301, %get3A_302] : memref<128x128xf32, #tpu.memory_space<vmem>>, vector<128x128xf32>
    %dot_general3A = arith.constant dense<0.000000e+00> : vector<256x128xf32>
    %dot_general3A_304 = tpu.matmul %mul3A_300, %get3A_303, %dot_general3A {dimension_numbers = #tpu.dot_dimension_numbers<[1], [0], [0], [1], [0, 0, 1, 1], [], []>, transpose_lhs_hint = false} : vector<256x128xf32>, vector<128x128xf32>, vector<256x128xf32> -> vector<256x128xf32>
    %get3A_305 = arith.constant 0 : index
    %get3A_306 = arith.constant 0 : index
    %get3A_307 = vector.load %arg2[%get3A_305, %get3A_306] : memref<1x128xf32, #tpu.memory_space<vmem>>, vector<1x128xf32>
    %mul3A_308 = arith.constant 2.000000e-02 : f32
    %mul3A_309 = vector.broadcast %mul3A_308 : f32 to vector<1x128xf32>
    %mul3A_310 = arith.mulf %mul3A_309, %get3A_307 : vector<1x128xf32>
    %add3A_311 = vector.broadcast %mul3A_310 : vector<1x128xf32> to vector<256x128xf32>
    %add3A_312 = arith.addf %add3A_311, %dot_general3A_304 : vector<256x128xf32>
    %swap3A = arith.constant 0 : index
    %swap3A_313 = arith.constant 0 : index
    %swap3A_314 = vector.load %arg4[%swap3A, %swap3A_313] : memref<256x128xf32, #tpu.memory_space<vmem>>, vector<256x128xf32>
    tpu.vector_store %arg4[%swap3A, %swap3A_313], %add3A_312 {strides = array<i32>} : memref<256x128xf32, #tpu.memory_space<vmem>>, vector<256x128xf32>,
    return
  }
  func.func @transform_0(%arg0: i32) -> i32 {
    %c0_i32 = arith.constant 0 : i32
    %c0_i32_0 = arith.constant 0 : i32
    return %c0_i32 : i32
  }
  func.func @transform_1(%arg0: i32) -> (i32, i32) {
    %c0_i32 = arith.constant 0 : i32
    %c0_i32_0 = arith.constant 0 : i32
    %c0_i32_1 = arith.constant 0 : i32
    return %c0_i32, %c0_i32_0 : i32, i32
  }
  func.func @transform_2(%arg0: i32) -> (i32, i32) {
    %c0_i32 = arith.constant 0 : i32
    %c0_i32_0 = arith.constant 0 : i32
    %c0_i32_1 = arith.constant 0 : i32
    return %c0_i32, %c0_i32_0 : i32, i32
  }
  func.func @transform_3(%arg0: i32) -> (i32, i32) {
    %c0_i32 = arith.constant 0 : i32
    %c0_i32_0 = arith.constant 0 : i32
    return %arg0, %c0_i32 : i32, i32
  }
}

module attributes {stable_mosaic.version = 14 : i64} {
  func.func @_final_body(%arg0: i32, %arg1: i32, %arg2: memref<4096x128xf32, #tpu.memory_space<vmem>>, %arg3: memref<4096x128xf32, #tpu.memory_space<vmem>>, %arg4: memref<64x4096xf32, #tpu.memory_space<vmem>>) attributes {dimension_semantics = [#tpu.dimension_semantics<arbitrary>, #tpu.dimension_semantics<arbitrary>], iteration_bounds = array<i64: 8, 2>, scalar_prefetch = 0 : i64, scratch_operands = 0 : i64, tpu.core_type = #tpu.core_type<tc>, window_params = [{transform_indices = @transform_0, window_bounds = array<i64: 4096, 128>}, {transform_indices = @transform_1, window_bounds = array<i64: 4096, 128>}, {transform_indices = @transform_2, window_bounds = array<i64: 64, 4096>}]} {
    %get3A = arith.constant 0 : index
    %get3A_0 = arith.constant 0 : index
    %get3A_1 = vector.load %arg2[%get3A, %get3A_0] : memref<4096x128xf32, #tpu.memory_space<vmem>>, vector<4096x128xf32>
    %mul3A = arith.constant 9.800000e-01 : f32
    %mul3A_2 = vector.broadcast %mul3A : f32 to vector<4096x128xf32>
    %mul3A_3 = arith.mulf %mul3A_2, %get3A_1 : vector<4096x128xf32>
    %get3A_4 = arith.constant 0 : index
    %get3A_5 = arith.constant 0 : index
    %get3A_6 = vector.load %arg3[%get3A_4, %get3A_5] : memref<4096x128xf32, #tpu.memory_space<vmem>>, vector<4096x128xf32>
    %add3A = arith.addf %mul3A_3, %get3A_6 : vector<4096x128xf32>
    %eq3A = arith.constant 0 : i32
    %eq3A_7 = arith.cmpi eq, %arg1, %eq3A : i32
    %slice3A = vector.extract_strided_slice %add3A {offsets = [0, 0], sizes = [4096, 64], strides = [1, 1]} : vector<4096x128xf32> to vector<4096x64xf32>
    %slice3A_8 = vector.extract_strided_slice %add3A {offsets = [0, 64], sizes = [4096, 64], strides = [1, 1]} : vector<4096x128xf32> to vector<4096x64xf32>
    %select_n3A = arith.select %eq3A_7, %slice3A, %slice3A_8 : vector<4096x64xf32>
    %transpose3A = tpu.transpose %select_n3A, [1, 0] : vector<4096x64xf32> -> vector<64x4096xf32>
    %swap3A = arith.constant 0 : index
    %swap3A_9 = arith.constant 0 : index
    %swap3A_10 = vector.load %arg4[%swap3A, %swap3A_9] : memref<64x4096xf32, #tpu.memory_space<vmem>>, vector<64x4096xf32>
    tpu.vector_store %arg4[%swap3A, %swap3A_9], %transpose3A {strides = array<i32>} : memref<64x4096xf32, #tpu.memory_space<vmem>>, vector<64x4096xf32>,
    return
  }
  func.func @transform_0(%arg0: i32, %arg1: i32) -> (i32, i32) {
    %c0_i32 = arith.constant 0 : i32
    %c0_i32_0 = arith.constant 0 : i32
    return %arg0, %c0_i32 : i32, i32
  }
  func.func @transform_1(%arg0: i32, %arg1: i32) -> (i32, i32) {
    %c0_i32 = arith.constant 0 : i32
    %c0_i32_0 = arith.constant 0 : i32
    return %arg0, %c0_i32 : i32, i32
  }
  func.func @transform_2(%arg0: i32, %arg1: i32) -> (i32, i32) {
    %mul3A = arith.constant 8 : i32
    %mul3A_0 = arith.muli %arg1, %mul3A : i32
    %add3A = arith.addi %mul3A_0, %arg0 : i32
    %c0_i32 = arith.constant 0 : i32
    %c0_i32_1 = arith.constant 0 : i32
    return %c0_i32, %add3A : i32, i32
  }
}

</mosaic_0001>

<sc_bundles>
// kernel: kernel.6.cloned.1.call-start
scs
__scs_entry_jumppad:
0x0: {  	(pc) =	sbr.rel $0x88, $3  }
0x1: {  	(tag) =	ssettag $0x0;
	lr =	simm.s32 $0x1  }
0x2: {  	[smem:$0x3F9E] =	sst lr;
	_ =	strace $0xD0000000  }
0x3: {  	_ = 	snop  }
0x4: {  	_ = 	snop  }
0x5: {  	_ = 	snop  }
0x6: {  	_ = 	snop  }
0x7: {  	_ = 	snop  }
__scs_overlays_trampoline_lowered:
0x8: {  	[smem:$0x3FAD] =	sst s0  }
0x9: {  	[smem:$0x3FAE] =	sst s1  }
0xa: {  	[smem:$0x3FAF] =	sst s2  }
0xb: {  	[smem:$0x3FB0] =	sst s3  }
0xc: {  	[smem:$0x3FB1] =	sst s4  }
0xd: {  	[smem:$0x3FB2] =	sst s5  }
0xe: {  	[smem:$0x3FB3] =	sst s6  }
0xf: {  	[smem:$0x3FB4] =	sst s7  }
0x10: {  	[smem:$0x3FB5] =	sst s8  }
0x11: {  	[smem:$0x3FB6] =	sst s9;
	s0 =	simm.s32 @!p0 $0x0  }
0x12: {  	s1 =	sld [smem:$0x3F9C];
	s0 =	simm.s32 @p0 $0x1  }
0x13: {  	[smem:$0x3FB7] =	sst s0;
	s0 =	simm.s32 @!p1 $0x0  }
0x14: {  	s2 =	sld [smem:$0x3F9B];
	s0 =	simm.s32 @p1 $0x1  }
0x15: {  	[smem:$0x3FB8] =	sst s0;
	s0 =	simm.s32 @!p2 $0x0  }
0x16: {  	s3 =	sld [smem:$0x3FDB];
	s0 =	simm.s32 @p2 $0x1  }
0x17: {  	s4 =	simm.s32 $0x1BF5;
	[smem:$0x3FBA] =	sst s0  }
0x18: {  	s0 =	sld [smem:$0x3F9D];
	_ =	swait.ge [sflag:s4], $0x0  }
0x19: {  	s7 =	sld [smem:$0x3F9E]  }
0x1a: {  	s8 =	sadd.s32 $0xFFFFE003, lr  }
0x1b: {  	s9 =	sadd.s32 $0xFFFFFEF7, lr;
	s5 =	simm.s32 $0xFFFFFFFF;
	p2 =	slt.u32 s8, $0xFFFFF086  }
0x1c: {  	p1 =	slt.u32 s9, $0xF7A;
	s5 =	simm.s32 @!p2 $0x0  }
0x1d: {  	s5 =	simm.s32 @p1 $0x1;
	p0 =	seq.s32 s7, s2  }
0x1e: {  	s7 =	smul.u32 @!p0 $0xF7A, s2;
	p2 =	seq.s32 @!p0 s5, $0x0  }
0x1f: {  	s9 =	smul.u32 $0xF7A, s1;
	s8 =	simm.s32 @!p0 $0x1BF5;
	p2 =	por !p2, p0  }
0x20: {  	[sflag:s8] =	ssyncset.s32 @!p0 $0xFFFFF086;
	s6 =	sadd.s32 @!p0 s3, s7;
	s7 =	simm.s32 @!p0 $0x108  }
0x21: {  	s3 =	sadd.s32 s3, s9;
	s6 =	sadd.s32 @!p0 $0x88, s6;
	s7 =	simm.s32 @p2 $0x1082  }
0x22: {  	[simem:s7], [sflag:s8] =	dma.local @!p0 [hbm:s6], $0xF7A  }
0x23: {  	s9 =	sor.u32 $0xD0000000, s2;
	s6 =	simm.s32 $0x108;
	_ =	swait.ge @!p0 [sflag:s8], $0x0  }
0x24: {  	s3 =	sadd.s32 $0x88, s3;
	s6 =	simm.s32 @!p1 $0x1082;
	[sflag:s4] =	ssyncset.s32 $0xFFFFF086  }
0x25: {  	[simem:s6], [sflag:s4] =	dma.local [hbm:s3], $0xF7A  }
0x26: {  	[smem:$0x3F9E] =	sst s1;
	(tag) =	ssettag s2;
	_ =	strace s9  }
0x27: {  	s1 =	sld [smem:$0x3FAE]  }
0x28: {  	s2 =	sld [smem:$0x3FAF]  }
0x29: {  	s4 =	sld [smem:$0x3FB1]  }
0x2a: {  	p0 =	seq.s32 s5, $0x0;
	s5 =	sld [smem:$0x3FB2]  }
0x2b: {  	s6 =	sld [smem:$0x3FB3]  }
0x2c: {  	s7 =	sld [smem:$0x3FB4]  }
0x2d: {  	s3 =	simm.s32 $0x108;
	s8 =	sld [smem:$0x3FB5]  }
0x2e: {  	s3 =	simm.s32 @!p0 $0x1082;
	s9 =	sld [smem:$0x3FB6]  }
0x2f: {  	lr =	sadd.s32 s0, s3;
	s0 =	sld [smem:$0x3FAD]  }
0x30: {  	s3 =	sld [smem:$0x3FB0]  }
0x31: {  	[smem:$0x3FB9] =	sst s10  }
0x32: {  	s10 =	sld [smem:$0x3FB7];
	_ =	sdelay $0x3  }
0x33: {  	p0 =	seq.s32 s10, $0x1;
	s10 =	sld [smem:$0x3FB9];
	_ =	sdelay $0x3  }
0x34: {  	[smem:$0x3FB9] =	sst s10  }
0x35: {  	s10 =	sld [smem:$0x3FB8];
	_ =	sdelay $0x3  }
0x36: {  	p1 =	seq.s32 s10, $0x1;
	s10 =	sld [smem:$0x3FB9];
	_ =	sdelay $0x3  }
0x37: {  	[smem:$0x3FB9] =	sst s10  }
0x38: {  	s10 =	sld [smem:$0x3FBA]  }
0x39: {  	_ = 	snop;
	(pc) =	sbr.ind lr, $3  }
0x3a: {  	_ = 	snop  }
0x3b: {  	_ = 	snop  }
0x3c: {  	p2 =	seq.s32 s10, $0x1;
	s10 =	sld [smem:$0x3FB9]  }
0x3d: {  	_ =	shalt  }
0x3e: {  	_ =	shalt  }
0x3f: {  	_ =	shalt  }
0x40: {  	_ =	shalt  }
0x41: {  	_ =	shalt  }
0x42: {  	_ =	shalt  }
0x43: {  	_ =	shalt  }
0x44: {  	_ =	shalt  }
0x45: {  	_ =	shalt  }
0x46: {  	_ =	shalt  }
0x47: {  	_ =	shalt  }
0x48: {  	_ =	shalt  }
0x49: {  	_ =	shalt  }
0x4a: {  	_ =	shalt  }
0x4b: {  	_ =	shalt  }
0x4c: {  	_ =	shalt  }
0x4d: {  	_ =	shalt  }
0x4e: {  	_ =	shalt  }
0x4f: {  	_ =	shalt  }
0x50: {  	_ =	shalt  }
0x51: {  	_ =	shalt  }
0x52: {  	_ =	shalt  }
0x53: {  	_ =	shalt  }
0x54: {  	_ =	shalt  }
0x55: {  	_ =	shalt  }
0x56: {  	_ =	shalt  }
0x57: {  	_ =	shalt  }
0x58: {  	_ =	shalt  }
0x59: {  	_ =	shalt  }
0x5a: {  	_ =	shalt  }
0x5b: {  	_ =	shalt  }
0x5c: {  	_ =	shalt  }
0x5d: {  	_ =	shalt  }
0x5e: {  	_ =	shalt  }
0x5f: {  	_ =	shalt  }
0x60: {  	_ =	shalt  }
0x61: {  	_ =	shalt  }
0x62: {  	_ =	shalt  }
0x63: {  	_ =	shalt  }
0x64: {  	_ =	shalt  }
0x65: {  	_ =	shalt  }
0x66: {  	_ =	shalt  }
0x67: {  	_ =	shalt  }
0x68: {  	_ =	shalt  }
0x69: {  	_ =	shalt  }
0x6a: {  	_ =	shalt  }
0x6b: {  	_ =	shalt  }
0x6c: {  	_ =	shalt  }
0x6d: {  	_ =	shalt  }
0x6e: {  	_ =	shalt  }
0x6f: {  	_ =	shalt  }
0x70: {  	_ =	shalt  }
0x71: {  	_ =	shalt  }
0x72: {  	_ =	shalt  }
0x73: {  	_ =	shalt  }
0x74: {  	_ =	shalt  }
0x75: {  	_ =	shalt  }
0x76: {  	_ =	shalt  }
0x77: {  	_ =	shalt  }
0x78: {  	_ =	shalt  }
0x79: {  	_ =	shalt  }
0x7a: {  	_ =	shalt  }
0x7b: {  	_ =	shalt  }
0x7c: {  	_ =	shalt  }
0x7d: {  	_ =	shalt  }
0x7e: {  	_ =	shalt  }
0x7f: {  	_ =	shalt  }
0x80: {  	_ =	shalt  }
0x81: {  	_ =	shalt  }
0x82: {  	_ =	shalt  }
0x83: {  	_ =	shalt  }
0x84: {  	_ =	shalt  }
0x85: {  	_ =	shalt  }
0x86: {  	_ =	shalt  }
0x87: {  	_ =	shalt  }
.Lfunc_end0:
.L_simem_size_0:
called_computation_lowered:
.L_overlay_start_0:
0x88: {  	s2 =	sld [smem:$0x3FD9]  }
0x89: {  	s3 =	sld [smem:$0x3FFE];
	_ =	sdelay $0x1  }
0x8a: {  	s1 =	srdreg.scid  }
0x8b: {  	s0 =	sand.u32 $0x1, s1  }
0x8c: {  	s14 =	sshll.u32 s0, $0xA;
	s2 =	sadd.s32 s3, s2  }
0x8d: {  	s2 =	sadd.s32 s2, s14  }
0x8e: {  	[smem:$0x3FC5] =	sst s2  }
0x8f: {  	_ = 	snop  }
0x90: {  	s2 =	sld [smem:$0x3FD0];
	_ =	sdelay $0x2  }
0x91: {  	s15 =	simm.s32 $0xA;
	s4 =	simm.s32 $0x10  }
0x92: {  	[smem:s4], [sflag:s15] =	dma.local [hbm:s2], $0x1  }
0x93: {  	_ =	swait.eq [sflag:s15], $0x1  }
0x94: {  	[sflag:s15] =	ssyncset.done $0x0  }
0x95: {  	s16 =	sld [smem:$0x10];
	[sflag:s15] =	ssyncadd.s32 $0xFFFFFFFF  }
0x96: {  	s17 =	sld [smem:$0x11];
	(tm) =	ssettm $0x1  }
0x97: {  	s18 =	sld [smem:$0x3FFB];
	_ =	sdelay $0x3  }
0x98: {  	_ =	strace s18  }
0x99: {  	s4 =	sld [smem:$0x3FFC];
	_ =	sdelay $0x3  }
0x9a: {  	_ =	strace s4  }
0x9b: {  	s4 =	sld [smem:$0x3FFD];
	_ =	sdelay $0x3  }
0x9c: {  	_ =	strace s4  }
0x9d: {  	_ =	strace $0x8FFFFFFF  }
0x9e: {  	s19 =	sld [smem:$0x3FDB];
	_ =	sdelay $0x1  }
0x9f: {  	s5 =	simm.s32 $_scs_section_size  }
0xa0: {  	s6 =	simm.s32 $_size__tile_overlayer_lowered;
	s7 =	simm.s32 $_tile_overlayer_lowered  }
0xa1: {  	s22 =	simm.s32 $0x1BFF;
	s21 =	sshll.u32 s7, $0x1;
	s4 =	sadd.s32 s5, s19  }
0xa2: {  	s8 =	simm.s32 $0x0;
	s20 =	sshll.u32 s6, $0x1;
	s6 =	sadd.s32 s21, s4  }
0xa3: {  	[timem:s8], [sflag:s22] =	dma.local [hbm:s6], s20  }
0xa4: {  	_ =	swait.ge [sflag:s22], s20  }
0xa5: {  	s5 =	ssub.s32 $0x0, s20;
	[sflag:s22] =	ssyncset.done $0x0  }
0xa6: {  	[sflag:s22] =	ssyncadd.s32 s5;
	_ =	sdelay $0x1  }
0xa7: {  	s23 =	simm.s32 $0x1B8B  }
0xa8: {  	_ =	swait.ge [sflag:s23], $0x1  }
0xa9: {  	[sflag:s23] =	ssyncset.done $0x0  }
0xaa: {  	s25 =	simm.s32 $0x1B8E;
	s24 =	sld [smem:$0x3FFE];
	[sflag:s23] =	ssyncadd.s32 $0xFFFFFFFF  }
0xab: {  	s26 =	simm.s32 $execute0_lowered;
	[smem:$0x3FD2] =	sst s25  }
0xac: {  	s6 =	sshll.u32 s26, $0x1;
	_ =	strace $0x80000046;
	[dreg:$0x1] =	wrdreg $0xFFFFFFFF  }
0xad: {  	s28 =	simm.s32 $_size_execute0_lowered;
	s4 =	sadd.s32 s4, s6;
	[dreg:$0x0] =	wrdreg $0x0  }
0xae: {  	s6 =	sshll.u32 s28, $0x1;
	[dreg:$0x2] =	wrdreg s4  }
0xaf: {  	[dreg:$0x3] =	wrdreg s6  }
0xb0: {  	[dreg:$0x4] =	wrdreg $0xC0  }
0xb1: {  	_ =	task [dreg:s8], $0x5FFFF  }
0xb2: {  	[dreg:$0x1] =	wrdreg $0xFFFFFFFF  }
0xb3: {  	[dreg:$0x0] =	wrdreg $0x60  }
0xb4: {  	[dreg:$0x2] =	wrdreg s17  }
0xb5: {  	[dreg:$0x3] =	wrdreg s16  }
0xb6: {  	[dreg:$0x4] =	wrdreg s24  }
0xb7: {  	[dreg:$0x5] =	wrdreg $0x9  }
0xb8: {  	_ =	task.clear_ibuf [dreg:s8], $0x6FFFF;
	_ =	strace $0x90000046  }
0xb9: {  	s29 =	simm.s32 $0x9;
	_ =	strace $0x80000048  }
0xba: {  	_ =	swait.ge [sflag:s29], $0x1  }
0xbb: {  	[sflag:s29] =	ssyncadd.s32 $0xFFFFFFFF  }
0xbc: {  	_ =	strace $0x90000048  }
0xbd: {  	_ =	sfence  }
0xbe: {  	s30 =	sld [smem:$0x0];
	_ =	sdelay $0x2  }
0xbf: {  	s31 =	sshll.u32 s1, $0xD;
	s1 =	sshrl.u32 s1, $0x2  }
0xc0: {  	s3 =	sand.u32 $0x4000, s31;
	s1 =	sadd.s32 s1, s30  }
0xc1: {  	s0 =	sor.u32 s3, s0;
	s1 =	sshll.u32 s1, $0x11  }
0xc2: {  	s0 =	sor.u32 s1, s0  }
0xc3: {  	s0 =	sadd.s32 $0x8F2B, s0  }
0xc4: {  	[sflag:s0] =	ssyncadd.remote.s32 $0x1  }
0xc5: {  	_ =	sfence.sel $0xFFFF  }
0xc6: {  	[dreg:$0x0] =	wrdreg $0xFFFFFFFF;
	(pc) =	sbr.abs _section_cstart, $3  }
0xc7: {  	[dreg:$0x1] =	wrdreg $0xFFFFFFFF  }
0xc8: {  	_ =	task.clear_ibuf [dreg:s8], $0x2FFFF;
	_ =	strace $0x9FFFFFFF  }
0xc9: {  	(tm) =	ssettm $0x7FFFFFFF  }
tec
execute0_lowered:
.L_overlay_start_1:
0x0: {  	(tag) =	ssettag $0x1  }
0x1: {  	s0 =	srdreg.scid  }
0x2: {  	s7 =	stileid.u32;
	s3 =	rddreg [dreg:$0x1]  }
0x3: {  	s6 =	rddreg [dreg:$0x2];
	s5 =	simm.s32 $0x0;
	s29 =	simm.s32 $0x80  }
0x4: {  	s30 =	simm.s32 $0x10000;
	s31 =	simm.s32 $0x10830;
	s28 =	simm.s32 $0x2  }
0x5: {  	s0 =	sand.u32 $0x1, s0;
	s1 =	sshll.u32 s7, $0xC;
	[smem:$0x7FF] =	sst s5  }
0x6: {  	s25 =	sadd.s32 $0xC00, s6;
	s2 =	sshll.u32 s0, $0xB;
	_ =	strace $0x80000047  }
0x7: {  	s0 =	ssub.s32 $0x2, s0;
	[dreg:$0x4] =	wrdreg s25;
	s4 =	sor.u32 s2, s1  }
0x8: {  	s25 =	simm.s32 $0x3;
	s26 =	sshrl.u32 s0, $0x1;
	s1 =	sshll.u32 s4, $0x4  }
0x9: {  	s2 =	simm.s32 $0x1;
	s0 =	ssub.s32 s0, s26;
	s1 =	sor.u32 s7, s1  }
0xa: {  	s26 =	simm.s32 $0x40;
	s24 =	smax.u32 s0, $0x1;
	s1 =	sand.u32 $0x78008, s1  }
0xb: {  	s0 =	simm.s32 $0x0;
	s1 =	sadd.s32 s1, s6;
	s6 =	sadd.s32 $0xE00, s6  }
0xc: {  	[dreg:$0x5] =	wrdreg s6;
	s8 =	sadd.s32 $0x1000, s1;
	s9 =	sadd.s32 $0x1800, s1  }
0xd: {  	s10 =	sadd.s32 $0x2000, s1;
	s11 =	sadd.s32 $0x2800, s1;
	s12 =	sadd.s32 $0x3000, s1  }
0xe: {  	s13 =	sadd.s32 $0x3800, s1;
	s14 =	sadd.s32 $0x4000, s1;
	s15 =	sadd.s32 $0x4800, s1  }
0xf: {  	s16 =	sadd.s32 $0x5000, s1;
	s17 =	sadd.s32 $0x5800, s1;
	s18 =	sadd.s32 $0x6000, s1  }
0x10: {  	v0 =	vlaneseq.u32;
	s19 =	sadd.s32 $0x6800, s1;
	s20 =	sadd.s32 $0x7000, s1;
	s21 =	sadd.s32 $0x7800, s1  }
0x11: {  	v1 =	vimm.s32 $0x8000;
	v2 =	vimm.s32 $0x0;
	v3 =	vimm.s32 $0x4000;
	s22 =	sadd.s32 $0x8000, s1;
	s23 =	sadd.s32 $0x8800, s1;
	s1 =	simm.s32 $0x12830  }
.LBB2_1:
0x12: {  	s6 =	rddreg [dreg:$0x0]  }
0x13: {  	[tilespmem:s5], [sflag:$0x3] =	stream.linear.gather [hbm4b:s6+s5], $0x10000, $0x38;
	[tilespmem:$0x14830] =	vst v63  }
0x14: {  	_ =	swait.ge [sflag:s25], $0x10000  }
0x15: {  	[sflag:s25] =	ssyncset.done $0x0  }
0x16: {  	s7 =	simm.s32 $0x10800;
	s6 =	rddreg [dreg:$0x4];
	[sflag:s25] =	ssyncadd.s32 $0xFFFF0000  }
0x17: {  	[tilespmem:s7], [sflag:$0x3] =	stream.linear.gather [hbm4b:s6+s5], $0x20, $0x38;
	[tilespmem:$0x14830] =	vst v63  }
0x18: {  	_ =	swait.ge [sflag:s25], $0x20  }
0x19: {  	[sflag:s25] =	ssyncset.done $0x0  }
0x1a: {  	s7 =	simm.s32 $0x10820;
	s6 =	rddreg [dreg:$0x5];
	[sflag:s25] =	ssyncadd.s32 $0xFFFFFFE0  }
0x1b: {  	[tilespmem:s7], [sflag:$0x3] =	stream.linear.gather [hbm4b:s6+s5], $0x10, $0x38;
	[tilespmem:$0x14830] =	vst v63  }
0x1c: {  	_ =	swait.ge [sflag:s25], $0x10  }
0x1d: {  	[sflag:s25] =	ssyncset.done $0x0  }
0x1e: {  	[sflag:s25] =	ssyncadd.s32 $0xFFFFFFF0  }
0x1f: {  	v5 =	vld [tilespmem:$0x10810];
	_ =	sdelay $0x2  }
0x20: {  	v6 =	vld [tilespmem:$0x10800]  }
0x21: {  	s7 =	sadd.s32 $0x0, s4  }
0x22: {  	v4 =	vadd.s32 s7, v5  }
0x23: {  	v4 =	vadd.s32 v0, v4  }
0x24: {  	v7 =	vshrl.u32 v4, $0x13;
	v8 =	vshll.u32 v4, $0xD  }
0x25: {  	v4 =	vadd.s32 v6, v4;
	v7 =	vor.u32 v7, v8  }
0x26: {  	v7 =	vxor.u32 v7, v4  }
0x27: {  	v8 =	vshrl.u32 v7, $0x11;
	v9 =	vshll.u32 v7, $0xF  }
0x28: {  	v4 =	vadd.s32 v4, v7;
	v7 =	vor.u32 v8, v9  }
0x29: {  	v7 =	vxor.u32 v7, v4  }
0x2a: {  	v8 =	vshrl.u32 v7, $0x6;
	v9 =	vshll.u32 v7, $0x1A  }
0x2b: {  	v7 =	vadd.s32 v4, v7;
	v4 =	vor.u32 v8, v9  }
0x2c: {  	v8 =	vxor.u32 v4, v7  }
0x2d: {  	v4 =	vxor.u32 v5, v6;
	v9 =	vshrl.u32 v8, $0x1A;
	v10 =	vshll.u32 v8, $0x6  }
0x2e: {  	v4 =	vxor.u32 $0x1BD11BDA, v4;
	v7 =	vadd.s32 v7, v8;
	v8 =	vor.u32 v9, v10  }
0x2f: {  	v12 =	vadd.s32 $0x1, v4;
	v8 =	vxor.u32 v8, v7  }
0x30: {  	v8 =	vadd.s32 v8, v12  }
0x31: {  	v7 =	vadd.s32 v5, v7;
	v9 =	vshrl.u32 v8, $0xF;
	v10 =	vshll.u32 v8, $0x11  }
0x32: {  	v7 =	vadd.s32 v8, v7;
	v8 =	vor.u32 v9, v10  }
0x33: {  	v8 =	vxor.u32 v8, v7  }
0x34: {  	v9 =	vshrl.u32 v8, $0x3;
	v10 =	vshll.u32 v8, $0x1D  }
0x35: {  	v7 =	vadd.s32 v7, v8;
	v8 =	vor.u32 v9, v10  }
0x36: {  	v8 =	vxor.u32 v8, v7  }
0x37: {  	v9 =	vshrl.u32 v8, $0x10;
	v10 =	vshll.u32 v8, $0x10  }
0x38: {  	v7 =	vadd.s32 v7, v8;
	v8 =	vor.u32 v9, v10  }
0x39: {  	v8 =	vxor.u32 v8, v7  }
0x3a: {  	v9 =	vshrl.u32 v8, $0x8;
	v10 =	vshll.u32 v8, $0x18  }
0x3b: {  	v7 =	vadd.s32 v7, v8;
	v8 =	vor.u32 v9, v10  }
0x3c: {  	v11 =	vadd.s32 $0x2, v6;
	v8 =	vxor.u32 v8, v7  }
0x3d: {  	v8 =	vadd.s32 v8, v11  }
0x3e: {  	v7 =	vadd.s32 v4, v7;
	v9 =	vshrl.u32 v8, $0x13;
	v10 =	vshll.u32 v8, $0xD  }
0x3f: {  	v7 =	vadd.s32 v8, v7;
	v8 =	vor.u32 v9, v10  }
0x40: {  	v8 =	vxor.u32 v8, v7  }
0x41: {  	v9 =	vshrl.u32 v8, $0x11;
	v10 =	vshll.u32 v8, $0xF  }
0x42: {  	v7 =	vadd.s32 v7, v8;
	v8 =	vor.u32 v9, v10  }
0x43: {  	v8 =	vxor.u32 v8, v7  }
0x44: {  	v9 =	vshrl.u32 v8, $0x6;
	v10 =	vshll.u32 v8, $0x1A  }
0x45: {  	v7 =	vadd.s32 v7, v8;
	v8 =	vor.u32 v9, v10  }
0x46: {  	v8 =	vxor.u32 v8, v7  }
0x47: {  	v9 =	vshrl.u32 v8, $0x1A;
	v10 =	vshll.u32 v8, $0x6  }
0x48: {  	v7 =	vadd.s32 v7, v8;
	v8 =	vor.u32 v9, v10  }
0x49: {  	v10 =	vadd.s32 $0x3, v5;
	v8 =	vxor.u32 v8, v7  }
0x4a: {  	v8 =	vadd.s32 v8, v10  }
0x4b: {  	v7 =	vadd.s32 v6, v7;
	v9 =	vshrl.u32 v8, $0xF;
	v13 =	vshll.u32 v8, $0x11  }
0x4c: {  	v7 =	vadd.s32 v8, v7;
	v8 =	vor.u32 v9, v13  }
0x4d: {  	v8 =	vxor.u32 v8, v7  }
0x4e: {  	v9 =	vshrl.u32 v8, $0x3;
	v13 =	vshll.u32 v8, $0x1D  }
0x4f: {  	v7 =	vadd.s32 v7, v8;
	v8 =	vor.u32 v9, v13  }
0x50: {  	v8 =	vxor.u32 v8, v7  }
0x51: {  	v9 =	vshrl.u32 v8, $0x10;
	v13 =	vshll.u32 v8, $0x10  }
0x52: {  	v7 =	vadd.s32 v7, v8;
	v8 =	vor.u32 v9, v13  }
0x53: {  	v8 =	vxor.u32 v8, v7  }
0x54: {  	v9 =	vshrl.u32 v8, $0x8;
	v13 =	vshll.u32 v8, $0x18  }
0x55: {  	v7 =	vadd.s32 v7, v8;
	v8 =	vor.u32 v9, v13  }
0x56: {  	v9 =	vadd.s32 $0x4, v4;
	v8 =	vxor.u32 v8, v7  }
0x57: {  	v8 =	vadd.s32 v8, v9  }
0x58: {  	v7 =	vadd.s32 v5, v7;
	v13 =	vshrl.u32 v8, $0x13;
	v14 =	vshll.u32 v8, $0xD  }
0x59: {  	v7 =	vadd.s32 v8, v7;
	v8 =	vor.u32 v13, v14  }
0x5a: {  	v8 =	vxor.u32 v8, v7  }
0x5b: {  	v13 =	vshrl.u32 v8, $0x11;
	v14 =	vshll.u32 v8, $0xF  }
0x5c: {  	v7 =	vadd.s32 v7, v8;
	v8 =	vor.u32 v13, v14  }
0x5d: {  	v8 =	vxor.u32 v8, v7  }
0x5e: {  	v13 =	vshrl.u32 v8, $0x6;
	v14 =	vshll.u32 v8, $0x1A  }
0x5f: {  	v7 =	vadd.s32 v7, v8;
	v8 =	vor.u32 v13, v14  }
0x60: {  	v8 =	vxor.u32 v8, v7  }
0x61: {  	v13 =	vshrl.u32 v8, $0x1A;
	v14 =	vshll.u32 v8, $0x6  }
0x62: {  	v7 =	vadd.s32 v7, v8;
	v13 =	vor.u32 v13, v14  }
0x63: {  	v8 =	vadd.s32 $0x5, v6;
	v13 =	vxor.u32 v13, v7  }
0x64: {  	v7 =	vadd.s32 v4, v7;
	v13 =	vadd.s32 v13, v8  }
0x65: {  	v7 =	vxor.u32 v7, v13  }
0x66: {  	v13 =	vshrl.u32 v7, $0x9  }
0x67: {  	v7 =	vld [tilespmem:$0x10820];
	v13 =	vor.u32 $0x3F800000, v13  }
0x68: {  	v13 =	vadd.f32 $-1.000000000e+00, v13  }
0x69: {  	v14 =	vld.idx.msk [tilespmem:v1+s5+$0x0], $0xffff  }
0x6a: {  	v13 =	vsub.f32 $1.000000000e+00, v13;
	_ =	sdelay $0x1  }
0x6b: {  	v13 =	vmul.f32 v13, v7;
	_ =	sdelay $0x1  }
0x6c: {  	vm0 =	vlt.f32 v14, v13  }
0x6d: {  	v14 =	vsel vm0, $0xC000, v3;
	_ =	sdelay $0x4  }
0x6e: {  	v15 =	vld.idx.msk [tilespmem:v14+s5+$0x0], $0xffff;
	_ =	sdelay $0x4  }
0x6f: {  	v16 =	vsel vm0, $0x10000, v1;
	vm1 =	vlt.f32 v15, v13  }
0x70: {  	v17 =	vor.u32 $0x1, v14;
	v15 =	vsel vm0, $0x8001, v2;
	v14 =	vsel vm1, v16, v14  }
0x71: {  	v15 =	vsel vm1, v17, v15;
	v16 =	vadd.s32 $0xFFFFFFFF, v14  }
0x72: {  	v17 =	vxor.u32 v16, v15  }
0x73: {  	v16 =	vor.u32 v16, v15;
	v17 =	vshrl.u32 v17, $0x1  }
0x74: {  	v16 =	vsub.s32 v16, v17;
	_ =	sdelay $0x4  }
0x75: {  	v17 =	vld.idx.msk [tilespmem:v16+s5+$0x0], $0xffff;
	_ =	sdelay $0x4  }
0x76: {  	vm13 =	vlt.f32 v17, v13;
	v17 =	vor.u32 $0x1, v16  }
0x77: {  	v15 =	vsel vm13, v17, v15;
	v14 =	vsel vm13, v14, v16  }
0x78: {  	v16 =	vxor.u32 v15, v14  }
0x79: {  	v17 =	vand.u32 v15, v14;
	v16 =	vshrl.u32 v16, $0x1  }
0x7a: {  	v16 =	vadd.s32 v16, v17;
	_ =	sdelay $0x4  }
0x7b: {  	v17 =	vld.idx.msk [tilespmem:v16+s5+$0x0], $0xffff;
	_ =	sdelay $0x4  }
0x7c: {  	vm14 =	vlt.f32 v17, v13;
	v17 =	vadd.s32 $0x1, v16  }
0x7d: {  	v15 =	vsel vm14, v17, v15;
	v14 =	vsel vm14, v14, v16  }
0x7e: {  	v16 =	vadd.s32 v15, v14  }
0x7f: {  	v16 =	vshrl.u32 v16, $0x1;
	_ =	sdelay $0x4  }
0x80: {  	v17 =	vld.idx.msk [tilespmem:v16+s5+$0x0], $0xffff;
	_ =	sdelay $0x4  }
0x81: {  	vm15 =	vlt.f32 v17, v13;
	v17 =	vadd.s32 $0x1, v16  }
0x82: {  	v15 =	vsel vm15, v17, v15;
	v14 =	vsel vm15, v14, v16  }
0x83: {  	v16 =	vadd.s32 v15, v14  }
0x84: {  	v16 =	vshrl.u32 v16, $0x1;
	_ =	sdelay $0x4  }
0x85: {  	v17 =	vld.idx.msk [tilespmem:v16+s5+$0x0], $0xffff;
	_ =	sdelay $0x4  }
0x86: {  	v18 =	vadd.s32 $0x1, v16;
	vm4 =	vlt.f32 v17, v13  }
0x87: {  	v15 =	vsel vm4, v18, v15;
	v14 =	vsel vm4, v14, v16  }
0x88: {  	v16 =	vadd.s32 v15, v14  }
0x89: {  	v16 =	vshrl.u32 v16, $0x1;
	_ =	sdelay $0x4  }
0x8a: {  	v17 =	vld.idx.msk [tilespmem:v16+s5+$0x0], $0xffff;
	_ =	sdelay $0x4  }
0x8b: {  	v18 =	vadd.s32 $0x1, v16;
	vm5 =	vlt.f32 v17, v13  }
0x8c: {  	v15 =	vsel vm5, v18, v15;
	v14 =	vsel vm5, v14, v16  }
0x8d: {  	v16 =	vadd.s32 v15, v14  }
0x8e: {  	v16 =	vshrl.u32 v16, $0x1;
	_ =	sdelay $0x4  }
0x8f: {  	v17 =	vld.idx.msk [tilespmem:v16+s5+$0x0], $0xffff;
	_ =	sdelay $0x4  }
0x90: {  	v18 =	vadd.s32 $0x1, v16;
	vm6 =	vlt.f32 v17, v13  }
0x91: {  	v15 =	vsel vm6, v18, v15;
	v14 =	vsel vm6, v14, v16  }
0x92: {  	v16 =	vadd.s32 v15, v14  }
0x93: {  	v16 =	vshrl.u32 v16, $0x1;
	_ =	sdelay $0x4  }
0x94: {  	v17 =	vld.idx.msk [tilespmem:v16+s5+$0x0], $0xffff;
	_ =	sdelay $0x4  }
0x95: {  	v18 =	vadd.s32 $0x1, v16;
	vm7 =	vlt.f32 v17, v13  }
0x96: {  	v15 =	vsel vm7, v18, v15;
	v14 =	vsel vm7, v14, v16  }
0x97: {  	v16 =	vadd.s32 v15, v14  }
0x98: {  	v16 =	vshrl.u32 v16, $0x1;
	_ =	sdelay $0x4  }
0x99: {  	v17 =	vld.idx.msk [tilespmem:v16+s5+$0x0], $0xffff;
	_ =	sdelay $0x4  }
0x9a: {  	v18 =	vadd.s32 $0x1, v16;
	vm8 =	vlt.f32 v17, v13  }
0x9b: {  	v15 =	vsel vm8, v18, v15;
	v14 =	vsel vm8, v14, v16  }
0x9c: {  	v16 =	vadd.s32 v15, v14  }
0x9d: {  	v16 =	vshrl.u32 v16, $0x1;
	_ =	sdelay $0x4  }
0x9e: {  	v17 =	vld.idx.msk [tilespmem:v16+s5+$0x0], $0xffff;
	_ =	sdelay $0x4  }
0x9f: {  	v18 =	vadd.s32 $0x1, v16;
	vm9 =	vlt.f32 v17, v13  }
0xa0: {  	v15 =	vsel vm9, v18, v15;
	v14 =	vsel vm9, v14, v16  }
0xa1: {  	v16 =	vadd.s32 v15, v14  }
0xa2: {  	v16 =	vshrl.u32 v16, $0x1;
	_ =	sdelay $0x4  }
0xa3: {  	v17 =	vld.idx.msk [tilespmem:v16+s5+$0x0], $0xffff  }
0xa4: {  	s7 =	sadd.s32 $0x10, s4  }
0xa5: {  	v18 =	vadd.s32 s7, v5  }
0xa6: {  	v18 =	vadd.s32 v0, v18  }
0xa7: {  	v20 =	vshrl.u32 v18, $0x13;
	v21 =	vshll.u32 v18, $0xD;
	v19 =	vadd.s32 $0x1, v16  }
0xa8: {  	vm10 =	vlt.f32 v17, v13;
	v17 =	vadd.s32 v6, v18;
	v18 =	vor.u32 v20, v21  }
0xa9: {  	v15 =	vsel vm10, v19, v15;
	v14 =	vsel vm10, v14, v16;
	v16 =	vxor.u32 v18, v17  }
0xaa: {  	v18 =	vadd.s32 v15, v14;
	v19 =	vshrl.u32 v16, $0x11;
	v20 =	vshll.u32 v16, $0xF  }
0xab: {  	v16 =	vadd.s32 v17, v16;
	v18 =	vshrl.u32 v18, $0x1;
	v17 =	vor.u32 v19, v20  }
0xac: {  	v17 =	vxor.u32 v17, v16  }
0xad: {  	v19 =	vshrl.u32 v17, $0x6;
	v20 =	vshll.u32 v17, $0x1A  }
0xae: {  	v16 =	vadd.s32 v16, v17;
	v17 =	vor.u32 v19, v20  }
0xaf: {  	v17 =	vxor.u32 v17, v16  }
0xb0: {  	v19 =	vld.idx.msk [tilespmem:v18+s5+$0x0], $0xffff;
	v20 =	vshrl.u32 v17, $0x1A;
	v52 =	vshll.u32 v17, $0x6  }
0xb1: {  	v16 =	vadd.s32 v16, v17;
	v17 =	vor.u32 v20, v52  }
0xb2: {  	v17 =	vxor.u32 v17, v16  }
0xb3: {  	v20 =	vadd.s32 $0x1, v18;
	v17 =	vadd.s32 v17, v12  }
0xb4: {  	v16 =	vadd.s32 v5, v16;
	v53 =	vshrl.u32 v17, $0xF;
	v22 =	vshll.u32 v17, $0x11  }
0xb5: {  	v16 =	vadd.s32 v17, v16;
	vm11 =	vlt.f32 v19, v13;
	v17 =	vor.u32 v53, v22  }
0xb6: {  	v15 =	vsel vm11, v20, v15;
	v14 =	vsel vm11, v14, v18;
	v17 =	vxor.u32 v17, v16  }
0xb7: {  	v18 =	vadd.s32 v15, v14;
	v19 =	vshrl.u32 v17, $0x3;
	v20 =	vshll.u32 v17, $0x1D  }
0xb8: {  	v16 =	vadd.s32 v16, v17;
	v18 =	vshrl.u32 v18, $0x1;
	v17 =	vor.u32 v19, v20  }
0xb9: {  	v17 =	vxor.u32 v17, v16  }
0xba: {  	v19 =	vshrl.u32 v17, $0x10;
	v20 =	vshll.u32 v17, $0x10  }
0xbb: {  	v16 =	vadd.s32 v16, v17;
	v17 =	vor.u32 v19, v20  }
0xbc: {  	v17 =	vxor.u32 v17, v16  }
0xbd: {  	v19 =	vld.idx.msk [tilespmem:v18+s5+$0x0], $0xffff;
	v20 =	vshrl.u32 v17, $0x8;
	v54 =	vshll.u32 v17, $0x18  }
0xbe: {  	v16 =	vadd.s32 v16, v17;
	v17 =	vor.u32 v20, v54  }
0xbf: {  	v17 =	vxor.u32 v17, v16  }
0xc0: {  	v20 =	vadd.s32 $0x1, v18;
	v17 =	vadd.s32 v17, v11  }
0xc1: {  	v16 =	vadd.s32 v4, v16;
	v55 =	vshrl.u32 v17, $0x13;
	v56 =	vshll.u32 v17, $0xD  }
0xc2: {  	v16 =	vadd.s32 v17, v16;
	vm12 =	vlt.f32 v19, v13;
	v17 =	vor.u32 v55, v56  }
0xc3: {  	v15 =	vsel vm12, v20, v15;
	v14 =	vsel vm12, v14, v18;
	v17 =	vxor.u32 v17, v16  }
0xc4: {  	v18 =	vadd.s32 v15, v14;
	v19 =	vshrl.u32 v17, $0x11;
	v20 =	vshll.u32 v17, $0xF  }
0xc5: {  	v16 =	vadd.s32 v16, v17;
	v18 =	vshrl.u32 v18, $0x1;
	v17 =	vor.u32 v19, v20  }
0xc6: {  	v17 =	vxor.u32 v17, v16  }
0xc7: {  	v19 =	vshrl.u32 v17, $0x6;
	v20 =	vshll.u32 v17, $0x1A  }
0xc8: {  	v16 =	vadd.s32 v16, v17;
	v17 =	vor.u32 v19, v20  }
0xc9: {  	v17 =	vxor.u32 v17, v16  }
0xca: {  	v19 =	vld.idx.msk [tilespmem:v18+s5+$0x0], $0xffff;
	v20 =	vshrl.u32 v17, $0x1A;
	v57 =	vshll.u32 v17, $0x6  }
0xcb: {  	v16 =	vadd.s32 v16, v17;
	v17 =	vor.u32 v20, v57  }
0xcc: {  	v17 =	vxor.u32 v17, v16  }
0xcd: {  	v20 =	vadd.s32 $0x1, v18;
	v17 =	vadd.s32 v17, v10  }
0xce: {  	v16 =	vadd.s32 v6, v16;
	v58 =	vshrl.u32 v17, $0xF;
	v59 =	vshll.u32 v17, $0x11  }
0xcf: {  	v16 =	vadd.s32 v17, v16;
	vm13 =	vlt.f32 v19, v13;
	v17 =	vor.u32 v58, v59  }
0xd0: {  	v15 =	vsel vm13, v20, v15;
	v14 =	vsel vm13, v14, v18;
	v17 =	vxor.u32 v17, v16  }
0xd1: {  	v18 =	vadd.s32 v15, v14;
	v19 =	vshrl.u32 v17, $0x3;
	v20 =	vshll.u32 v17, $0x1D  }
0xd2: {  	v16 =	vadd.s32 v16, v17;
	v18 =	vshrl.u32 v18, $0x1;
	v17 =	vor.u32 v19, v20  }
0xd3: {  	v17 =	vxor.u32 v17, v16  }
0xd4: {  	v19 =	vshrl.u32 v17, $0x10;
	v20 =	vshll.u32 v17, $0x10  }
0xd5: {  	v16 =	vadd.s32 v16, v17;
	v17 =	vor.u32 v19, v20  }
0xd6: {  	v17 =	vxor.u32 v17, v16  }
0xd7: {  	v19 =	vld.idx.msk [tilespmem:v18+s5+$0x0], $0xffff;
	v20 =	vshrl.u32 v17, $0x8;
	v60 =	vshll.u32 v17, $0x18  }
0xd8: {  	v16 =	vadd.s32 v16, v17;
	v17 =	vor.u32 v20, v60  }
0xd9: {  	v17 =	vxor.u32 v17, v16  }
0xda: {  	v20 =	vadd.s32 $0x1, v18;
	v17 =	vadd.s32 v17, v9  }
0xdb: {  	v16 =	vadd.s32 v5, v16;
	v61 =	vshrl.u32 v17, $0x13;
	v62 =	vshll.u32 v17, $0xD  }
0xdc: {  	v16 =	vadd.s32 v17, v16;
	vm14 =	vlt.f32 v19, v13;
	v17 =	vor.u32 v61, v62  }
0xdd: {  	v15 =	vsel vm14, v20, v15;
	v14 =	vsel vm14, v14, v18;
	v17 =	vxor.u32 v17, v16  }
0xde: {  	v14 =	vadd.s32 v15, v14;
	v18 =	vshrl.u32 v17, $0x11;
	v19 =	vshll.u32 v17, $0xF  }
0xdf: {  	v16 =	vadd.s32 v16, v17;
	v14 =	vshrl.u32 v14, $0x1;
	v17 =	vor.u32 v18, v19  }
0xe0: {  	v17 =	vxor.u32 v17, v16  }
0xe1: {  	v18 =	vshrl.u32 v17, $0x6;
	v19 =	vshll.u32 v17, $0x1A  }
0xe2: {  	v16 =	vadd.s32 v16, v17;
	v17 =	vor.u32 v18, v19  }
0xe3: {  	v17 =	vxor.u32 v17, v16  }
0xe4: {  	v18 =	vld.idx.msk [tilespmem:v14+s5+$0x0], $0xffff;
	v19 =	vshrl.u32 v17, $0x1A;
	v20 =	vshll.u32 v17, $0x6  }
0xe5: {  	v16 =	vadd.s32 v16, v17;
	v17 =	vor.u32 v19, v20  }
0xe6: {  	v17 =	vxor.u32 v17, v16  }
0xe7: {  	v16 =	vadd.s32 v4, v16;
	v17 =	vadd.s32 v17, v8  }
0xe8: {  	v16 =	vxor.u32 v16, v17  }
0xe9: {  	v14 =	vadd.s32 $0x1, v14;
	vm15 =	vlt.f32 v18, v13;
	v13 =	vshrl.u32 v16, $0x9  }
0xea: {  	v14 =	vsel vm15, v14, v15;
	v13 =	vor.u32 $0x3F800000, v13  }
0xeb: {  	[tilespmem:s30+$0x0] =	vst v14;
	v13 =	vadd.f32 $-1.000000000e+00, v13  }
0xec: {  	v14 =	vld.idx.msk [tilespmem:v1+s5+$0x0], $0xffff  }
0xed: {  	v13 =	vsub.f32 $1.000000000e+00, v13;
	_ =	sdelay $0x1  }
0xee: {  	v13 =	vmul.f32 v13, v7;
	_ =	sdelay $0x1  }
0xef: {  	vm4 =	vlt.f32 v14, v13  }
0xf0: {  	v14 =	vsel vm4, $0xC000, v3;
	_ =	sdelay $0x4  }
0xf1: {  	v15 =	vld.idx.msk [tilespmem:v14+s5+$0x0], $0xffff;
	_ =	sdelay $0x4  }
0xf2: {  	v16 =	vsel vm4, $0x10000, v1;
	vm5 =	vlt.f32 v15, v13  }
0xf3: {  	v17 =	vor.u32 $0x1, v14;
	v15 =	vsel vm4, $0x8001, v2;
	v14 =	vsel vm5, v16, v14  }
0xf4: {  	v15 =	vsel vm5, v17, v15;
	v16 =	vadd.s32 $0xFFFFFFFF, v14  }
0xf5: {  	v17 =	vxor.u32 v16, v15  }
0xf6: {  	v16 =	vor.u32 v16, v15;
	v17 =	vshrl.u32 v17, $0x1  }
0xf7: {  	v16 =	vsub.s32 v16, v17;
	_ =	sdelay $0x4  }
0xf8: {  	v17 =	vld.idx.msk [tilespmem:v16+s5+$0x0], $0xffff;
	_ =	sdelay $0x4  }
0xf9: {  	vm6 =	vlt.f32 v17, v13;
	v17 =	vor.u32 $0x1, v16  }
0xfa: {  	v15 =	vsel vm6, v17, v15;
	v14 =	vsel vm6, v14, v16  }
0xfb: {  	v16 =	vxor.u32 v15, v14  }
0xfc: {  	v17 =	vand.u32 v15, v14;
	v16 =	vshrl.u32 v16, $0x1  }
0xfd: {  	v16 =	vadd.s32 v16, v17;
	_ =	sdelay $0x4  }
0xfe: {  	v17 =	vld.idx.msk [tilespmem:v16+s5+$0x0], $0xffff;
	_ =	sdelay $0x4  }
0xff: {  	vm7 =	vlt.f32 v17, v13;
	v17 =	vadd.s32 $0x1, v16  }
0x100: {  	v15 =	vsel vm7, v17, v15;
	v14 =	vsel vm7, v14, v16  }
0x101: {  	v16 =	vadd.s32 v15, v14  }
0x102: {  	v16 =	vshrl.u32 v16, $0x1;
	_ =	sdelay $0x4  }
0x103: {  	v17 =	vld.idx.msk [tilespmem:v16+s5+$0x0], $0xffff;
	_ =	sdelay $0x4  }
0x104: {  	vm8 =	vlt.f32 v17, v13;
	v17 =	vadd.s32 $0x1, v16  }
0x105: {  	v15 =	vsel vm8, v17, v15;
	v14 =	vsel vm8, v14, v16  }
0x106: {  	v16 =	vadd.s32 v15, v14  }
0x107: {  	v16 =	vshrl.u32 v16, $0x1;
	_ =	sdelay $0x4  }
0x108: {  	v17 =	vld.idx.msk [tilespmem:v16+s5+$0x0], $0xffff;
	_ =	sdelay $0x4  }
0x109: {  	v18 =	vadd.s32 $0x1, v16;
	vm9 =	vlt.f32 v17, v13  }
0x10a: {  	v15 =	vsel vm9, v18, v15;
	v14 =	vsel vm9, v14, v16  }
0x10b: {  	v16 =	vadd.s32 v15, v14  }
0x10c: {  	v16 =	vshrl.u32 v16, $0x1;
	_ =	sdelay $0x4  }
0x10d: {  	v17 =	vld.idx.msk [tilespmem:v16+s5+$0x0], $0xffff;
	_ =	sdelay $0x4  }
0x10e: {  	v18 =	vadd.s32 $0x1, v16;
	vm10 =	vlt.f32 v17, v13  }
0x10f: {  	v15 =	vsel vm10, v18, v15;
	v14 =	vsel vm10, v14, v16  }
0x110: {  	v16 =	vadd.s32 v15, v14  }
0x111: {  	v16 =	vshrl.u32 v16, $0x1;
	_ =	sdelay $0x4  }
0x112: {  	v17 =	vld.idx.msk [tilespmem:v16+s5+$0x0], $0xffff;
	_ =	sdelay $0x4  }
0x113: {  	v18 =	vadd.s32 $0x1, v16;
	vm11 =	vlt.f32 v17, v13  }
0x114: {  	v15 =	vsel vm11, v18, v15;
	v14 =	vsel vm11, v14, v16  }
0x115: {  	v16 =	vadd.s32 v15, v14  }
0x116: {  	v16 =	vshrl.u32 v16, $0x1;
	_ =	sdelay $0x4  }
0x117: {  	v17 =	vld.idx.msk [tilespmem:v16+s5+$0x0], $0xffff;
	_ =	sdelay $0x4  }
0x118: {  	v18 =	vadd.s32 $0x1, v16;
	vm12 =	vlt.f32 v17, v13  }
0x119: {  	v15 =	vsel vm12, v18, v15;
	v14 =	vsel vm12, v14, v16  }
0x11a: {  	v16 =	vadd.s32 v15, v14  }
0x11b: {  	v16 =	vshrl.u32 v16, $0x1;
	_ =	sdelay $0x4  }
0x11c: {  	v17 =	vld.idx.msk [tilespmem:v16+s5+$0x0], $0xffff;
	_ =	sdelay $0x4  }
0x11d: {  	v18 =	vadd.s32 $0x1, v16;
	vm13 =	vlt.f32 v17, v13  }
0x11e: {  	v15 =	vsel vm13, v18, v15;
	v14 =	vsel vm13, v14, v16  }
0x11f: {  	v16 =	vadd.s32 v15, v14  }
0x120: {  	v16 =	vshrl.u32 v16, $0x1;
	_ =	sdelay $0x4  }
0x121: {  	v17 =	vld.idx.msk [tilespmem:v16+s5+$0x0], $0xffff;
	_ =	sdelay $0x4  }
0x122: {  	v18 =	vadd.s32 $0x1, v16;
	vm14 =	vlt.f32 v17, v13  }
0x123: {  	v15 =	vsel vm14, v18, v15;
	v16 =	vsel vm14, v14, v16  }
0x124: {  	v14 =	vadd.s32 v15, v16  }
0x125: {  	v17 =	vshrl.u32 v14, $0x1;
	_ =	sdelay $0x4  }
0x126: {  	v14 =	vld.idx.msk [tilespmem:v17+s5+$0x0], $0xffff;
	_ =	sdelay $0x1  }
0x127: {  	s30 =	sadd.s32 $0x20, s4  }
0x128: {  	v18 =	vadd.s32 s30, v5  }
0x129: {  	v18 =	vadd.s32 v0, v18  }
0x12a: {  	v20 =	vshrl.u32 v18, $0x13;
	v19 =	vadd.s32 $0x1, v17;
	vm15 =	vlt.f32 v14, v13  }
0x12b: {  	v63 =	vshll.u32 v18, $0xD;
	v14 =	vsel vm15, v19, v15;
	v15 =	vsel vm15, v16, v17  }
0x12c: {  	s6 =	simm.s32 $0x10000;
	s7 =	simm.s32 $0x30;
	v16 =	vadd.s32 v6, v18;
	v17 =	vor.u32 v20, v63;
	v18 =	vadd.s32 v14, v15  }
.LBB2_2:
0x12d: {  	p0 =	sne.s32 s7, $0x7F0;
	v17 =	vxor.u32 v17, v16;
	v18 =	vshrl.u32 v18, $0x1  }
0x12e: {  	v19 =	vshrl.u32 v17, $0x11;
	v20 =	vshll.u32 v17, $0xF;
	v21 =	vadd.s32 $0x1, v18  }
0x12f: {  	v16 =	vadd.s32 v16, v17;
	v17 =	vor.u32 v19, v20  }
0x130: {  	v17 =	vxor.u32 v17, v16  }
0x131: {  	v19 =	vshrl.u32 v17, $0x6;
	v20 =	vshll.u32 v17, $0x1A  }
0x132: {  	v16 =	vadd.s32 v16, v17;
	v17 =	vor.u32 v19, v20;
	v19 =	vld.idx.msk [tilespmem:v18+s5+$0x0], $0xffff  }
0x133: {  	v17 =	vxor.u32 v17, v16  }
0x134: {  	v20 =	vshrl.u32 v17, $0x1A;
	v22 =	vshll.u32 v17, $0x6  }
0x135: {  	v16 =	vadd.s32 v16, v17;
	v17 =	vor.u32 v20, v22  }
0x136: {  	v17 =	vxor.u32 v17, v16  }
0x137: {  	v17 =	vadd.s32 v17, v12  }
0x138: {  	v16 =	vadd.s32 v5, v16;
	vm0 =	vlt.f32 v19, v13;
	v20 =	vshrl.u32 v17, $0xF  }
0x139: {  	v19 =	vshll.u32 v17, $0x11;
	v14 =	vsel vm0, v21, v14;
	v15 =	vsel vm0, v15, v18  }
0x13a: {  	v16 =	vadd.s32 v17, v16;
	v17 =	vor.u32 v20, v19;
	v18 =	vadd.s32 v14, v15  }
0x13b: {  	v17 =	vxor.u32 v17, v16;
	v18 =	vshrl.u32 v18, $0x1  }
0x13c: {  	v19 =	vshrl.u32 v17, $0x3;
	v20 =	vshll.u32 v17, $0x1D;
	v21 =	vadd.s32 $0x1, v18  }
0x13d: {  	v16 =	vadd.s32 v16, v17;
	v17 =	vor.u32 v19, v20  }
0x13e: {  	v17 =	vxor.u32 v17, v16  }
0x13f: {  	v19 =	vshrl.u32 v17, $0x10;
	v20 =	vshll.u32 v17, $0x10  }
0x140: {  	v16 =	vadd.s32 v16, v17;
	v17 =	vor.u32 v19, v20;
	v19 =	vld.idx.msk [tilespmem:v18+s5+$0x0], $0xffff  }
0x141: {  	v17 =	vxor.u32 v17, v16  }
0x142: {  	v20 =	vshrl.u32 v17, $0x8;
	v22 =	vshll.u32 v17, $0x18  }
0x143: {  	v16 =	vadd.s32 v16, v17;
	v17 =	vor.u32 v20, v22  }
0x144: {  	v17 =	vxor.u32 v17, v16  }
0x145: {  	v17 =	vadd.s32 v17, v11  }
0x146: {  	v16 =	vadd.s32 v4, v16;
	v20 =	vshrl.u32 v17, $0x13;
	vm0 =	vlt.f32 v19, v13  }
0x147: {  	v19 =	vshll.u32 v17, $0xD;
	v14 =	vsel vm0, v21, v14;
	v15 =	vsel vm0, v15, v18  }
0x148: {  	v16 =	vadd.s32 v17, v16;
	v17 =	vor.u32 v20, v19;
	v18 =	vadd.s32 v14, v15  }
0x149: {  	v17 =	vxor.u32 v17, v16;
	v18 =	vshrl.u32 v18, $0x1  }
0x14a: {  	v19 =	vshrl.u32 v17, $0x11;
	v20 =	vshll.u32 v17, $0xF;
	v21 =	vadd.s32 $0x1, v18  }
0x14b: {  	v16 =	vadd.s32 v16, v17;
	v17 =	vor.u32 v19, v20  }
0x14c: {  	v17 =	vxor.u32 v17, v16  }
0x14d: {  	v19 =	vshrl.u32 v17, $0x6;
	v20 =	vshll.u32 v17, $0x1A  }
0x14e: {  	v16 =	vadd.s32 v16, v17;
	v17 =	vor.u32 v19, v20;
	v19 =	vld.idx.msk [tilespmem:v18+s5+$0x0], $0xffff  }
0x14f: {  	v17 =	vxor.u32 v17, v16  }
0x150: {  	v20 =	vshrl.u32 v17, $0x1A;
	v22 =	vshll.u32 v17, $0x6  }
0x151: {  	v16 =	vadd.s32 v16, v17;
	v17 =	vor.u32 v20, v22  }
0x152: {  	v17 =	vxor.u32 v17, v16  }
0x153: {  	v17 =	vadd.s32 v17, v10  }
0x154: {  	v16 =	vadd.s32 v6, v16;
	v20 =	vshrl.u32 v17, $0xF;
	vm0 =	vlt.f32 v19, v13  }
0x155: {  	v19 =	vshll.u32 v17, $0x11;
	v14 =	vsel vm0, v21, v14;
	v15 =	vsel vm0, v15, v18  }
0x156: {  	v16 =	vadd.s32 v17, v16;
	v17 =	vor.u32 v20, v19;
	v18 =	vadd.s32 v14, v15  }
0x157: {  	v17 =	vxor.u32 v17, v16;
	v18 =	vshrl.u32 v18, $0x1  }
0x158: {  	v19 =	vshrl.u32 v17, $0x3;
	v20 =	vshll.u32 v17, $0x1D;
	v21 =	vadd.s32 $0x1, v18  }
0x159: {  	v16 =	vadd.s32 v16, v17;
	v17 =	vor.u32 v19, v20  }
0x15a: {  	v17 =	vxor.u32 v17, v16  }
0x15b: {  	v19 =	vshrl.u32 v17, $0x10;
	v20 =	vshll.u32 v17, $0x10  }
0x15c: {  	v16 =	vadd.s32 v16, v17;
	v17 =	vor.u32 v19, v20;
	v19 =	vld.idx.msk [tilespmem:v18+s5+$0x0], $0xffff  }
0x15d: {  	v17 =	vxor.u32 v17, v16  }
0x15e: {  	v20 =	vshrl.u32 v17, $0x8;
	v22 =	vshll.u32 v17, $0x18  }
0x15f: {  	v16 =	vadd.s32 v16, v17;
	v17 =	vor.u32 v20, v22  }
0x160: {  	v17 =	vxor.u32 v17, v16  }
0x161: {  	v17 =	vadd.s32 v17, v9  }
0x162: {  	v16 =	vadd.s32 v5, v16;
	v20 =	vshrl.u32 v17, $0x13;
	vm0 =	vlt.f32 v19, v13  }
0x163: {  	v19 =	vshll.u32 v17, $0xD;
	v14 =	vsel vm0, v21, v14;
	v15 =	vsel vm0, v15, v18  }
0x164: {  	v16 =	vadd.s32 v17, v16;
	v17 =	vor.u32 v20, v19;
	v15 =	vadd.s32 v14, v15  }
0x165: {  	v17 =	vxor.u32 v17, v16;
	v15 =	vshrl.u32 v15, $0x1  }
0x166: {  	v18 =	vshrl.u32 v17, $0x11;
	v19 =	vshll.u32 v17, $0xF;
	v20 =	vadd.s32 $0x1, v15  }
0x167: {  	v16 =	vadd.s32 v16, v17;
	v17 =	vor.u32 v18, v19  }
0x168: {  	v17 =	vxor.u32 v17, v16  }
0x169: {  	v18 =	vshrl.u32 v17, $0x6;
	v19 =	vshll.u32 v17, $0x1A  }
0x16a: {  	v16 =	vadd.s32 v16, v17;
	v17 =	vor.u32 v18, v19;
	v15 =	vld.idx.msk [tilespmem:v15+s5+$0x0], $0xffff  }
0x16b: {  	v17 =	vxor.u32 v17, v16  }
0x16c: {  	v18 =	vshrl.u32 v17, $0x1A;
	v19 =	vshll.u32 v17, $0x6  }
0x16d: {  	v16 =	vadd.s32 v16, v17;
	v17 =	vor.u32 v18, v19  }
0x16e: {  	v17 =	vxor.u32 v17, v16  }
0x16f: {  	v16 =	vadd.s32 v4, v16;
	v17 =	vadd.s32 v17, v8  }
0x170: {  	v16 =	vxor.u32 v16, v17;
	vm0 =	vlt.f32 v15, v13  }
0x171: {  	s6 =	sadd.s32 $0x10, s6;
	v13 =	vshrl.u32 v16, $0x9;
	v14 =	vsel vm0, v20, v14  }
0x172: {  	v13 =	vor.u32 $0x3F800000, v13;
	[tilespmem:s6+$0x0] =	vst v14  }
0x173: {  	v13 =	vadd.f32 $-1.000000000e+00, v13;
	v14 =	vld.idx.msk [tilespmem:v1+s5+$0x0], $0xffff;
	_ =	sdelay $0x1  }
0x174: {  	v13 =	vsub.f32 $1.000000000e+00, v13;
	_ =	sdelay $0x1  }
0x175: {  	v13 =	vmul.f32 v13, v7;
	_ =	sdelay $0x1  }
0x176: {  	vm0 =	vlt.f32 v14, v13  }
0x177: {  	v14 =	vsel vm0, $0xC000, v3;
	_ =	sdelay $0x4  }
0x178: {  	v15 =	vld.idx.msk [tilespmem:v14+s5+$0x0], $0xffff;
	_ =	sdelay $0x5  }
0x179: {  	v16 =	vsel vm0, $0x10000, v1;
	vm1 =	vlt.f32 v15, v13  }
0x17a: {  	v17 =	vor.u32 $0x1, v14;
	v15 =	vsel vm0, $0x8001, v2;
	v14 =	vsel vm1, v16, v14  }
0x17b: {  	v15 =	vsel vm1, v17, v15;
	v16 =	vadd.s32 $0xFFFFFFFF, v14  }
0x17c: {  	v17 =	vxor.u32 v16, v15  }
0x17d: {  	v16 =	vor.u32 v16, v15;
	v17 =	vshrl.u32 v17, $0x1  }
0x17e: {  	v16 =	vsub.s32 v16, v17;
	_ =	sdelay $0x4  }
0x17f: {  	v17 =	vld.idx.msk [tilespmem:v16+s5+$0x0], $0xffff;
	_ =	sdelay $0x5  }
0x180: {  	vm0 =	vlt.f32 v17, v13;
	v17 =	vor.u32 $0x1, v16  }
0x181: {  	v15 =	vsel vm0, v17, v15;
	v14 =	vsel vm0, v14, v16  }
0x182: {  	v16 =	vxor.u32 v15, v14  }
0x183: {  	v17 =	vand.u32 v15, v14;
	v16 =	vshrl.u32 v16, $0x1  }
0x184: {  	v16 =	vadd.s32 v16, v17;
	_ =	sdelay $0x4  }
0x185: {  	v17 =	vld.idx.msk [tilespmem:v16+s5+$0x0], $0xffff;
	_ =	sdelay $0x5  }
0x186: {  	vm0 =	vlt.f32 v17, v13;
	v17 =	vadd.s32 $0x1, v16  }
0x187: {  	v15 =	vsel vm0, v17, v15;
	v14 =	vsel vm0, v14, v16  }
0x188: {  	v16 =	vadd.s32 v15, v14  }
0x189: {  	v16 =	vshrl.u32 v16, $0x1;
	_ =	sdelay $0x4  }
0x18a: {  	v17 =	vld.idx.msk [tilespmem:v16+s5+$0x0], $0xffff;
	_ =	sdelay $0x5  }
0x18b: {  	vm0 =	vlt.f32 v17, v13;
	v17 =	vadd.s32 $0x1, v16  }
0x18c: {  	v15 =	vsel vm0, v17, v15;
	v14 =	vsel vm0, v14, v16  }
0x18d: {  	v16 =	vadd.s32 v15, v14  }
0x18e: {  	v16 =	vshrl.u32 v16, $0x1  }
0x18f: {  	v17 =	vadd.s32 $0x1, v16;
	_ =	sdelay $0x3  }
0x190: {  	v18 =	vld.idx.msk [tilespmem:v16+s5+$0x0], $0xffff;
	_ =	sdelay $0x5  }
0x191: {  	vm0 =	vlt.f32 v18, v13  }
0x192: {  	v15 =	vsel vm0, v17, v15;
	v14 =	vsel vm0, v14, v16  }
0x193: {  	v16 =	vadd.s32 v15, v14  }
0x194: {  	v16 =	vshrl.u32 v16, $0x1  }
0x195: {  	v17 =	vadd.s32 $0x1, v16;
	_ =	sdelay $0x3  }
0x196: {  	v18 =	vld.idx.msk [tilespmem:v16+s5+$0x0], $0xffff;
	_ =	sdelay $0x5  }
0x197: {  	vm0 =	vlt.f32 v18, v13  }
0x198: {  	v15 =	vsel vm0, v17, v15;
	v14 =	vsel vm0, v14, v16  }
0x199: {  	v16 =	vadd.s32 v15, v14  }
0x19a: {  	v16 =	vshrl.u32 v16, $0x1  }
0x19b: {  	v17 =	vadd.s32 $0x1, v16;
	_ =	sdelay $0x3  }
0x19c: {  	v18 =	vld.idx.msk [tilespmem:v16+s5+$0x0], $0xffff;
	_ =	sdelay $0x5  }
0x19d: {  	vm0 =	vlt.f32 v18, v13  }
0x19e: {  	v15 =	vsel vm0, v17, v15;
	v14 =	vsel vm0, v14, v16  }
0x19f: {  	v16 =	vadd.s32 v15, v14  }
0x1a0: {  	v16 =	vshrl.u32 v16, $0x1  }
0x1a1: {  	v17 =	vadd.s32 $0x1, v16;
	_ =	sdelay $0x3  }
0x1a2: {  	v18 =	vld.idx.msk [tilespmem:v16+s5+$0x0], $0xffff;
	_ =	sdelay $0x5  }
0x1a3: {  	vm0 =	vlt.f32 v18, v13  }
0x1a4: {  	v15 =	vsel vm0, v17, v15;
	v14 =	vsel vm0, v14, v16  }
0x1a5: {  	v16 =	vadd.s32 v15, v14  }
0x1a6: {  	v16 =	vshrl.u32 v16, $0x1  }
0x1a7: {  	v17 =	vadd.s32 $0x1, v16;
	_ =	sdelay $0x3  }
0x1a8: {  	v18 =	vld.idx.msk [tilespmem:v16+s5+$0x0], $0xffff;
	_ =	sdelay $0x5  }
0x1a9: {  	vm0 =	vlt.f32 v18, v13  }
0x1aa: {  	v15 =	vsel vm0, v17, v15;
	v14 =	vsel vm0, v14, v16  }
0x1ab: {  	v16 =	vadd.s32 v15, v14  }
0x1ac: {  	v16 =	vshrl.u32 v16, $0x1  }
0x1ad: {  	v17 =	vadd.s32 $0x1, v16;
	_ =	sdelay $0x3  }
0x1ae: {  	v18 =	vld.idx.msk [tilespmem:v16+s5+$0x0], $0xffff;
	_ =	sdelay $0x5  }
0x1af: {  	vm0 =	vlt.f32 v18, v13  }
0x1b0: {  	v15 =	vsel vm0, v17, v15;
	v16 =	vsel vm0, v14, v16  }
0x1b1: {  	v14 =	vadd.s32 v15, v16  }
0x1b2: {  	v17 =	vshrl.u32 v14, $0x1  }
0x1b3: {  	v14 =	vadd.s32 $0x1, v17;
	_ =	sdelay $0x3  }
0x1b4: {  	v18 =	vld.idx.msk [tilespmem:v17+s5+$0x0], $0xffff;
	_ =	sdelay $0x2  }
0x1b5: {  	s30 =	sadd.s32 s4, s7  }
.Ltmp0:
0x1b6: {  	v19 =	vadd.s32 s30, v5;
	(pc) =	sbr.rel @p0 .LBB2_2-.Ltmp0, $4  }
0x1b7: {  	v19 =	vadd.s32 v0, v19  }
0x1b8: {  	v20 =	vshrl.u32 v19, $0x13;
	vm0 =	vlt.f32 v18, v13  }
0x1b9: {  	v18 =	vshll.u32 v19, $0xD;
	v14 =	vsel vm0, v14, v15;
	v15 =	vsel vm0, v16, v17  }
0x1ba: {  	s7 =	sadd.s32 $0x10, s7;
	v16 =	vadd.s32 v6, v19;
	v17 =	vor.u32 v20, v18;
	v18 =	vadd.s32 v14, v15  }
0x1bb: {  	v17 =	vxor.u32 v17, v16  }
0x1bc: {  	v19 =	vshrl.u32 v17, $0x11;
	v20 =	vshll.u32 v17, $0xF  }
0x1bd: {  	v18 =	vshrl.u32 v18, $0x1;
	v16 =	vadd.s32 v16, v17;
	v55 =	vor.u32 v19, v20  }
0x1be: {  	v17 =	vxor.u32 v55, v16  }
0x1bf: {  	v56 =	vshrl.u32 v17, $0x6;
	v57 =	vshll.u32 v17, $0x1A  }
0x1c0: {  	v16 =	vadd.s32 v16, v17;
	v58 =	vor.u32 v56, v57  }
0x1c1: {  	v17 =	vxor.u32 v58, v16  }
0x1c2: {  	v59 =	vld.idx.msk [tilespmem:v18+s5+$0x0], $0xffff;
	v60 =	vshrl.u32 v17, $0x1A;
	v21 =	vshll.u32 v17, $0x6  }
0x1c3: {  	v16 =	vadd.s32 v16, v17;
	v61 =	vor.u32 v60, v21  }
0x1c4: {  	v17 =	vxor.u32 v61, v16  }
0x1c5: {  	v62 =	vadd.s32 $0x1, v18;
	v12 =	vadd.s32 v17, v12  }
0x1c6: {  	v16 =	vadd.s32 v5, v16;
	v17 =	vshrl.u32 v12, $0xF;
	v63 =	vshll.u32 v12, $0x11  }
0x1c7: {  	vm0 =	vlt.f32 v59, v13;
	v12 =	vadd.s32 v12, v16;
	v22 =	vor.u32 v17, v63  }
0x1c8: {  	v14 =	vsel vm0, v62, v14;
	v15 =	vsel vm0, v15, v18;
	v16 =	vxor.u32 v22, v12  }
0x1c9: {  	v23 =	vadd.s32 v14, v15;
	v24 =	vshrl.u32 v16, $0x3;
	v25 =	vshll.u32 v16, $0x1D  }
0x1ca: {  	v17 =	vshrl.u32 v23, $0x1;
	v12 =	vadd.s32 v12, v16;
	v26 =	vor.u32 v24, v25  }
0x1cb: {  	v16 =	vxor.u32 v26, v12  }
0x1cc: {  	v27 =	vshrl.u32 v16, $0x10;
	v28 =	vshll.u32 v16, $0x10  }
0x1cd: {  	v12 =	vadd.s32 v12, v16;
	v29 =	vor.u32 v27, v28  }
0x1ce: {  	v16 =	vxor.u32 v29, v12  }
0x1cf: {  	v30 =	vld.idx.msk [tilespmem:v17+s5+$0x0], $0xffff;
	v31 =	vshrl.u32 v16, $0x8;
	v32 =	vshll.u32 v16, $0x18  }
0x1d0: {  	v12 =	vadd.s32 v12, v16;
	v33 =	vor.u32 v31, v32  }
0x1d1: {  	v16 =	vxor.u32 v33, v12  }
0x1d2: {  	v34 =	vadd.s32 $0x1, v17;
	v11 =	vadd.s32 v16, v11  }
0x1d3: {  	v12 =	vadd.s32 v4, v12;
	v16 =	vshrl.u32 v11, $0x13;
	v35 =	vshll.u32 v11, $0xD  }
0x1d4: {  	vm8 =	vlt.f32 v30, v13;
	v11 =	vadd.s32 v11, v12;
	v36 =	vor.u32 v16, v35  }
0x1d5: {  	v14 =	vsel vm8, v34, v14;
	v15 =	vsel vm8, v15, v17;
	v12 =	vxor.u32 v36, v11  }
0x1d6: {  	v37 =	vadd.s32 v14, v15;
	v38 =	vshrl.u32 v12, $0x11;
	v39 =	vshll.u32 v12, $0xF  }
0x1d7: {  	v16 =	vshrl.u32 v37, $0x1;
	v11 =	vadd.s32 v11, v12;
	v40 =	vor.u32 v38, v39  }
0x1d8: {  	v12 =	vxor.u32 v40, v11  }
0x1d9: {  	v41 =	vshrl.u32 v12, $0x6;
	v42 =	vshll.u32 v12, $0x1A  }
0x1da: {  	v11 =	vadd.s32 v11, v12;
	v43 =	vor.u32 v41, v42  }
0x1db: {  	v12 =	vxor.u32 v43, v11  }
0x1dc: {  	v44 =	vld.idx.msk [tilespmem:v16+s5+$0x0], $0xffff;
	v45 =	vshrl.u32 v12, $0x1A;
	v46 =	vshll.u32 v12, $0x6  }
0x1dd: {  	v11 =	vadd.s32 v11, v12;
	v47 =	vor.u32 v45, v46  }
0x1de: {  	v12 =	vxor.u32 v47, v11  }
0x1df: {  	v48 =	vadd.s32 $0x1, v16;
	v10 =	vadd.s32 v12, v10  }
0x1e0: {  	v6 =	vadd.s32 v6, v11;
	v49 =	vshrl.u32 v10, $0xF;
	v12 =	vshll.u32 v10, $0x11  }
0x1e1: {  	vm9 =	vlt.f32 v44, v13;
	v6 =	vadd.s32 v10, v6;
	v50 =	vor.u32 v49, v12  }
0x1e2: {  	v51 =	vsel vm9, v48, v14;
	v52 =	vsel vm9, v15, v16;
	v10 =	vxor.u32 v50, v6  }
0x1e3: {  	v14 =	vadd.s32 v51, v52;
	v53 =	vshrl.u32 v10, $0x3;
	v54 =	vshll.u32 v10, $0x1D  }
0x1e4: {  	v14 =	vshrl.u32 v14, $0x1;
	v6 =	vadd.s32 v6, v10;
	v55 =	vor.u32 v53, v54  }
0x1e5: {  	v10 =	vxor.u32 v55, v6  }
0x1e6: {  	v56 =	vshrl.u32 v10, $0x10;
	v57 =	vshll.u32 v10, $0x10  }
0x1e7: {  	v6 =	vadd.s32 v6, v10;
	v58 =	vor.u32 v56, v57  }
0x1e8: {  	v10 =	vxor.u32 v58, v6  }
0x1e9: {  	v59 =	vld.idx.msk [tilespmem:v14+s5+$0x0], $0xffff;
	v60 =	vshrl.u32 v10, $0x8;
	v61 =	vshll.u32 v10, $0x18  }
0x1ea: {  	v6 =	vadd.s32 v6, v10;
	v62 =	vor.u32 v60, v61  }
0x1eb: {  	v10 =	vxor.u32 v62, v6  }
0x1ec: {  	v63 =	vadd.s32 $0x1, v14;
	v9 =	vadd.s32 v10, v9  }
0x1ed: {  	v5 =	vadd.s32 v5, v6;
	v20 =	vshrl.u32 v9, $0x13;
	v10 =	vshll.u32 v9, $0xD  }
0x1ee: {  	vm10 =	vlt.f32 v59, v13;
	v5 =	vadd.s32 v9, v5;
	v6 =	vor.u32 v20, v10  }
0x1ef: {  	v21 =	vsel vm10, v63, v51;
	v22 =	vsel vm10, v52, v14;
	v6 =	vxor.u32 v6, v5  }
0x1f0: {  	v10 =	vadd.s32 v21, v22;
	v23 =	vshrl.u32 v6, $0x11;
	v24 =	vshll.u32 v6, $0xF  }
0x1f1: {  	v10 =	vshrl.u32 v10, $0x1;
	v5 =	vadd.s32 v5, v6;
	v25 =	vor.u32 v23, v24  }
0x1f2: {  	v6 =	vxor.u32 v25, v5  }
0x1f3: {  	v26 =	vshrl.u32 v6, $0x6;
	v27 =	vshll.u32 v6, $0x1A  }
0x1f4: {  	v5 =	vadd.s32 v5, v6;
	v28 =	vor.u32 v26, v27  }
0x1f5: {  	v6 =	vxor.u32 v28, v5  }
0x1f6: {  	v29 =	vld.idx.msk [tilespmem:v10+s5+$0x0], $0xffff;
	v30 =	vshrl.u32 v6, $0x1A;
	v31 =	vshll.u32 v6, $0x6  }
0x1f7: {  	v5 =	vadd.s32 v5, v6;
	v32 =	vor.u32 v30, v31  }
0x1f8: {  	v6 =	vxor.u32 v32, v5  }
0x1f9: {  	v4 =	vadd.s32 v4, v5;
	v5 =	vadd.s32 v6, v8  }
0x1fa: {  	v4 =	vxor.u32 v4, v5  }
0x1fb: {  	vm11 =	vlt.f32 v29, v13;
	v5 =	vadd.s32 $0x1, v10;
	v4 =	vshrl.u32 v4, $0x9  }
0x1fc: {  	s6 =	sadd.s32 $0x10, s6;
	v5 =	vsel vm11, v5, v21;
	v4 =	vor.u32 $0x3F800000, v4  }
0x1fd: {  	[tilespmem:s6+$0x0] =	vst v5;
	v4 =	vadd.f32 $-1.000000000e+00, v4  }
0x1fe: {  	v5 =	vld.idx.msk [tilespmem:v1+s5+$0x0], $0xffff  }
0x1ff: {  	v4 =	vsub.f32 $1.000000000e+00, v4;
	_ =	sdelay $0x1  }
0x200: {  	v4 =	vmul.f32 v4, v7;
	_ =	sdelay $0x1  }
0x201: {  	vm12 =	vlt.f32 v5, v4  }
0x202: {  	v5 =	vsel vm12, $0xC000, v3;
	_ =	sdelay $0x4  }
0x203: {  	v33 =	vld.idx.msk [tilespmem:v5+s5+$0x0], $0xffff;
	_ =	sdelay $0x4  }
0x204: {  	v34 =	vsel vm12, $0x10000, v1;
	vm1 =	vlt.f32 v33, v4  }
0x205: {  	v35 =	vsel vm12, $0x8001, v2;
	v36 =	vor.u32 $0x1, v5;
	v5 =	vsel vm1, v34, v5  }
0x206: {  	v6 =	vsel vm1, v36, v35;
	v7 =	vadd.s32 $0xFFFFFFFF, v5  }
0x207: {  	v8 =	vxor.u32 v7, v6  }
0x208: {  	v7 =	vor.u32 v7, v6;
	v8 =	vshrl.u32 v8, $0x1  }
0x209: {  	v7 =	vsub.s32 v7, v8;
	_ =	sdelay $0x4  }
0x20a: {  	v8 =	vld.idx.msk [tilespmem:v7+s5+$0x0], $0xffff;
	_ =	sdelay $0x4  }
0x20b: {  	v37 =	vor.u32 $0x1, v7;
	vm13 =	vlt.f32 v8, v4  }
0x20c: {  	v6 =	vsel vm13, v37, v6;
	v5 =	vsel vm13, v5, v7  }
0x20d: {  	v7 =	vxor.u32 v6, v5  }
0x20e: {  	v8 =	vand.u32 v6, v5;
	v7 =	vshrl.u32 v7, $0x1  }
0x20f: {  	v7 =	vadd.s32 v7, v8;
	_ =	sdelay $0x4  }
0x210: {  	v8 =	vld.idx.msk [tilespmem:v7+s5+$0x0], $0xffff;
	_ =	sdelay $0x4  }
0x211: {  	v38 =	vadd.s32 $0x1, v7;
	vm14 =	vlt.f32 v8, v4  }
0x212: {  	v6 =	vsel vm14, v38, v6;
	v5 =	vsel vm14, v5, v7  }
0x213: {  	v7 =	vadd.s32 v6, v5  }
0x214: {  	v7 =	vshrl.u32 v7, $0x1;
	_ =	sdelay $0x4  }
0x215: {  	v39 =	vld.idx.msk [tilespmem:v7+s5+$0x0], $0xffff;
	_ =	sdelay $0x4  }
0x216: {  	v40 =	vadd.s32 $0x1, v7;
	vm15 =	vlt.f32 v39, v4  }
0x217: {  	v6 =	vsel vm15, v40, v6;
	v5 =	vsel vm15, v5, v7  }
0x218: {  	v7 =	vadd.s32 v6, v5  }
0x219: {  	v7 =	vshrl.u32 v7, $0x1;
	_ =	sdelay $0x4  }
0x21a: {  	v41 =	vld.idx.msk [tilespmem:v7+s5+$0x0], $0xffff;
	_ =	sdelay $0x4  }
0x21b: {  	v42 =	vadd.s32 $0x1, v7;
	vm4 =	vlt.f32 v41, v4  }
0x21c: {  	v6 =	vsel vm4, v42, v6;
	v5 =	vsel vm4, v5, v7  }
0x21d: {  	v7 =	vadd.s32 v6, v5  }
0x21e: {  	v7 =	vshrl.u32 v7, $0x1;
	_ =	sdelay $0x4  }
0x21f: {  	v43 =	vld.idx.msk [tilespmem:v7+s5+$0x0], $0xffff;
	_ =	sdelay $0x4  }
0x220: {  	v44 =	vadd.s32 $0x1, v7;
	vm5 =	vlt.f32 v43, v4  }
0x221: {  	v6 =	vsel vm5, v44, v6;
	v5 =	vsel vm5, v5, v7  }
0x222: {  	v7 =	vadd.s32 v6, v5  }
0x223: {  	v7 =	vshrl.u32 v7, $0x1;
	_ =	sdelay $0x4  }
0x224: {  	v45 =	vld.idx.msk [tilespmem:v7+s5+$0x0], $0xffff;
	_ =	sdelay $0x4  }
0x225: {  	v46 =	vadd.s32 $0x1, v7;
	vm6 =	vlt.f32 v45, v4  }
0x226: {  	v6 =	vsel vm6, v46, v6;
	v5 =	vsel vm6, v5, v7  }
0x227: {  	v7 =	vadd.s32 v6, v5  }
0x228: {  	v7 =	vshrl.u32 v7, $0x1;
	_ =	sdelay $0x4  }
0x229: {  	v47 =	vld.idx.msk [tilespmem:v7+s5+$0x0], $0xffff;
	_ =	sdelay $0x4  }
0x22a: {  	v48 =	vadd.s32 $0x1, v7;
	vm7 =	vlt.f32 v47, v4  }
0x22b: {  	v6 =	vsel vm7, v48, v6;
	v5 =	vsel vm7, v5, v7  }
0x22c: {  	v7 =	vadd.s32 v6, v5  }
0x22d: {  	v7 =	vshrl.u32 v7, $0x1;
	_ =	sdelay $0x4  }
0x22e: {  	v49 =	vld.idx.msk [tilespmem:v7+s5+$0x0], $0xffff;
	_ =	sdelay $0x4  }
0x22f: {  	v50 =	vadd.s32 $0x1, v7;
	vm8 =	vlt.f32 v49, v4  }
0x230: {  	v6 =	vsel vm8, v50, v6;
	v5 =	vsel vm8, v5, v7  }
0x231: {  	v7 =	vadd.s32 v6, v5  }
0x232: {  	v7 =	vshrl.u32 v7, $0x1;
	_ =	sdelay $0x4  }
0x233: {  	v51 =	vld.idx.msk [tilespmem:v7+s5+$0x0], $0xffff;
	_ =	sdelay $0x4  }
0x234: {  	v52 =	vadd.s32 $0x1, v7;
	vm9 =	vlt.f32 v51, v4  }
0x235: {  	v6 =	vsel vm9, v52, v6;
	v5 =	vsel vm9, v5, v7  }
0x236: {  	v7 =	vadd.s32 v6, v5  }
0x237: {  	v7 =	vshrl.u32 v7, $0x1;
	_ =	sdelay $0x4  }
0x238: {  	v53 =	vld.idx.msk [tilespmem:v7+s5+$0x0], $0xffff;
	_ =	sdelay $0x4  }
0x239: {  	v54 =	vadd.s32 $0x1, v7;
	vm10 =	vlt.f32 v53, v4  }
0x23a: {  	v6 =	vsel vm10, v54, v6;
	v5 =	vsel vm10, v5, v7  }
0x23b: {  	v7 =	vadd.s32 v6, v5  }
0x23c: {  	v7 =	vshrl.u32 v7, $0x1;
	_ =	sdelay $0x4  }
0x23d: {  	v55 =	vld.idx.msk [tilespmem:v7+s5+$0x0], $0xffff;
	_ =	sdelay $0x4  }
0x23e: {  	v56 =	vadd.s32 $0x1, v7;
	vm11 =	vlt.f32 v55, v4  }
0x23f: {  	v6 =	vsel vm11, v56, v6;
	v5 =	vsel vm11, v5, v7  }
0x240: {  	v7 =	vadd.s32 v6, v5  }
0x241: {  	v7 =	vshrl.u32 v7, $0x1;
	_ =	sdelay $0x4  }
0x242: {  	v57 =	vld.idx.msk [tilespmem:v7+s5+$0x0], $0xffff;
	_ =	sdelay $0x4  }
0x243: {  	v58 =	vadd.s32 $0x1, v7;
	vm12 =	vlt.f32 v57, v4  }
0x244: {  	v6 =	vsel vm12, v58, v6;
	v5 =	vsel vm12, v5, v7  }
0x245: {  	v7 =	vadd.s32 v6, v5  }
0x246: {  	v7 =	vshrl.u32 v7, $0x1;
	_ =	sdelay $0x4  }
0x247: {  	v59 =	vld.idx.msk [tilespmem:v7+s5+$0x0], $0xffff;
	_ =	sdelay $0x4  }
0x248: {  	v60 =	vadd.s32 $0x1, v7;
	vm13 =	vlt.f32 v59, v4  }
0x249: {  	v6 =	vsel vm13, v60, v6;
	v5 =	vsel vm13, v5, v7  }
0x24a: {  	v7 =	vadd.s32 v6, v5  }
0x24b: {  	v7 =	vshrl.u32 v7, $0x1;
	_ =	sdelay $0x4  }
0x24c: {  	v61 =	vld.idx.msk [tilespmem:v7+s5+$0x0], $0xffff;
	_ =	sdelay $0x4  }
0x24d: {  	v62 =	vadd.s32 $0x1, v7;
	vm14 =	vlt.f32 v61, v4  }
0x24e: {  	v6 =	vsel vm14, v62, v6;
	v5 =	vsel vm14, v5, v7  }
0x24f: {  	v5 =	vadd.s32 v6, v5  }
0x250: {  	v5 =	vshrl.u32 v5, $0x1;
	_ =	sdelay $0x4  }
0x251: {  	v63 =	vld.idx.msk [tilespmem:v5+s5+$0x0], $0xffff;
	_ =	sdelay $0x4  }
0x252: {  	v5 =	vadd.s32 $0x1, v5;
	vm15 =	vlt.f32 v63, v4  }
0x253: {  	s6 =	sadd.s32 $0x10, s6;
	v4 =	vsel vm15, v5, v6  }
0x254: {  	s30 =	simm.s32 $0x10000;
	[tilespmem:s6+$0x0] =	vst v4  }
0x255: {  	[tilespmem:s31], [sflag:$0x1] =	stream.indirect.gather [hbm4b:s3+s29], $0x40, s30, s29, $0xb8;
	[tilespmem:$0x14830] =	vst v63  }
0x256: {  	_ =	swait.ge [sflag:s2], $0x2000  }
0x257: {  	[sflag:s2] =	ssyncset.done $0x0  }
0x258: {  	s7 =	simm.s32 $0x10080;
	[sflag:s2] =	ssyncadd.s32 $0xFFFFE000  }
0x259: {  	[tilespmem:s1], [sflag:$0x1] =	stream.indirect.gather [hbm4b:s3+s29], $0x40, s7, s29, $0xb8;
	[tilespmem:$0x14830] =	vst v63  }
0x25a: {  	_ = 	snop  }
0x25b: {  	[hbm4b:s8+s26] =	stream.strided.scatter [tilespmem:s31], [sflag:$0x2], $0x2000, s29, s26, $0x38;
	[tilespmem:$0x14830] =	vst v63  }
0x25c: {  	_ =	swait.ge [sflag:s2], $0x2000  }
0x25d: {  	[sflag:s2] =	ssyncset.done $0x0  }
0x25e: {  	[sflag:s2] =	ssyncadd.s32 $0xFFFFE000  }
0x25f: {  	_ =	swait.ge [sflag:s28], $0x2000  }
0x260: {  	[sflag:s28] =	ssyncset.done $0x0  }
0x261: {  	s7 =	simm.s32 $0x10100;
	[sflag:s28] =	ssyncadd.s32 $0xFFFFE000  }
0x262: {  	[tilespmem:s31], [sflag:$0x1] =	stream.indirect.gather [hbm4b:s3+s29], $0x40, s7, s29, $0xb8;
	[tilespmem:$0x14830] =	vst v63  }
0x263: {  	_ = 	snop  }
0x264: {  	[hbm4b:s9+s26] =	stream.strided.scatter [tilespmem:s1], [sflag:$0x2], $0x2000, s29, s26, $0x38;
	[tilespmem:$0x14830] =	vst v63  }
0x265: {  	_ =	swait.ge [sflag:s2], $0x2000  }
0x266: {  	[sflag:s2] =	ssyncset.done $0x0  }
0x267: {  	[sflag:s2] =	ssyncadd.s32 $0xFFFFE000  }
0x268: {  	_ =	swait.ge [sflag:s28], $0x2000  }
0x269: {  	[sflag:s28] =	ssyncset.done $0x0  }
0x26a: {  	s7 =	simm.s32 $0x10180;
	[sflag:s28] =	ssyncadd.s32 $0xFFFFE000  }
0x26b: {  	[tilespmem:s1], [sflag:$0x1] =	stream.indirect.gather [hbm4b:s3+s29], $0x40, s7, s29, $0xb8;
	[tilespmem:$0x14830] =	vst v63  }
0x26c: {  	_ = 	snop  }
0x26d: {  	[hbm4b:s10+s26] =	stream.strided.scatter [tilespmem:s31], [sflag:$0x2], $0x2000, s29, s26, $0x38;
	[tilespmem:$0x14830] =	vst v63  }
0x26e: {  	_ =	swait.ge [sflag:s2], $0x2000  }
0x26f: {  	[sflag:s2] =	ssyncset.done $0x0  }
0x270: {  	[sflag:s2] =	ssyncadd.s32 $0xFFFFE000  }
0x271: {  	_ =	swait.ge [sflag:s28], $0x2000  }
0x272: {  	[sflag:s28] =	ssyncset.done $0x0  }
0x273: {  	s7 =	simm.s32 $0x10200;
	[sflag:s28] =	ssyncadd.s32 $0xFFFFE000  }
0x274: {  	[tilespmem:s31], [sflag:$0x1] =	stream.indirect.gather [hbm4b:s3+s29], $0x40, s7, s29, $0xb8;
	[tilespmem:$0x14830] =	vst v63  }
0x275: {  	_ = 	snop  }
0x276: {  	[hbm4b:s11+s26] =	stream.strided.scatter [tilespmem:s1], [sflag:$0x2], $0x2000, s29, s26, $0x38;
	[tilespmem:$0x14830] =	vst v63  }
0x277: {  	_ =	swait.ge [sflag:s2], $0x2000  }
0x278: {  	[sflag:s2] =	ssyncset.done $0x0  }
0x279: {  	[sflag:s2] =	ssyncadd.s32 $0xFFFFE000  }
0x27a: {  	_ =	swait.ge [sflag:s28], $0x2000  }
0x27b: {  	[sflag:s28] =	ssyncset.done $0x0  }
0x27c: {  	s7 =	simm.s32 $0x10280;
	[sflag:s28] =	ssyncadd.s32 $0xFFFFE000  }
0x27d: {  	[tilespmem:s1], [sflag:$0x1] =	stream.indirect.gather [hbm4b:s3+s29], $0x40, s7, s29, $0xb8;
	[tilespmem:$0x14830] =	vst v63  }
0x27e: {  	_ = 	snop  }
0x27f: {  	[hbm4b:s12+s26] =	stream.strided.scatter [tilespmem:s31], [sflag:$0x2], $0x2000, s29, s26, $0x38;
	[tilespmem:$0x14830] =	vst v63  }
0x280: {  	_ =	swait.ge [sflag:s2], $0x2000  }
0x281: {  	[sflag:s2] =	ssyncset.done $0x0  }
0x282: {  	[sflag:s2] =	ssyncadd.s32 $0xFFFFE000  }
0x283: {  	_ =	swait.ge [sflag:s28], $0x2000  }
0x284: {  	[sflag:s28] =	ssyncset.done $0x0  }
0x285: {  	s7 =	simm.s32 $0x10300;
	[sflag:s28] =	ssyncadd.s32 $0xFFFFE000  }
0x286: {  	[tilespmem:s31], [sflag:$0x1] =	stream.indirect.gather [hbm4b:s3+s29], $0x40, s7, s29, $0xb8;
	[tilespmem:$0x14830] =	vst v63  }
0x287: {  	_ = 	snop  }
0x288: {  	[hbm4b:s13+s26] =	stream.strided.scatter [tilespmem:s1], [sflag:$0x2], $0x2000, s29, s26, $0x38;
	[tilespmem:$0x14830] =	vst v63  }
0x289: {  	_ =	swait.ge [sflag:s2], $0x2000  }
0x28a: {  	[sflag:s2] =	ssyncset.done $0x0  }
0x28b: {  	[sflag:s2] =	ssyncadd.s32 $0xFFFFE000  }
0x28c: {  	_ =	swait.ge [sflag:s28], $0x2000  }
0x28d: {  	[sflag:s28] =	ssyncset.done $0x0  }
0x28e: {  	s7 =	simm.s32 $0x10380;
	[sflag:s28] =	ssyncadd.s32 $0xFFFFE000  }
0x28f: {  	[tilespmem:s1], [sflag:$0x1] =	stream.indirect.gather [hbm4b:s3+s29], $0x40, s7, s29, $0xb8;
	[tilespmem:$0x14830] =	vst v63  }
0x290: {  	_ = 	snop  }
0x291: {  	[hbm4b:s14+s26] =	stream.strided.scatter [tilespmem:s31], [sflag:$0x2], $0x2000, s29, s26, $0x38;
	[tilespmem:$0x14830] =	vst v63  }
0x292: {  	_ =	swait.ge [sflag:s2], $0x2000  }
0x293: {  	[sflag:s2] =	ssyncset.done $0x0  }
0x294: {  	[sflag:s2] =	ssyncadd.s32 $0xFFFFE000  }
0x295: {  	_ =	swait.ge [sflag:s28], $0x2000  }
0x296: {  	[sflag:s28] =	ssyncset.done $0x0  }
0x297: {  	s7 =	simm.s32 $0x10400;
	[sflag:s28] =	ssyncadd.s32 $0xFFFFE000  }
0x298: {  	[tilespmem:s31], [sflag:$0x1] =	stream.indirect.gather [hbm4b:s3+s29], $0x40, s7, s29, $0xb8;
	[tilespmem:$0x14830] =	vst v63  }
0x299: {  	_ = 	snop  }
0x29a: {  	[hbm4b:s15+s26] =	stream.strided.scatter [tilespmem:s1], [sflag:$0x2], $0x2000, s29, s26, $0x38;
	[tilespmem:$0x14830] =	vst v63  }
0x29b: {  	_ =	swait.ge [sflag:s2], $0x2000  }
0x29c: {  	[sflag:s2] =	ssyncset.done $0x0  }
0x29d: {  	[sflag:s2] =	ssyncadd.s32 $0xFFFFE000  }
0x29e: {  	_ =	swait.ge [sflag:s28], $0x2000  }
0x29f: {  	[sflag:s28] =	ssyncset.done $0x0  }
0x2a0: {  	s7 =	simm.s32 $0x10480;
	[sflag:s28] =	ssyncadd.s32 $0xFFFFE000  }
0x2a1: {  	[tilespmem:s1], [sflag:$0x1] =	stream.indirect.gather [hbm4b:s3+s29], $0x40, s7, s29, $0xb8;
	[tilespmem:$0x14830] =	vst v63  }
0x2a2: {  	_ = 	snop  }
0x2a3: {  	[hbm4b:s16+s26] =	stream.strided.scatter [tilespmem:s31], [sflag:$0x2], $0x2000, s29, s26, $0x38;
	[tilespmem:$0x14830] =	vst v63  }
0x2a4: {  	_ =	swait.ge [sflag:s2], $0x2000  }
0x2a5: {  	[sflag:s2] =	ssyncset.done $0x0  }
0x2a6: {  	[sflag:s2] =	ssyncadd.s32 $0xFFFFE000  }
0x2a7: {  	_ =	swait.ge [sflag:s28], $0x2000  }
0x2a8: {  	[sflag:s28] =	ssyncset.done $0x0  }
0x2a9: {  	s7 =	simm.s32 $0x10500;
	[sflag:s28] =	ssyncadd.s32 $0xFFFFE000  }
0x2aa: {  	[tilespmem:s31], [sflag:$0x1] =	stream.indirect.gather [hbm4b:s3+s29], $0x40, s7, s29, $0xb8;
	[tilespmem:$0x14830] =	vst v63  }
0x2ab: {  	_ = 	snop  }
0x2ac: {  	[hbm4b:s17+s26] =	stream.strided.scatter [tilespmem:s1], [sflag:$0x2], $0x2000, s29, s26, $0x38;
	[tilespmem:$0x14830] =	vst v63  }
0x2ad: {  	_ =	swait.ge [sflag:s2], $0x2000  }
0x2ae: {  	[sflag:s2] =	ssyncset.done $0x0  }
0x2af: {  	[sflag:s2] =	ssyncadd.s32 $0xFFFFE000  }
0x2b0: {  	_ =	swait.ge [sflag:s28], $0x2000  }
0x2b1: {  	[sflag:s28] =	ssyncset.done $0x0  }
0x2b2: {  	s7 =	simm.s32 $0x10580;
	[sflag:s28] =	ssyncadd.s32 $0xFFFFE000  }
0x2b3: {  	[tilespmem:s1], [sflag:$0x1] =	stream.indirect.gather [hbm4b:s3+s29], $0x40, s7, s29, $0xb8;
	[tilespmem:$0x14830] =	vst v63  }
0x2b4: {  	_ = 	snop  }
0x2b5: {  	[hbm4b:s18+s26] =	stream.strided.scatter [tilespmem:s31], [sflag:$0x2], $0x2000, s29, s26, $0x38;
	[tilespmem:$0x14830] =	vst v63  }
0x2b6: {  	_ =	swait.ge [sflag:s2], $0x2000  }
0x2b7: {  	[sflag:s2] =	ssyncset.done $0x0  }
0x2b8: {  	[sflag:s2] =	ssyncadd.s32 $0xFFFFE000  }
0x2b9: {  	_ =	swait.ge [sflag:s28], $0x2000  }
0x2ba: {  	[sflag:s28] =	ssyncset.done $0x0  }
0x2bb: {  	s7 =	simm.s32 $0x10600;
	[sflag:s28] =	ssyncadd.s32 $0xFFFFE000  }
0x2bc: {  	[tilespmem:s31], [sflag:$0x1] =	stream.indirect.gather [hbm4b:s3+s29], $0x40, s7, s29, $0xb8;
	[tilespmem:$0x14830] =	vst v63  }
0x2bd: {  	_ = 	snop  }
0x2be: {  	[hbm4b:s19+s26] =	stream.strided.scatter [tilespmem:s1], [sflag:$0x2], $0x2000, s29, s26, $0x38;
	[tilespmem:$0x14830] =	vst v63  }
0x2bf: {  	_ =	swait.ge [sflag:s2], $0x2000  }
0x2c0: {  	[sflag:s2] =	ssyncset.done $0x0  }
0x2c1: {  	[sflag:s2] =	ssyncadd.s32 $0xFFFFE000  }
0x2c2: {  	_ =	swait.ge [sflag:s28], $0x2000  }
0x2c3: {  	[sflag:s28] =	ssyncset.done $0x0  }
0x2c4: {  	s7 =	simm.s32 $0x10680;
	[sflag:s28] =	ssyncadd.s32 $0xFFFFE000  }
0x2c5: {  	[tilespmem:s1], [sflag:$0x1] =	stream.indirect.gather [hbm4b:s3+s29], $0x40, s7, s29, $0xb8;
	[tilespmem:$0x14830] =	vst v63  }
0x2c6: {  	_ = 	snop  }
0x2c7: {  	[hbm4b:s20+s26] =	stream.strided.scatter [tilespmem:s31], [sflag:$0x2], $0x2000, s29, s26, $0x38;
	[tilespmem:$0x14830] =	vst v63  }
0x2c8: {  	_ =	swait.ge [sflag:s2], $0x2000  }
0x2c9: {  	[sflag:s2] =	ssyncset.done $0x0  }
0x2ca: {  	[sflag:s2] =	ssyncadd.s32 $0xFFFFE000  }
0x2cb: {  	_ =	swait.ge [sflag:s28], $0x2000  }
0x2cc: {  	[sflag:s28] =	ssyncset.done $0x0  }
0x2cd: {  	s7 =	simm.s32 $0x10700;
	[sflag:s28] =	ssyncadd.s32 $0xFFFFE000  }
0x2ce: {  	[tilespmem:s31], [sflag:$0x1] =	stream.indirect.gather [hbm4b:s3+s29], $0x40, s7, s29, $0xb8;
	[tilespmem:$0x14830] =	vst v63  }
0x2cf: {  	_ = 	snop  }
0x2d0: {  	[hbm4b:s21+s26] =	stream.strided.scatter [tilespmem:s1], [sflag:$0x2], $0x2000, s29, s26, $0x38;
	[tilespmem:$0x14830] =	vst v63  }
0x2d1: {  	_ =	swait.ge [sflag:s2], $0x2000  }
0x2d2: {  	[sflag:s2] =	ssyncset.done $0x0  }
0x2d3: {  	[sflag:s2] =	ssyncadd.s32 $0xFFFFE000  }
0x2d4: {  	_ =	swait.ge [sflag:s28], $0x2000  }
0x2d5: {  	[sflag:s28] =	ssyncset.done $0x0  }
0x2d6: {  	s7 =	simm.s32 $0x10780;
	[sflag:s28] =	ssyncadd.s32 $0xFFFFE000  }
0x2d7: {  	[tilespmem:s1], [sflag:$0x1] =	stream.indirect.gather [hbm4b:s3+s29], $0x40, s7, s29, $0xb8;
	[tilespmem:$0x14830] =	vst v63  }
0x2d8: {  	_ = 	snop  }
0x2d9: {  	[hbm4b:s22+s26] =	stream.strided.scatter [tilespmem:s31], [sflag:$0x2], $0x2000, s29, s26, $0x38;
	[tilespmem:$0x14830] =	vst v63  }
0x2da: {  	_ =	swait.ge [sflag:s2], $0x2000  }
0x2db: {  	[sflag:s2] =	ssyncset.done $0x0  }
0x2dc: {  	s0 =	sadd.s32 $0x1, s0;
	[sflag:s2] =	ssyncadd.s32 $0xFFFFE000  }
0x2dd: {  	[hbm4b:s23+s26] =	stream.strided.scatter [tilespmem:s1], [sflag:$0x2], $0x2000, s29, s26, $0x38;
	[tilespmem:$0x14830] =	vst v63  }
0x2de: {  	p0 =	sne.s32 s0, s24;
	_ =	swait.ge [sflag:s28], $0x2000  }
.Ltmp1:
0x2df: {  	[sflag:s28] =	ssyncset.done $0x0;
	(pc) =	sbr.rel @p0 .LBB2_1-.Ltmp1, $4  }
0x2e0: {  	[sflag:s28] =	ssyncadd.s32 $0xFFFFE000  }
0x2e1: {  	_ =	swait.ge [sflag:s28], $0x2000  }
0x2e2: {  	[sflag:s28] =	ssyncset.done $0x0  }
0x2e3: {  	[sflag:s28] =	ssyncadd.s32 $0xFFFFE000  }
0x2e4: {  	_ =	sfence.sel $0x180000  }
0x2e5: {  	[bflag:$0x0] =	sbarrier.arrive $0xFFFF  }
0x2e6: {  	_ =	strace $0x90000047  }
0x2e7: {  	s0 =	stileid.u32;
	[bflag:$0x2] =	sbarrier.arrive $0xFFFF  }
0x2e8: {  	p0 =	sne.s32 s0, $0x0;
	s0 =	rddreg [dreg:$0x3]  }
0x2e9: {  	s0 =	sadd.s32 @!p0 $0x100000, s0  }
0x2ea: {  	[sflag:s0] =	ssyncadd.tile.s32 @!p0 $0x1;
	_ =	shalt  }
.Lfunc_end2:
_tile_overlayer_lowered:
.L_overlay_start_2:
0x2eb: {  	(tag) =	ssettag $0x2  }
0x2ec: {  	s0 =	rddreg [dreg:$0x0];
	s2 =	stileid.u32  }
0x2ed: {  	s1 =	rddreg [dreg:$0x1];
	p0 =	sne.s32 s2, $0x0  }
0x2ee: {  	s3 =	rddreg [dreg:$0x2];
	[bflag:$0x3] =	sbarrier.arrive $0xFFFF;
	s2 =	simm.s32 @!p0 $0x1C03  }
0x2ef: {  	[timem:s3], [sflag:s2] =	dma.local @!p0 [hbm:s0], s1  }
0x2f0: {  	s0 =	simm.s32 @!p0 $0x3  }
0x2f1: {  	_ =	swait.ge @!p0 [sflag:s0], s1  }
0x2f2: {  	s1 =	ssub.s32 @!p0 $0x0, s1;
	[sflag:s0] =	ssyncset.done @!p0 $0x0  }
0x2f3: {  	[sflag:s0] =	ssyncadd.s32 @!p0 s1  }
0x2f4: {  	[bflag:$0x3] =	sbarrier.arrive $0xFFFF  }
0x2f5: {  	_ =	shalt  }

</sc_bundles>
